<compile_context>
chip_gen: v7x
topology: tpu7x:2x2x1
jax: 0.10.2.dev20260603
libtpu: 0.0.44.dev20260713+nightly
codegen_flags: <defaults>
</compile_context>

<pallas_src>
import functools
import jax
import jax.numpy as jnp
from jax import lax
from jax.experimental import pallas as pl
from jax.experimental.pallas import tpu as pltpu
from jax.experimental.pallas import tpu_sc as plsc

_B, _T = 16, 4096
_NW = 32
_CHUNK = (_B * _T) // _NW


def _sc_pos_count(lab_hbm, lenw_hbm, out_hbm, lab_v, len_v, acc_v):
    wid = lax.axis_index("s") * 2 + lax.axis_index("c")
    base = wid * _CHUNK
    pltpu.sync_copy(lab_hbm.at[pl.ds(base, _CHUNK)], lab_v)
    pltpu.sync_copy(lenw_hbm.at[wid], len_v)

    iota16 = lax.iota(jnp.int32, 16)
    col_base = (wid % 2) * _CHUNK
    row_len = len_v[...]

    acc = jnp.zeros((16,), jnp.int32)
    for j in range(_CHUNK // 16):
        lab = lab_v[pl.ds(j * 16, 16)]
        col = col_base + j * 16 + iota16
        m = (lab == 1) & (col < row_len)
        acc = acc + jnp.where(m, 1, 0)
    acc_v[...] = acc
    pltpu.sync_copy(acc_v, out_hbm.at[wid])


_sc_count = functools.partial(
    pl.kernel,
    mesh=plsc.VectorSubcoreMesh(core_axis_name="c", subcore_axis_name="s"),
    out_type=jax.ShapeDtypeStruct((_NW, 16), jnp.int32),
    scratch_types=[
        pltpu.VMEM((_CHUNK,), jnp.int32),
        pltpu.VMEM((16,), jnp.int32),
        pltpu.VMEM((16,), jnp.int32),
    ],
)(_sc_pos_count)


def _loss_kernel(a_ref, b_ref, lcls_ref, bnd_ref, lbnd_ref, lenc_ref,
                 lenb_ref, pc_ref, total_ref, spoof_ref, bdry_ref):
    col = jax.lax.broadcasted_iota(jnp.int32, (_B, _T), 1)

    a = a_ref[...]
    b = b_ref[...]
    m = jnp.maximum(a, b)
    lse = m + jnp.log(jnp.exp(a - m) + jnp.exp(b - m))
    sel = jnp.where(lcls_ref[...] == 0, a, b)
    ce = lse - sel
    cmask = (col < lenc_ref[...]).astype(jnp.float32)
    spoof = jnp.sum(ce * cmask) / (jnp.sum(cmask) + 1e-8)

    pred = bnd_ref[...]
    tgt = lbnd_ref[...].astype(jnp.float32)
    bmask = (col < lenb_ref[...]).astype(jnp.float32)
    selp = jnp.where(tgt == 1.0, pred, 1.0 - pred)
    loss = jnp.minimum(-jnp.log(selp), 100.0) * bmask
    tgt_m = tgt * bmask
    pos = (tgt_m == 1.0).astype(jnp.float32)
    pos_count = jnp.sum(pc_ref[...]).astype(jnp.float32)
    neg_count_all = jnp.float32(_B * _T) - pos_count
    k = jnp.minimum(neg_count_all, jnp.floor(pos_count * 5.0))
    pos_loss = jnp.sum(loss * pos)
    neg_vals = loss * (1.0 - pos)

    vbits = jax.lax.bitcast_convert_type(neg_vals, jnp.int32)
    k_i = k.astype(jnp.int32)

    def radix_round(lo, s, njs):
        t = jnp.int32(0)
        for j in range(1, njs + 1):
            mm = lo + (j << s)
            c = jnp.sum((vbits >= mm).astype(jnp.int32))
            t = t + (c >= k_i).astype(jnp.int32)
        return lo + t * (1 << s)

    lo = jnp.int32(0)
    for s in (29, 27, 25, 23, 21, 19, 17, 15, 13, 11, 9, 7, 5, 3, 1):
        lo = radix_round(lo, s, 3)
    lo = radix_round(lo, 0, 1)

    t = jax.lax.bitcast_convert_type(lo, jnp.float32)
    gt = vbits > lo
    cnt_gt = jnp.sum(gt.astype(jnp.float32))
    sum_gt = jnp.sum(jnp.where(gt, neg_vals, 0.0))
    neg_loss = jnp.where(k_i == 0, 0.0, sum_gt + (k - cnt_gt) * t)

    balanced = (pos_loss + neg_loss) / (pos_count + k + 1e-8)
    mean_loss = jnp.sum(loss) / jnp.float32(_B * _T)
    bdry = jnp.where(pos_count == 0.0, mean_loss, balanced)

    total_ref[...] = jnp.broadcast_to(spoof + 0.5 * bdry, (1, 1))
    spoof_ref[...] = jnp.broadcast_to(spoof, (1, 1))
    bdry_ref[...] = jnp.broadcast_to(bdry, (1, 1))


@jax.jit
def kernel(output, boundary, label_cls, label_boundary, len_cls, len_boundary):
    a = output[:, :, 0]
    b = output[:, :, 1]
    lenc = len_cls.reshape(_B, 1)
    lenb = len_boundary.reshape(_B, 1)
    lenw = jnp.broadcast_to(jnp.repeat(len_boundary, 2)[:, None], (_NW, 16))
    pc_parts = _sc_count(label_boundary.reshape(-1), lenw)
    total, spoof, bdry = pl.pallas_call(
        _loss_kernel,
        out_shape=[jax.ShapeDtypeStruct((1, 1), jnp.float32)] * 3,
    )(a, b, label_cls, boundary, label_boundary, lenc, lenb, pc_parts)
    return (total.reshape(()), spoof.reshape(()), bdry.reshape(()))

# --- scband reference (transcript-rebuilt; emitter-appended) ---
"""Pipeline reference for scband-bamloss-83923660963952 (READ-ONLY COPY).

The authoritative reference and input builder live on the scoring server;
editing this copy changes nothing except your own understanding.
"""

import jax, jax.numpy as jnp
import numpy as np


def make_length_mask(lengths, max_len):
    range_t = jnp.arange(max_len)[None, :]
    return (range_t < lengths[:, None]).astype(jnp.float32)


def setup_inputs(seed: int = 0) -> dict:
    key = jax.random.key(seed)
    k1, k2, k3, k4, k5, k6 = jax.random.split(key, 6)
    B, T = 16, 4096
    return {
        "output": jax.random.normal(k1, (B, T, 2), dtype=jnp.float32),
        "boundary": jax.random.uniform(k2, (B, T), dtype=jnp.float32),
        "label_cls": jax.random.randint(k3, (B, T), 0, 2, dtype=jnp.int32),
        "label_boundary": jax.random.randint(k4, (B, T), 0, 2, dtype=jnp.int32),
        "len_cls": jax.random.randint(k5, (B,), 0, 4096, dtype=jnp.int32),
        "len_boundary": jax.random.randint(k6, (B,), 0, 4096, dtype=jnp.int32),
    }


def reference(output, boundary, label_cls, label_boundary, len_cls, len_boundary):
    lambda_boundary = 0.5
    negative_ratio = 5.0
    eps = 1e-08
    B, T, C = output.shape
    assert C == 2

    # ---- MaskCrossEntropyLoss on (B, C, T) -> reshaped (B*T, C) ----
    logits = output.reshape(B * T, C)
    tgt = label_cls.reshape(B * T)
    logp = jax.nn.log_softmax(logits, axis=-1)
    ce = -jnp.take_along_axis(logp, tgt[:, None], axis=1)[:, 0]
    spoof_mask = make_length_mask(len_cls, T).reshape(B * T)
    spoof_loss = (ce * spoof_mask).sum() / (spoof_mask.sum() + 1e-08)

    # ---- BalanceBCELoss on boundary ----
    pred = boundary.reshape(label_boundary.shape).astype(jnp.float32)
    target = label_boundary.astype(jnp.float32)
    bmask = make_length_mask(len_boundary, T)
    # BCE with torch-style log clamp at -100
    lp = jnp.maximum(jnp.log(pred), -100.0)
    l1m = jnp.maximum(jnp.log(1.0 - pred), -100.0)
    loss = -(target * lp + (1.0 - target) * l1m)
    loss = loss * bmask
    target_m = target * bmask
    positive_index = (target_m == 1.0).astype(jnp.float32)
    negative_index = (target_m == 0.0).astype(jnp.float32)
    positive_count = positive_index.sum()
    negative_count = negative_index.sum()
    max_neg = jnp.floor(positive_count * negative_ratio)
    negative_count = jnp.minimum(negative_count, max_neg)
    positive_loss = (loss * positive_index).sum()
    neg_vals = (loss * negative_index).reshape(-1)
    N = neg_vals.shape[0]
    topk_vals, _ = jax.lax.top_k(neg_vals, N)
    neg_sel = (jnp.arange(N).astype(jnp.float32) < negative_count).astype(jnp.float32)
    negative_loss = (topk_vals * neg_sel).sum()
    balanced_loss = (positive_loss + negative_loss) / (positive_count + negative_count + eps)
    boundary_loss = jnp.where(positive_count == 0.0, loss.mean(), balanced_loss)

    total_loss = spoof_loss + lambda_boundary * boundary_loss
    return (total_loss, spoof_loss, boundary_loss)

if __name__ == "__main__":
    import jax
    _d = setup_inputs()
    print(jax.jit(kernel)(*tuple(_d.values())))

</pallas_src>

<mosaic_0001>
#map = affine_map<(d0, d1) -> (0)>
#map1 = affine_map<(d0, d1) -> (0, 0)>
module attributes {stable_mosaic.version = 14 : i64} {
  func.func @_sc_pos_count(%arg0: i32, %arg1: i32, %arg2: memref<65536xi32, #tpu.memory_space<hbm>>, %arg3: memref<32x16xi32, #tpu.memory_space<hbm>>, %arg4: memref<32x16xi32, #tpu.memory_space<hbm>>, %arg5: memref<2048xi32, #tpu.memory_space<vmem>>, %arg6: memref<16xi32, #tpu.memory_space<vmem>>, %arg7: memref<16xi32, #tpu.memory_space<vmem>>) attributes {dimension_semantics = [#tpu.dimension_semantics<core_parallel>, #tpu.dimension_semantics<subcore_parallel>], iteration_bounds = array<i64: 2, 16>, scalar_prefetch = 0 : i64, scratch_operands = 3 : i64, tpu.core_type = #tpu.core_type<sc_vector_subcore>, window_params = [{transform_indices = #map}, {transform_indices = #map1}, {transform_indices = #map1}]} {
    %mul3A = arith.constant 2 : i32
    %mul3A_0 = arith.muli %arg1, %mul3A : i32
    %add3A = arith.addi %mul3A_0, %arg0 : i32
    %mul3A_1 = arith.constant 2048 : i32
    %mul3A_2 = arith.muli %add3A, %mul3A_1 : i32
    "tpu.region"() ({
      %run_scoped3A = tpu.sem_alloc : memref<!tpu.dma_semaphore, #tpu.memory_space<semaphore_mem>>
      %dma_start3A = tpu.memref_slice %arg2[%mul3A_2] : memref<65536xi32, #tpu.memory_space<hbm>> -> memref<2048xi32, #tpu.memory_space<hbm>>
      %dma_start3A_2324 = tpu.memref_slice %arg2[%mul3A_2] : memref<65536xi32, #tpu.memory_space<hbm>> -> memref<2048xi32, #tpu.memory_space<hbm>>
      tpu.enqueue_dma source(%dma_start3A_2324 : memref<2048xi32, #tpu.memory_space<hbm>>) target(%arg5 : memref<2048xi32, #tpu.memory_space<vmem>>) target_semaphore(%run_scoped3A : memref<!tpu.dma_semaphore, #tpu.memory_space<semaphore_mem>>)
      %dma_wait3A = tpu.memref_slice %arg2[%mul3A_2] : memref<65536xi32, #tpu.memory_space<hbm>> -> memref<2048xi32, #tpu.memory_space<hbm>>
      %dma_wait3A_2325 = tpu.memref_slice %arg2[%mul3A_2] : memref<65536xi32, #tpu.memory_space<hbm>> -> memref<2048xi32, #tpu.memory_space<hbm>>
      tpu.wait_dma2 semaphore(%run_scoped3A : memref<!tpu.dma_semaphore, #tpu.memory_space<semaphore_mem>>) src(%dma_wait3A_2325 : memref<2048xi32, #tpu.memory_space<hbm>>) dst(%arg5 : memref<2048xi32, #tpu.memory_space<vmem>>)
      tpu.yield
    }) : () -> ()
    "tpu.region"() ({
      %run_scoped3A = tpu.sem_alloc : memref<!tpu.dma_semaphore, #tpu.memory_space<semaphore_mem>>
      %dma_start3A = arith.constant 0 : i32
      %dma_start3A_2324 = tpu.memref_slice %arg3[%add3A, %dma_start3A] : memref<32x16xi32, #tpu.memory_space<hbm>> -> memref<1x16xi32, #tpu.memory_space<hbm>>
      %dma_start3A_2325 = tpu.memref_squeeze %dma_start3A_2324 : memref<1x16xi32, #tpu.memory_space<hbm>> -> memref<16xi32, #tpu.memory_space<hbm>>
      %dma_start3A_2326 = arith.constant 0 : i32
      %dma_start3A_2327 = tpu.memref_slice %arg3[%add3A, %dma_start3A_2326] : memref<32x16xi32, #tpu.memory_space<hbm>> -> memref<1x16xi32, #tpu.memory_space<hbm>>
      %dma_start3A_2328 = tpu.memref_squeeze %dma_start3A_2327 : memref<1x16xi32, #tpu.memory_space<hbm>> -> memref<16xi32, #tpu.memory_space<hbm>>
      tpu.enqueue_dma source(%dma_start3A_2328 : memref<16xi32, #tpu.memory_space<hbm>>) target(%arg6 : memref<16xi32, #tpu.memory_space<vmem>>) target_semaphore(%run_scoped3A : memref<!tpu.dma_semaphore, #tpu.memory_space<semaphore_mem>>)
      %dma_wait3A = arith.constant 0 : i32
      %dma_wait3A_2329 = tpu.memref_slice %arg3[%add3A, %dma_wait3A] : memref<32x16xi32, #tpu.memory_space<hbm>> -> memref<1x16xi32, #tpu.memory_space<hbm>>
      %dma_wait3A_2330 = tpu.memref_squeeze %dma_wait3A_2329 : memref<1x16xi32, #tpu.memory_space<hbm>> -> memref<16xi32, #tpu.memory_space<hbm>>
      %dma_wait3A_2331 = arith.constant 0 : i32
      %dma_wait3A_2332 = tpu.memref_slice %arg3[%add3A, %dma_wait3A_2331] : memref<32x16xi32, #tpu.memory_space<hbm>> -> memref<1x16xi32, #tpu.memory_space<hbm>>
      %dma_wait3A_2333 = tpu.memref_squeeze %dma_wait3A_2332 : memref<1x16xi32, #tpu.memory_space<hbm>> -> memref<16xi32, #tpu.memory_space<hbm>>
      tpu.wait_dma2 semaphore(%run_scoped3A : memref<!tpu.dma_semaphore, #tpu.memory_space<semaphore_mem>>) src(%dma_wait3A_2333 : memref<16xi32, #tpu.memory_space<hbm>>) dst(%arg6 : memref<16xi32, #tpu.memory_space<vmem>>)
      tpu.yield
    }) : () -> ()
    %iota3A = tpu.iota {dimensions = array<i32: 0>} : vector<16xi32>
    %jit3A = arith.constant 2 : i32
    %eq3A = arith.constant 0 : i32
    %eq3A_3 = arith.cmpi eq, %jit3A, %eq3A : i32
    %jit3A_4 = arith.constant 1 : i32
    %select_n3A = arith.select %eq3A_3, %jit3A_4, %jit3A : i32
    %rem3A = arith.remsi %add3A, %select_n3A : i32
    %ne3A = arith.constant 0 : i32
    %ne3A_5 = arith.cmpi ne, %rem3A, %ne3A : i32
    %lt3A = arith.constant 0 : i32
    %lt3A_6 = arith.cmpi slt, %rem3A, %lt3A : i32
    %lt3A_7 = arith.constant 0 : i32
    %lt3A_8 = arith.cmpi slt, %select_n3A, %lt3A_7 : i32
    %ne3A_9 = arith.xori %lt3A_6, %lt3A_8 : i1
    %and3A = arith.andi %ne3A_9, %ne3A_5 : i1
    %add3A_10 = arith.addi %rem3A, %select_n3A : i32
    %select_n3A_11 = arith.select %and3A, %add3A_10, %rem3A : i32
    %mul3A_12 = arith.constant 2048 : i32
    %mul3A_13 = arith.muli %select_n3A_11, %mul3A_12 : i32
    %get3A = arith.constant 0 : index
    %get3A_14 = tpu.vector_load %arg6[%get3A] {strides = array<i32>} : memref<16xi32, #tpu.memory_space<vmem>>, vector<16xi32>,
    %get3A_15 = vector.shape_cast %get3A_14 : vector<16xi32> to vector<16xi32>
    %broadcast_in_dim3A = arith.constant 0 : i32
    %broadcast_in_dim3A_16 = vector.broadcast %broadcast_in_dim3A : i32 to vector<16xi32>
    %get3A_17 = arith.constant 0 : index
    %get3A_18 = tpu.vector_load %arg5[%get3A_17] {strides = array<i32>} : memref<2048xi32, #tpu.memory_space<vmem>>, vector<16xi32>,
    %get3A_19 = vector.shape_cast %get3A_18 : vector<16xi32> to vector<16xi32>
    %add3A_20 = arith.constant 0 : i32
    %add3A_21 = arith.addi %mul3A_13, %add3A_20 : i32
    %add3A_22 = vector.broadcast %add3A_21 : i32 to vector<16xi32>
    %add3A_23 = arith.addi %add3A_22, %iota3A : vector<16xi32>
    %eq3A_24 = arith.constant 1 : i32
    %eq3A_25 = vector.broadcast %eq3A_24 : i32 to vector<16xi32>
    %eq3A_26 = arith.cmpi eq, %get3A_19, %eq3A_25 : vector<16xi32>
    %lt3A_27 = arith.cmpi slt, %add3A_23, %get3A_15 : vector<16xi32>
    %and3A_28 = arith.andi %eq3A_26, %lt3A_27 : vector<16xi1>
    %jit3A_29 = arith.constant 1 : i32
    %jit3A_30 = arith.constant 0 : i32
    %broadcast_in_dim3A_31 = vector.broadcast %jit3A_29 : i32 to vector<16xi32>
    %broadcast_in_dim3A_32 = vector.broadcast %jit3A_30 : i32 to vector<16xi32>
    %select_n3A_33 = arith.select %and3A_28, %broadcast_in_dim3A_31, %broadcast_in_dim3A_32 : vector<16xi1>, vector<16xi32>
    %add3A_34 = arith.addi %broadcast_in_dim3A_16, %select_n3A_33 : vector<16xi32>
    %get3A_35 = arith.constant 16 : index
    %get3A_36 = tpu.vector_load %arg5[%get3A_35] {strides = array<i32>} : memref<2048xi32, #tpu.memory_space<vmem>>, vector<16xi32>,
    %get3A_37 = vector.shape_cast %get3A_36 : vector<16xi32> to vector<16xi32>
    %add3A_38 = arith.constant 16 : i32
    %add3A_39 = arith.addi %mul3A_13, %add3A_38 : i32
    %add3A_40 = vector.broadcast %add3A_39 : i32 to vector<16xi32>
    %add3A_41 = arith.addi %add3A_40, %iota3A : vector<16xi32>
    %eq3A_42 = arith.constant 1 : i32
    %eq3A_43 = vector.broadcast %eq3A_42 : i32 to vector<16xi32>
    %eq3A_44 = arith.cmpi eq, %get3A_37, %eq3A_43 : vector<16xi32>
    %lt3A_45 = arith.cmpi slt, %add3A_41, %get3A_15 : vector<16xi32>
    %and3A_46 = arith.andi %eq3A_44, %lt3A_45 : vector<16xi1>
    %jit3A_47 = arith.constant 1 : i32
    %jit3A_48 = arith.constant 0 : i32
    %broadcast_in_dim3A_49 = vector.broadcast %jit3A_47 : i32 to vector<16xi32>
    %broadcast_in_dim3A_50 = vector.broadcast %jit3A_48 : i32 to vector<16xi32>
    %select_n3A_51 = arith.select %and3A_46, %broadcast_in_dim3A_49, %broadcast_in_dim3A_50 : vector<16xi1>, vector<16xi32>
    %add3A_52 = arith.addi %add3A_34, %select_n3A_51 : vector<16xi32>
    %get3A_53 = arith.constant 32 : index
    %get3A_54 = tpu.vector_load %arg5[%get3A_53] {strides = array<i32>} : memref<2048xi32, #tpu.memory_space<vmem>>, vector<16xi32>,
    %get3A_55 = vector.shape_cast %get3A_54 : vector<16xi32> to vector<16xi32>
    %add3A_56 = arith.constant 32 : i32
    %add3A_57 = arith.addi %mul3A_13, %add3A_56 : i32
    %add3A_58 = vector.broadcast %add3A_57 : i32 to vector<16xi32>
    %add3A_59 = arith.addi %add3A_58, %iota3A : vector<16xi32>
    %eq3A_60 = arith.constant 1 : i32
    %eq3A_61 = vector.broadcast %eq3A_60 : i32 to vector<16xi32>
    %eq3A_62 = arith.cmpi eq, %get3A_55, %eq3A_61 : vector<16xi32>
    %lt3A_63 = arith.cmpi slt, %add3A_59, %get3A_15 : vector<16xi32>
    %and3A_64 = arith.andi %eq3A_62, %lt3A_63 : vector<16xi1>
    %jit3A_65 = arith.constant 1 : i32
    %jit3A_66 = arith.constant 0 : i32
    %broadcast_in_dim3A_67 = vector.broadcast %jit3A_65 : i32 to vector<16xi32>
    %broadcast_in_dim3A_68 = vector.broadcast %jit3A_66 : i32 to vector<16xi32>
    %select_n3A_69 = arith.select %and3A_64, %broadcast_in_dim3A_67, %broadcast_in_dim3A_68 : vector<16xi1>, vector<16xi32>
    %add3A_70 = arith.addi %add3A_52, %select_n3A_69 : vector<16xi32>
    %get3A_71 = arith.constant 48 : index
    %get3A_72 = tpu.vector_load %arg5[%get3A_71] {strides = array<i32>} : memref<2048xi32, #tpu.memory_space<vmem>>, vector<16xi32>,
    %get3A_73 = vector.shape_cast %get3A_72 : vector<16xi32> to vector<16xi32>
    %add3A_74 = arith.constant 48 : i32
    %add3A_75 = arith.addi %mul3A_13, %add3A_74 : i32
    %add3A_76 = vector.broadcast %add3A_75 : i32 to vector<16xi32>
    %add3A_77 = arith.addi %add3A_76, %iota3A : vector<16xi32>
    %eq3A_78 = arith.constant 1 : i32
    %eq3A_79 = vector.broadcast %eq3A_78 : i32 to vector<16xi32>
    %eq3A_80 = arith.cmpi eq, %get3A_73, %eq3A_79 : vector<16xi32>
    %lt3A_81 = arith.cmpi slt, %add3A_77, %get3A_15 : vector<16xi32>
    %and3A_82 = arith.andi %eq3A_80, %lt3A_81 : vector<16xi1>
    %jit3A_83 = arith.constant 1 : i32
    %jit3A_84 = arith.constant 0 : i32
    %broadcast_in_dim3A_85 = vector.broadcast %jit3A_83 : i32 to vector<16xi32>
    %broadcast_in_dim3A_86 = vector.broadcast %jit3A_84 : i32 to vector<16xi32>
    %select_n3A_87 = arith.select %and3A_82, %broadcast_in_dim3A_85, %broadcast_in_dim3A_86 : vector<16xi1>, vector<16xi32>
    %add3A_88 = arith.addi %add3A_70, %select_n3A_87 : vector<16xi32>
    %get3A_89 = arith.constant 64 : index
    %get3A_90 = tpu.vector_load %arg5[%get3A_89] {strides = array<i32>} : memref<2048xi32, #tpu.memory_space<vmem>>, vector<16xi32>,
    %get3A_91 = vector.shape_cast %get3A_90 : vector<16xi32> to vector<16xi32>
    %add3A_92 = arith.constant 64 : i32
    %add3A_93 = arith.addi %mul3A_13, %add3A_92 : i32
    %add3A_94 = vector.broadcast %add3A_93 : i32 to vector<16xi32>
    %add3A_95 = arith.addi %add3A_94, %iota3A : vector<16xi32>
    %eq3A_96 = arith.constant 1 : i32
    %eq3A_97 = vector.broadcast %eq3A_96 : i32 to vector<16xi32>
    %eq3A_98 = arith.cmpi eq, %get3A_91, %eq3A_97 : vector<16xi32>
    %lt3A_99 = arith.cmpi slt, %add3A_95, %get3A_15 : vector<16xi32>
    %and3A_100 = arith.andi %eq3A_98, %lt3A_99 : vector<16xi1>
    %jit3A_101 = arith.constant 1 : i32
    %jit3A_102 = arith.constant 0 : i32
    %broadcast_in_dim3A_103 = vector.broadcast %jit3A_101 : i32 to vector<16xi32>
    %broadcast_in_dim3A_104 = vector.broadcast %jit3A_102 : i32 to vector<16xi32>
    %select_n3A_105 = arith.select %and3A_100, %broadcast_in_dim3A_103, %broadcast_in_dim3A_104 : vector<16xi1>, vector<16xi32>
    %add3A_106 = arith.addi %add3A_88, %select_n3A_105 : vector<16xi32>
    %get3A_107 = arith.constant 80 : index
    %get3A_108 = tpu.vector_load %arg5[%get3A_107] {strides = array<i32>} : memref<2048xi32, #tpu.memory_space<vmem>>, vector<16xi32>,
    %get3A_109 = vector.shape_cast %get3A_108 : vector<16xi32> to vector<16xi32>
    %add3A_110 = arith.constant 80 : i32
    %add3A_111 = arith.addi %mul3A_13, %add3A_110 : i32
    %add3A_112 = vector.broadcast %add3A_111 : i32 to vector<16xi32>
    %add3A_113 = arith.addi %add3A_112, %iota3A : vector<16xi32>
    %eq3A_114 = arith.constant 1 : i32
    %eq3A_115 = vector.broadcast %eq3A_114 : i32 to vector<16xi32>
    %eq3A_116 = arith.cmpi eq, %get3A_109, %eq3A_115 : vector<16xi32>
    %lt3A_117 = arith.cmpi slt, %add3A_113, %get3A_15 : vector<16xi32>
    %and3A_118 = arith.andi %eq3A_116, %lt3A_117 : vector<16xi1>
    %jit3A_119 = arith.constant 1 : i32
    %jit3A_120 = arith.constant 0 : i32
    %broadcast_in_dim3A_121 = vector.broadcast %jit3A_119 : i32 to vector<16xi32>
    %broadcast_in_dim3A_122 = vector.broadcast %jit3A_120 : i32 to vector<16xi32>
    %select_n3A_123 = arith.select %and3A_118, %broadcast_in_dim3A_121, %broadcast_in_dim3A_122 : vector<16xi1>, vector<16xi32>
    %add3A_124 = arith.addi %add3A_106, %select_n3A_123 : vector<16xi32>
    %get3A_125 = arith.constant 96 : index
    %get3A_126 = tpu.vector_load %arg5[%get3A_125] {strides = array<i32>} : memref<2048xi32, #tpu.memory_space<vmem>>, vector<16xi32>,
    %get3A_127 = vector.shape_cast %get3A_126 : vector<16xi32> to vector<16xi32>
    %add3A_128 = arith.constant 96 : i32
    %add3A_129 = arith.addi %mul3A_13, %add3A_128 : i32
    %add3A_130 = vector.broadcast %add3A_129 : i32 to vector<16xi32>
    %add3A_131 = arith.addi %add3A_130, %iota3A : vector<16xi32>
    %eq3A_132 = arith.constant 1 : i32
    %eq3A_133 = vector.broadcast %eq3A_132 : i32 to vector<16xi32>
    %eq3A_134 = arith.cmpi eq, %get3A_127, %eq3A_133 : vector<16xi32>
    %lt3A_135 = arith.cmpi slt, %add3A_131, %get3A_15 : vector<16xi32>
    %and3A_136 = arith.andi %eq3A_134, %lt3A_135 : vector<16xi1>
    %jit3A_137 = arith.constant 1 : i32
    %jit3A_138 = arith.constant 0 : i32
    %broadcast_in_dim3A_139 = vector.broadcast %jit3A_137 : i32 to vector<16xi32>
    %broadcast_in_dim3A_140 = vector.broadcast %jit3A_138 : i32 to vector<16xi32>
    %select_n3A_141 = arith.select %and3A_136, %broadcast_in_dim3A_139, %broadcast_in_dim3A_140 : vector<16xi1>, vector<16xi32>
    %add3A_142 = arith.addi %add3A_124, %select_n3A_141 : vector<16xi32>
    %get3A_143 = arith.constant 112 : index
    %get3A_144 = tpu.vector_load %arg5[%get3A_143] {strides = array<i32>} : memref<2048xi32, #tpu.memory_space<vmem>>, vector<16xi32>,
    %get3A_145 = vector.shape_cast %get3A_144 : vector<16xi32> to vector<16xi32>
    %add3A_146 = arith.constant 112 : i32
    %add3A_147 = arith.addi %mul3A_13, %add3A_146 : i32
    %add3A_148 = vector.broadcast %add3A_147 : i32 to vector<16xi32>
    %add3A_149 = arith.addi %add3A_148, %iota3A : vector<16xi32>
    %eq3A_150 = arith.constant 1 : i32
    %eq3A_151 = vector.broadcast %eq3A_150 : i32 to vector<16xi32>
    %eq3A_152 = arith.cmpi eq, %get3A_145, %eq3A_151 : vector<16xi32>
    %lt3A_153 = arith.cmpi slt, %add3A_149, %get3A_15 : vector<16xi32>
    %and3A_154 = arith.andi %eq3A_152, %lt3A_153 : vector<16xi1>
    %jit3A_155 = arith.constant 1 : i32
    %jit3A_156 = arith.constant 0 : i32
    %broadcast_in_dim3A_157 = vector.broadcast %jit3A_155 : i32 to vector<16xi32>
    %broadcast_in_dim3A_158 = vector.broadcast %jit3A_156 : i32 to vector<16xi32>
    %select_n3A_159 = arith.select %and3A_154, %broadcast_in_dim3A_157, %broadcast_in_dim3A_158 : vector<16xi1>, vector<16xi32>
    %add3A_160 = arith.addi %add3A_142, %select_n3A_159 : vector<16xi32>
    %get3A_161 = arith.constant 128 : index
    %get3A_162 = tpu.vector_load %arg5[%get3A_161] {strides = array<i32>} : memref<2048xi32, #tpu.memory_space<vmem>>, vector<16xi32>,
    %get3A_163 = vector.shape_cast %get3A_162 : vector<16xi32> to vector<16xi32>
    %add3A_164 = arith.constant 128 : i32
    %add3A_165 = arith.addi %mul3A_13, %add3A_164 : i32
    %add3A_166 = vector.broadcast %add3A_165 : i32 to vector<16xi32>
    %add3A_167 = arith.addi %add3A_166, %iota3A : vector<16xi32>
    %eq3A_168 = arith.constant 1 : i32
    %eq3A_169 = vector.broadcast %eq3A_168 : i32 to vector<16xi32>
    %eq3A_170 = arith.cmpi eq, %get3A_163, %eq3A_169 : vector<16xi32>
    %lt3A_171 = arith.cmpi slt, %add3A_167, %get3A_15 : vector<16xi32>
    %and3A_172 = arith.andi %eq3A_170, %lt3A_171 : vector<16xi1>
    %jit3A_173 = arith.constant 1 : i32
    %jit3A_174 = arith.constant 0 : i32
    %broadcast_in_dim3A_175 = vector.broadcast %jit3A_173 : i32 to vector<16xi32>
    %broadcast_in_dim3A_176 = vector.broadcast %jit3A_174 : i32 to vector<16xi32>
    %select_n3A_177 = arith.select %and3A_172, %broadcast_in_dim3A_175, %broadcast_in_dim3A_176 : vector<16xi1>, vector<16xi32>
    %add3A_178 = arith.addi %add3A_160, %select_n3A_177 : vector<16xi32>
    %get3A_179 = arith.constant 144 : index
    %get3A_180 = tpu.vector_load %arg5[%get3A_179] {strides = array<i32>} : memref<2048xi32, #tpu.memory_space<vmem>>, vector<16xi32>,
    %get3A_181 = vector.shape_cast %get3A_180 : vector<16xi32> to vector<16xi32>
    %add3A_182 = arith.constant 144 : i32
    %add3A_183 = arith.addi %mul3A_13, %add3A_182 : i32
    %add3A_184 = vector.broadcast %add3A_183 : i32 to vector<16xi32>
    %add3A_185 = arith.addi %add3A_184, %iota3A : vector<16xi32>
    %eq3A_186 = arith.constant 1 : i32
    %eq3A_187 = vector.broadcast %eq3A_186 : i32 to vector<16xi32>
    %eq3A_188 = arith.cmpi eq, %get3A_181, %eq3A_187 : vector<16xi32>
    %lt3A_189 = arith.cmpi slt, %add3A_185, %get3A_15 : vector<16xi32>
    %and3A_190 = arith.andi %eq3A_188, %lt3A_189 : vector<16xi1>
    %jit3A_191 = arith.constant 1 : i32
    %jit3A_192 = arith.constant 0 : i32
    %broadcast_in_dim3A_193 = vector.broadcast %jit3A_191 : i32 to vector<16xi32>
    %broadcast_in_dim3A_194 = vector.broadcast %jit3A_192 : i32 to vector<16xi32>
    %select_n3A_195 = arith.select %and3A_190, %broadcast_in_dim3A_193, %broadcast_in_dim3A_194 : vector<16xi1>, vector<16xi32>
    %add3A_196 = arith.addi %add3A_178, %select_n3A_195 : vector<16xi32>
    %get3A_197 = arith.constant 160 : index
    %get3A_198 = tpu.vector_load %arg5[%get3A_197] {strides = array<i32>} : memref<2048xi32, #tpu.memory_space<vmem>>, vector<16xi32>,
    %get3A_199 = vector.shape_cast %get3A_198 : vector<16xi32> to vector<16xi32>
    %add3A_200 = arith.constant 160 : i32
    %add3A_201 = arith.addi %mul3A_13, %add3A_200 : i32
    %add3A_202 = vector.broadcast %add3A_201 : i32 to vector<16xi32>
    %add3A_203 = arith.addi %add3A_202, %iota3A : vector<16xi32>
    %eq3A_204 = arith.constant 1 : i32
    %eq3A_205 = vector.broadcast %eq3A_204 : i32 to vector<16xi32>
    %eq3A_206 = arith.cmpi eq, %get3A_199, %eq3A_205 : vector<16xi32>
    %lt3A_207 = arith.cmpi slt, %add3A_203, %get3A_15 : vector<16xi32>
    %and3A_208 = arith.andi %eq3A_206, %lt3A_207 : vector<16xi1>
    %jit3A_209 = arith.constant 1 : i32
    %jit3A_210 = arith.constant 0 : i32
    %broadcast_in_dim3A_211 = vector.broadcast %jit3A_209 : i32 to vector<16xi32>
    %broadcast_in_dim3A_212 = vector.broadcast %jit3A_210 : i32 to vector<16xi32>
    %select_n3A_213 = arith.select %and3A_208, %broadcast_in_dim3A_211, %broadcast_in_dim3A_212 : vector<16xi1>, vector<16xi32>
    %add3A_214 = arith.addi %add3A_196, %select_n3A_213 : vector<16xi32>
    %get3A_215 = arith.constant 176 : index
    %get3A_216 = tpu.vector_load %arg5[%get3A_215] {strides = array<i32>} : memref<2048xi32, #tpu.memory_space<vmem>>, vector<16xi32>,
    %get3A_217 = vector.shape_cast %get3A_216 : vector<16xi32> to vector<16xi32>
    %add3A_218 = arith.constant 176 : i32
    %add3A_219 = arith.addi %mul3A_13, %add3A_218 : i32
    %add3A_220 = vector.broadcast %add3A_219 : i32 to vector<16xi32>
    %add3A_221 = arith.addi %add3A_220, %iota3A : vector<16xi32>
    %eq3A_222 = arith.constant 1 : i32
    %eq3A_223 = vector.broadcast %eq3A_222 : i32 to vector<16xi32>
    %eq3A_224 = arith.cmpi eq, %get3A_217, %eq3A_223 : vector<16xi32>
    %lt3A_225 = arith.cmpi slt, %add3A_221, %get3A_15 : vector<16xi32>
    %and3A_226 = arith.andi %eq3A_224, %lt3A_225 : vector<16xi1>
    %jit3A_227 = arith.constant 1 : i32
    %jit3A_228 = arith.constant 0 : i32
    %broadcast_in_dim3A_229 = vector.broadcast %jit3A_227 : i32 to vector<16xi32>
    %broadcast_in_dim3A_230 = vector.broadcast %jit3A_228 : i32 to vector<16xi32>
    %select_n3A_231 = arith.select %and3A_226, %broadcast_in_dim3A_229, %broadcast_in_dim3A_230 : vector<16xi1>, vector<16xi32>
    %add3A_232 = arith.addi %add3A_214, %select_n3A_231 : vector<16xi32>
    %get3A_233 = arith.constant 192 : index
    %get3A_234 = tpu.vector_load %arg5[%get3A_233] {strides = array<i32>} : memref<2048xi32, #tpu.memory_space<vmem>>, vector<16xi32>,
    %get3A_235 = vector.shape_cast %get3A_234 : vector<16xi32> to vector<16xi32>
    %add3A_236 = arith.constant 192 : i32
    %add3A_237 = arith.addi %mul3A_13, %add3A_236 : i32
    %add3A_238 = vector.broadcast %add3A_237 : i32 to vector<16xi32>
    %add3A_239 = arith.addi %add3A_238, %iota3A : vector<16xi32>
    %eq3A_240 = arith.constant 1 : i32
    %eq3A_241 = vector.broadcast %eq3A_240 : i32 to vector<16xi32>
    %eq3A_242 = arith.cmpi eq, %get3A_235, %eq3A_241 : vector<16xi32>
    %lt3A_243 = arith.cmpi slt, %add3A_239, %get3A_15 : vector<16xi32>
    %and3A_244 = arith.andi %eq3A_242, %lt3A_243 : vector<16xi1>
    %jit3A_245 = arith.constant 1 : i32
    %jit3A_246 = arith.constant 0 : i32
    %broadcast_in_dim3A_247 = vector.broadcast %jit3A_245 : i32 to vector<16xi32>
    %broadcast_in_dim3A_248 = vector.broadcast %jit3A_246 : i32 to vector<16xi32>
    %select_n3A_249 = arith.select %and3A_244, %broadcast_in_dim3A_247, %broadcast_in_dim3A_248 : vector<16xi1>, vector<16xi32>
    %add3A_250 = arith.addi %add3A_232, %select_n3A_249 : vector<16xi32>
    %get3A_251 = arith.constant 208 : index
    %get3A_252 = tpu.vector_load %arg5[%get3A_251] {strides = array<i32>} : memref<2048xi32, #tpu.memory_space<vmem>>, vector<16xi32>,
    %get3A_253 = vector.shape_cast %get3A_252 : vector<16xi32> to vector<16xi32>
    %add3A_254 = arith.constant 208 : i32
    %add3A_255 = arith.addi %mul3A_13, %add3A_254 : i32
    %add3A_256 = vector.broadcast %add3A_255 : i32 to vector<16xi32>
    %add3A_257 = arith.addi %add3A_256, %iota3A : vector<16xi32>
    %eq3A_258 = arith.constant 1 : i32
    %eq3A_259 = vector.broadcast %eq3A_258 : i32 to vector<16xi32>
    %eq3A_260 = arith.cmpi eq, %get3A_253, %eq3A_259 : vector<16xi32>
    %lt3A_261 = arith.cmpi slt, %add3A_257, %get3A_15 : vector<16xi32>
    %and3A_262 = arith.andi %eq3A_260, %lt3A_261 : vector<16xi1>
    %jit3A_263 = arith.constant 1 : i32
    %jit3A_264 = arith.constant 0 : i32
    %broadcast_in_dim3A_265 = vector.broadcast %jit3A_263 : i32 to vector<16xi32>
    %broadcast_in_dim3A_266 = vector.broadcast %jit3A_264 : i32 to vector<16xi32>
    %select_n3A_267 = arith.select %and3A_262, %broadcast_in_dim3A_265, %broadcast_in_dim3A_266 : vector<16xi1>, vector<16xi32>
    %add3A_268 = arith.addi %add3A_250, %select_n3A_267 : vector<16xi32>
    %get3A_269 = arith.constant 224 : index
    %get3A_270 = tpu.vector_load %arg5[%get3A_269] {strides = array<i32>} : memref<2048xi32, #tpu.memory_space<vmem>>, vector<16xi32>,
    %get3A_271 = vector.shape_cast %get3A_270 : vector<16xi32> to vector<16xi32>
    %add3A_272 = arith.constant 224 : i32
    %add3A_273 = arith.addi %mul3A_13, %add3A_272 : i32
    %add3A_274 = vector.broadcast %add3A_273 : i32 to vector<16xi32>
    %add3A_275 = arith.addi %add3A_274, %iota3A : vector<16xi32>
    %eq3A_276 = arith.constant 1 : i32
    %eq3A_277 = vector.broadcast %eq3A_276 : i32 to vector<16xi32>
    %eq3A_278 = arith.cmpi eq, %get3A_271, %eq3A_277 : vector<16xi32>
    %lt3A_279 = arith.cmpi slt, %add3A_275, %get3A_15 : vector<16xi32>
    %and3A_280 = arith.andi %eq3A_278, %lt3A_279 : vector<16xi1>
    %jit3A_281 = arith.constant 1 : i32
    %jit3A_282 = arith.constant 0 : i32
    %broadcast_in_dim3A_283 = vector.broadcast %jit3A_281 : i32 to vector<16xi32>
    %broadcast_in_dim3A_284 = vector.broadcast %jit3A_282 : i32 to vector<16xi32>
    %select_n3A_285 = arith.select %and3A_280, %broadcast_in_dim3A_283, %broadcast_in_dim3A_284 : vector<16xi1>, vector<16xi32>
    %add3A_286 = arith.addi %add3A_268, %select_n3A_285 : vector<16xi32>
    %get3A_287 = arith.constant 240 : index
    %get3A_288 = tpu.vector_load %arg5[%get3A_287] {strides = array<i32>} : memref<2048xi32, #tpu.memory_space<vmem>>, vector<16xi32>,
    %get3A_289 = vector.shape_cast %get3A_288 : vector<16xi32> to vector<16xi32>
    %add3A_290 = arith.constant 240 : i32
    %add3A_291 = arith.addi %mul3A_13, %add3A_290 : i32
    %add3A_292 = vector.broadcast %add3A_291 : i32 to vector<16xi32>
    %add3A_293 = arith.addi %add3A_292, %iota3A : vector<16xi32>
    %eq3A_294 = arith.constant 1 : i32
    %eq3A_295 = vector.broadcast %eq3A_294 : i32 to vector<16xi32>
    %eq3A_296 = arith.cmpi eq, %get3A_289, %eq3A_295 : vector<16xi32>
    %lt3A_297 = arith.cmpi slt, %add3A_293, %get3A_15 : vector<16xi32>
    %and3A_298 = arith.andi %eq3A_296, %lt3A_297 : vector<16xi1>
    %jit3A_299 = arith.constant 1 : i32
    %jit3A_300 = arith.constant 0 : i32
    %broadcast_in_dim3A_301 = vector.broadcast %jit3A_299 : i32 to vector<16xi32>
    %broadcast_in_dim3A_302 = vector.broadcast %jit3A_300 : i32 to vector<16xi32>
    %select_n3A_303 = arith.select %and3A_298, %broadcast_in_dim3A_301, %broadcast_in_dim3A_302 : vector<16xi1>, vector<16xi32>
    %add3A_304 = arith.addi %add3A_286, %select_n3A_303 : vector<16xi32>
    %get3A_305 = arith.constant 256 : index
    %get3A_306 = tpu.vector_load %arg5[%get3A_305] {strides = array<i32>} : memref<2048xi32, #tpu.memory_space<vmem>>, vector<16xi32>,
    %get3A_307 = vector.shape_cast %get3A_306 : vector<16xi32> to vector<16xi32>
    %add3A_308 = arith.constant 256 : i32
    %add3A_309 = arith.addi %mul3A_13, %add3A_308 : i32
    %add3A_310 = vector.broadcast %add3A_309 : i32 to vector<16xi32>
    %add3A_311 = arith.addi %add3A_310, %iota3A : vector<16xi32>
    %eq3A_312 = arith.constant 1 : i32
    %eq3A_313 = vector.broadcast %eq3A_312 : i32 to vector<16xi32>
    %eq3A_314 = arith.cmpi eq, %get3A_307, %eq3A_313 : vector<16xi32>
    %lt3A_315 = arith.cmpi slt, %add3A_311, %get3A_15 : vector<16xi32>
    %and3A_316 = arith.andi %eq3A_314, %lt3A_315 : vector<16xi1>
    %jit3A_317 = arith.constant 1 : i32
    %jit3A_318 = arith.constant 0 : i32
    %broadcast_in_dim3A_319 = vector.broadcast %jit3A_317 : i32 to vector<16xi32>
    %broadcast_in_dim3A_320 = vector.broadcast %jit3A_318 : i32 to vector<16xi32>
    %select_n3A_321 = arith.select %and3A_316, %broadcast_in_dim3A_319, %broadcast_in_dim3A_320 : vector<16xi1>, vector<16xi32>
    %add3A_322 = arith.addi %add3A_304, %select_n3A_321 : vector<16xi32>
    %get3A_323 = arith.constant 272 : index
    %get3A_324 = tpu.vector_load %arg5[%get3A_323] {strides = array<i32>} : memref<2048xi32, #tpu.memory_space<vmem>>, vector<16xi32>,
    %get3A_325 = vector.shape_cast %get3A_324 : vector<16xi32> to vector<16xi32>
    %add3A_326 = arith.constant 272 : i32
    %add3A_327 = arith.addi %mul3A_13, %add3A_326 : i32
    %add3A_328 = vector.broadcast %add3A_327 : i32 to vector<16xi32>
    %add3A_329 = arith.addi %add3A_328, %iota3A : vector<16xi32>
    %eq3A_330 = arith.constant 1 : i32
    %eq3A_331 = vector.broadcast %eq3A_330 : i32 to vector<16xi32>
    %eq3A_332 = arith.cmpi eq, %get3A_325, %eq3A_331 : vector<16xi32>
    %lt3A_333 = arith.cmpi slt, %add3A_329, %get3A_15 : vector<16xi32>
    %and3A_334 = arith.andi %eq3A_332, %lt3A_333 : vector<16xi1>
    %jit3A_335 = arith.constant 1 : i32
    %jit3A_336 = arith.constant 0 : i32
    %broadcast_in_dim3A_337 = vector.broadcast %jit3A_335 : i32 to vector<16xi32>
    %broadcast_in_dim3A_338 = vector.broadcast %jit3A_336 : i32 to vector<16xi32>
    %select_n3A_339 = arith.select %and3A_334, %broadcast_in_dim3A_337, %broadcast_in_dim3A_338 : vector<16xi1>, vector<16xi32>
    %add3A_340 = arith.addi %add3A_322, %select_n3A_339 : vector<16xi32>
    %get3A_341 = arith.constant 288 : index
    %get3A_342 = tpu.vector_load %arg5[%get3A_341] {strides = array<i32>} : memref<2048xi32, #tpu.memory_space<vmem>>, vector<16xi32>,
    %get3A_343 = vector.shape_cast %get3A_342 : vector<16xi32> to vector<16xi32>
    %add3A_344 = arith.constant 288 : i32
    %add3A_345 = arith.addi %mul3A_13, %add3A_344 : i32
    %add3A_346 = vector.broadcast %add3A_345 : i32 to vector<16xi32>
    %add3A_347 = arith.addi %add3A_346, %iota3A : vector<16xi32>
    %eq3A_348 = arith.constant 1 : i32
    %eq3A_349 = vector.broadcast %eq3A_348 : i32 to vector<16xi32>
    %eq3A_350 = arith.cmpi eq, %get3A_343, %eq3A_349 : vector<16xi32>
    %lt3A_351 = arith.cmpi slt, %add3A_347, %get3A_15 : vector<16xi32>
    %and3A_352 = arith.andi %eq3A_350, %lt3A_351 : vector<16xi1>
    %jit3A_353 = arith.constant 1 : i32
    %jit3A_354 = arith.constant 0 : i32
    %broadcast_in_dim3A_355 = vector.broadcast %jit3A_353 : i32 to vector<16xi32>
    %broadcast_in_dim3A_356 = vector.broadcast %jit3A_354 : i32 to vector<16xi32>
    %select_n3A_357 = arith.select %and3A_352, %broadcast_in_dim3A_355, %broadcast_in_dim3A_356 : vector<16xi1>, vector<16xi32>
    %add3A_358 = arith.addi %add3A_340, %select_n3A_357 : vector<16xi32>
    %get3A_359 = arith.constant 304 : index
    %get3A_360 = tpu.vector_load %arg5[%get3A_359] {strides = array<i32>} : memref<2048xi32, #tpu.memory_space<vmem>>, vector<16xi32>,
    %get3A_361 = vector.shape_cast %get3A_360 : vector<16xi32> to vector<16xi32>
    %add3A_362 = arith.constant 304 : i32
    %add3A_363 = arith.addi %mul3A_13, %add3A_362 : i32
    %add3A_364 = vector.broadcast %add3A_363 : i32 to vector<16xi32>
    %add3A_365 = arith.addi %add3A_364, %iota3A : vector<16xi32>
    %eq3A_366 = arith.constant 1 : i32
    %eq3A_367 = vector.broadcast %eq3A_366 : i32 to vector<16xi32>
    %eq3A_368 = arith.cmpi eq, %get3A_361, %eq3A_367 : vector<16xi32>
    %lt3A_369 = arith.cmpi slt, %add3A_365, %get3A_15 : vector<16xi32>
    %and3A_370 = arith.andi %eq3A_368, %lt3A_369 : vector<16xi1>
    %jit3A_371 = arith.constant 1 : i32
    %jit3A_372 = arith.constant 0 : i32
    %broadcast_in_dim3A_373 = vector.broadcast %jit3A_371 : i32 to vector<16xi32>
    %broadcast_in_dim3A_374 = vector.broadcast %jit3A_372 : i32 to vector<16xi32>
    %select_n3A_375 = arith.select %and3A_370, %broadcast_in_dim3A_373, %broadcast_in_dim3A_374 : vector<16xi1>, vector<16xi32>
    %add3A_376 = arith.addi %add3A_358, %select_n3A_375 : vector<16xi32>
    %get3A_377 = arith.constant 320 : index
    %get3A_378 = tpu.vector_load %arg5[%get3A_377] {strides = array<i32>} : memref<2048xi32, #tpu.memory_space<vmem>>, vector<16xi32>,
    %get3A_379 = vector.shape_cast %get3A_378 : vector<16xi32> to vector<16xi32>
    %add3A_380 = arith.constant 320 : i32
    %add3A_381 = arith.addi %mul3A_13, %add3A_380 : i32
    %add3A_382 = vector.broadcast %add3A_381 : i32 to vector<16xi32>
    %add3A_383 = arith.addi %add3A_382, %iota3A : vector<16xi32>
    %eq3A_384 = arith.constant 1 : i32
    %eq3A_385 = vector.broadcast %eq3A_384 : i32 to vector<16xi32>
    %eq3A_386 = arith.cmpi eq, %get3A_379, %eq3A_385 : vector<16xi32>
    %lt3A_387 = arith.cmpi slt, %add3A_383, %get3A_15 : vector<16xi32>
    %and3A_388 = arith.andi %eq3A_386, %lt3A_387 : vector<16xi1>
    %jit3A_389 = arith.constant 1 : i32
    %jit3A_390 = arith.constant 0 : i32
    %broadcast_in_dim3A_391 = vector.broadcast %jit3A_389 : i32 to vector<16xi32>
    %broadcast_in_dim3A_392 = vector.broadcast %jit3A_390 : i32 to vector<16xi32>
    %select_n3A_393 = arith.select %and3A_388, %broadcast_in_dim3A_391, %broadcast_in_dim3A_392 : vector<16xi1>, vector<16xi32>
    %add3A_394 = arith.addi %add3A_376, %select_n3A_393 : vector<16xi32>
    %get3A_395 = arith.constant 336 : index
    %get3A_396 = tpu.vector_load %arg5[%get3A_395] {strides = array<i32>} : memref<2048xi32, #tpu.memory_space<vmem>>, vector<16xi32>,
    %get3A_397 = vector.shape_cast %get3A_396 : vector<16xi32> to vector<16xi32>
    %add3A_398 = arith.constant 336 : i32
    %add3A_399 = arith.addi %mul3A_13, %add3A_398 : i32
    %add3A_400 = vector.broadcast %add3A_399 : i32 to vector<16xi32>
    %add3A_401 = arith.addi %add3A_400, %iota3A : vector<16xi32>
    %eq3A_402 = arith.constant 1 : i32
    %eq3A_403 = vector.broadcast %eq3A_402 : i32 to vector<16xi32>
    %eq3A_404 = arith.cmpi eq, %get3A_397, %eq3A_403 : vector<16xi32>
    %lt3A_405 = arith.cmpi slt, %add3A_401, %get3A_15 : vector<16xi32>
    %and3A_406 = arith.andi %eq3A_404, %lt3A_405 : vector<16xi1>
    %jit3A_407 = arith.constant 1 : i32
    %jit3A_408 = arith.constant 0 : i32
    %broadcast_in_dim3A_409 = vector.broadcast %jit3A_407 : i32 to vector<16xi32>
    %broadcast_in_dim3A_410 = vector.broadcast %jit3A_408 : i32 to vector<16xi32>
    %select_n3A_411 = arith.select %and3A_406, %broadcast_in_dim3A_409, %broadcast_in_dim3A_410 : vector<16xi1>, vector<16xi32>
    %add3A_412 = arith.addi %add3A_394, %select_n3A_411 : vector<16xi32>
    %get3A_413 = arith.constant 352 : index
    %get3A_414 = tpu.vector_load %arg5[%get3A_413] {strides = array<i32>} : memref<2048xi32, #tpu.memory_space<vmem>>, vector<16xi32>,
    %get3A_415 = vector.shape_cast %get3A_414 : vector<16xi32> to vector<16xi32>
    %add3A_416 = arith.constant 352 : i32
    %add3A_417 = arith.addi %mul3A_13, %add3A_416 : i32
    %add3A_418 = vector.broadcast %add3A_417 : i32 to vector<16xi32>
    %add3A_419 = arith.addi %add3A_418, %iota3A : vector<16xi32>
    %eq3A_420 = arith.constant 1 : i32
    %eq3A_421 = vector.broadcast %eq3A_420 : i32 to vector<16xi32>
    %eq3A_422 = arith.cmpi eq, %get3A_415, %eq3A_421 : vector<16xi32>
    %lt3A_423 = arith.cmpi slt, %add3A_419, %get3A_15 : vector<16xi32>
    %and3A_424 = arith.andi %eq3A_422, %lt3A_423 : vector<16xi1>
    %jit3A_425 = arith.constant 1 : i32
    %jit3A_426 = arith.constant 0 : i32
    %broadcast_in_dim3A_427 = vector.broadcast %jit3A_425 : i32 to vector<16xi32>
    %broadcast_in_dim3A_428 = vector.broadcast %jit3A_426 : i32 to vector<16xi32>
    %select_n3A_429 = arith.select %and3A_424, %broadcast_in_dim3A_427, %broadcast_in_dim3A_428 : vector<16xi1>, vector<16xi32>
    %add3A_430 = arith.addi %add3A_412, %select_n3A_429 : vector<16xi32>
    %get3A_431 = arith.constant 368 : index
    %get3A_432 = tpu.vector_load %arg5[%get3A_431] {strides = array<i32>} : memref<2048xi32, #tpu.memory_space<vmem>>, vector<16xi32>,
    %get3A_433 = vector.shape_cast %get3A_432 : vector<16xi32> to vector<16xi32>
    %add3A_434 = arith.constant 368 : i32
    %add3A_435 = arith.addi %mul3A_13, %add3A_434 : i32
    %add3A_436 = vector.broadcast %add3A_435 : i32 to vector<16xi32>
    %add3A_437 = arith.addi %add3A_436, %iota3A : vector<16xi32>
    %eq3A_438 = arith.constant 1 : i32
    %eq3A_439 = vector.broadcast %eq3A_438 : i32 to vector<16xi32>
    %eq3A_440 = arith.cmpi eq, %get3A_433, %eq3A_439 : vector<16xi32>
    %lt3A_441 = arith.cmpi slt, %add3A_437, %get3A_15 : vector<16xi32>
    %and3A_442 = arith.andi %eq3A_440, %lt3A_441 : vector<16xi1>
    %jit3A_443 = arith.constant 1 : i32
    %jit3A_444 = arith.constant 0 : i32
    %broadcast_in_dim3A_445 = vector.broadcast %jit3A_443 : i32 to vector<16xi32>
    %broadcast_in_dim3A_446 = vector.broadcast %jit3A_444 : i32 to vector<16xi32>
    %select_n3A_447 = arith.select %and3A_442, %broadcast_in_dim3A_445, %broadcast_in_dim3A_446 : vector<16xi1>, vector<16xi32>
    %add3A_448 = arith.addi %add3A_430, %select_n3A_447 : vector<16xi32>
    %get3A_449 = arith.constant 384 : index
    %get3A_450 = tpu.vector_load %arg5[%get3A_449] {strides = array<i32>} : memref<2048xi32, #tpu.memory_space<vmem>>, vector<16xi32>,
    %get3A_451 = vector.shape_cast %get3A_450 : vector<16xi32> to vector<16xi32>
    %add3A_452 = arith.constant 384 : i32
    %add3A_453 = arith.addi %mul3A_13, %add3A_452 : i32
    %add3A_454 = vector.broadcast %add3A_453 : i32 to vector<16xi32>
    %add3A_455 = arith.addi %add3A_454, %iota3A : vector<16xi32>
    %eq3A_456 = arith.constant 1 : i32
    %eq3A_457 = vector.broadcast %eq3A_456 : i32 to vector<16xi32>
    %eq3A_458 = arith.cmpi eq, %get3A_451, %eq3A_457 : vector<16xi32>
    %lt3A_459 = arith.cmpi slt, %add3A_455, %get3A_15 : vector<16xi32>
    %and3A_460 = arith.andi %eq3A_458, %lt3A_459 : vector<16xi1>
    %jit3A_461 = arith.constant 1 : i32
    %jit3A_462 = arith.constant 0 : i32
    %broadcast_in_dim3A_463 = vector.broadcast %jit3A_461 : i32 to vector<16xi32>
    %broadcast_in_dim3A_464 = vector.broadcast %jit3A_462 : i32 to vector<16xi32>
    %select_n3A_465 = arith.select %and3A_460, %broadcast_in_dim3A_463, %broadcast_in_dim3A_464 : vector<16xi1>, vector<16xi32>
    %add3A_466 = arith.addi %add3A_448, %select_n3A_465 : vector<16xi32>
    %get3A_467 = arith.constant 400 : index
    %get3A_468 = tpu.vector_load %arg5[%get3A_467] {strides = array<i32>} : memref<2048xi32, #tpu.memory_space<vmem>>, vector<16xi32>,
    %get3A_469 = vector.shape_cast %get3A_468 : vector<16xi32> to vector<16xi32>
    %add3A_470 = arith.constant 400 : i32
    %add3A_471 = arith.addi %mul3A_13, %add3A_470 : i32
    %add3A_472 = vector.broadcast %add3A_471 : i32 to vector<16xi32>
    %add3A_473 = arith.addi %add3A_472, %iota3A : vector<16xi32>
    %eq3A_474 = arith.constant 1 : i32
    %eq3A_475 = vector.broadcast %eq3A_474 : i32 to vector<16xi32>
    %eq3A_476 = arith.cmpi eq, %get3A_469, %eq3A_475 : vector<16xi32>
    %lt3A_477 = arith.cmpi slt, %add3A_473, %get3A_15 : vector<16xi32>
    %and3A_478 = arith.andi %eq3A_476, %lt3A_477 : vector<16xi1>
    %jit3A_479 = arith.constant 1 : i32
    %jit3A_480 = arith.constant 0 : i32
    %broadcast_in_dim3A_481 = vector.broadcast %jit3A_479 : i32 to vector<16xi32>
    %broadcast_in_dim3A_482 = vector.broadcast %jit3A_480 : i32 to vector<16xi32>
    %select_n3A_483 = arith.select %and3A_478, %broadcast_in_dim3A_481, %broadcast_in_dim3A_482 : vector<16xi1>, vector<16xi32>
    %add3A_484 = arith.addi %add3A_466, %select_n3A_483 : vector<16xi32>
    %get3A_485 = arith.constant 416 : index
    %get3A_486 = tpu.vector_load %arg5[%get3A_485] {strides = array<i32>} : memref<2048xi32, #tpu.memory_space<vmem>>, vector<16xi32>,
    %get3A_487 = vector.shape_cast %get3A_486 : vector<16xi32> to vector<16xi32>
    %add3A_488 = arith.constant 416 : i32
    %add3A_489 = arith.addi %mul3A_13, %add3A_488 : i32
    %add3A_490 = vector.broadcast %add3A_489 : i32 to vector<16xi32>
    %add3A_491 = arith.addi %add3A_490, %iota3A : vector<16xi32>
    %eq3A_492 = arith.constant 1 : i32
    %eq3A_493 = vector.broadcast %eq3A_492 : i32 to vector<16xi32>
    %eq3A_494 = arith.cmpi eq, %get3A_487, %eq3A_493 : vector<16xi32>
    %lt3A_495 = arith.cmpi slt, %add3A_491, %get3A_15 : vector<16xi32>
    %and3A_496 = arith.andi %eq3A_494, %lt3A_495 : vector<16xi1>
    %jit3A_497 = arith.constant 1 : i32
    %jit3A_498 = arith.constant 0 : i32
    %broadcast_in_dim3A_499 = vector.broadcast %jit3A_497 : i32 to vector<16xi32>
    %broadcast_in_dim3A_500 = vector.broadcast %jit3A_498 : i32 to vector<16xi32>
    %select_n3A_501 = arith.select %and3A_496, %broadcast_in_dim3A_499, %broadcast_in_dim3A_500 : vector<16xi1>, vector<16xi32>
    %add3A_502 = arith.addi %add3A_484, %select_n3A_501 : vector<16xi32>
    %get3A_503 = arith.constant 432 : index
    %get3A_504 = tpu.vector_load %arg5[%get3A_503] {strides = array<i32>} : memref<2048xi32, #tpu.memory_space<vmem>>, vector<16xi32>,
    %get3A_505 = vector.shape_cast %get3A_504 : vector<16xi32> to vector<16xi32>
    %add3A_506 = arith.constant 432 : i32
    %add3A_507 = arith.addi %mul3A_13, %add3A_506 : i32
    %add3A_508 = vector.broadcast %add3A_507 : i32 to vector<16xi32>
    %add3A_509 = arith.addi %add3A_508, %iota3A : vector<16xi32>
    %eq3A_510 = arith.constant 1 : i32
    %eq3A_511 = vector.broadcast %eq3A_510 : i32 to vector<16xi32>
    %eq3A_512 = arith.cmpi eq, %get3A_505, %eq3A_511 : vector<16xi32>
    %lt3A_513 = arith.cmpi slt, %add3A_509, %get3A_15 : vector<16xi32>
    %and3A_514 = arith.andi %eq3A_512, %lt3A_513 : vector<16xi1>
    %jit3A_515 = arith.constant 1 : i32
    %jit3A_516 = arith.constant 0 : i32
    %broadcast_in_dim3A_517 = vector.broadcast %jit3A_515 : i32 to vector<16xi32>
    %broadcast_in_dim3A_518 = vector.broadcast %jit3A_516 : i32 to vector<16xi32>
    %select_n3A_519 = arith.select %and3A_514, %broadcast_in_dim3A_517, %broadcast_in_dim3A_518 : vector<16xi1>, vector<16xi32>
    %add3A_520 = arith.addi %add3A_502, %select_n3A_519 : vector<16xi32>
    %get3A_521 = arith.constant 448 : index
    %get3A_522 = tpu.vector_load %arg5[%get3A_521] {strides = array<i32>} : memref<2048xi32, #tpu.memory_space<vmem>>, vector<16xi32>,
    %get3A_523 = vector.shape_cast %get3A_522 : vector<16xi32> to vector<16xi32>
    %add3A_524 = arith.constant 448 : i32
    %add3A_525 = arith.addi %mul3A_13, %add3A_524 : i32
    %add3A_526 = vector.broadcast %add3A_525 : i32 to vector<16xi32>
    %add3A_527 = arith.addi %add3A_526, %iota3A : vector<16xi32>
    %eq3A_528 = arith.constant 1 : i32
    %eq3A_529 = vector.broadcast %eq3A_528 : i32 to vector<16xi32>
    %eq3A_530 = arith.cmpi eq, %get3A_523, %eq3A_529 : vector<16xi32>
    %lt3A_531 = arith.cmpi slt, %add3A_527, %get3A_15 : vector<16xi32>
    %and3A_532 = arith.andi %eq3A_530, %lt3A_531 : vector<16xi1>
    %jit3A_533 = arith.constant 1 : i32
    %jit3A_534 = arith.constant 0 : i32
    %broadcast_in_dim3A_535 = vector.broadcast %jit3A_533 : i32 to vector<16xi32>
    %broadcast_in_dim3A_536 = vector.broadcast %jit3A_534 : i32 to vector<16xi32>
    %select_n3A_537 = arith.select %and3A_532, %broadcast_in_dim3A_535, %broadcast_in_dim3A_536 : vector<16xi1>, vector<16xi32>
    %add3A_538 = arith.addi %add3A_520, %select_n3A_537 : vector<16xi32>
    %get3A_539 = arith.constant 464 : index
    %get3A_540 = tpu.vector_load %arg5[%get3A_539] {strides = array<i32>} : memref<2048xi32, #tpu.memory_space<vmem>>, vector<16xi32>,
    %get3A_541 = vector.shape_cast %get3A_540 : vector<16xi32> to vector<16xi32>
    %add3A_542 = arith.constant 464 : i32
    %add3A_543 = arith.addi %mul3A_13, %add3A_542 : i32
    %add3A_544 = vector.broadcast %add3A_543 : i32 to vector<16xi32>
    %add3A_545 = arith.addi %add3A_544, %iota3A : vector<16xi32>
    %eq3A_546 = arith.constant 1 : i32
    %eq3A_547 = vector.broadcast %eq3A_546 : i32 to vector<16xi32>
    %eq3A_548 = arith.cmpi eq, %get3A_541, %eq3A_547 : vector<16xi32>
    %lt3A_549 = arith.cmpi slt, %add3A_545, %get3A_15 : vector<16xi32>
    %and3A_550 = arith.andi %eq3A_548, %lt3A_549 : vector<16xi1>
    %jit3A_551 = arith.constant 1 : i32
    %jit3A_552 = arith.constant 0 : i32
    %broadcast_in_dim3A_553 = vector.broadcast %jit3A_551 : i32 to vector<16xi32>
    %broadcast_in_dim3A_554 = vector.broadcast %jit3A_552 : i32 to vector<16xi32>
    %select_n3A_555 = arith.select %and3A_550, %broadcast_in_dim3A_553, %broadcast_in_dim3A_554 : vector<16xi1>, vector<16xi32>
    %add3A_556 = arith.addi %add3A_538, %select_n3A_555 : vector<16xi32>
    %get3A_557 = arith.constant 480 : index
    %get3A_558 = tpu.vector_load %arg5[%get3A_557] {strides = array<i32>} : memref<2048xi32, #tpu.memory_space<vmem>>, vector<16xi32>,
    %get3A_559 = vector.shape_cast %get3A_558 : vector<16xi32> to vector<16xi32>
    %add3A_560 = arith.constant 480 : i32
    %add3A_561 = arith.addi %mul3A_13, %add3A_560 : i32
    %add3A_562 = vector.broadcast %add3A_561 : i32 to vector<16xi32>
    %add3A_563 = arith.addi %add3A_562, %iota3A : vector<16xi32>
    %eq3A_564 = arith.constant 1 : i32
    %eq3A_565 = vector.broadcast %eq3A_564 : i32 to vector<16xi32>
    %eq3A_566 = arith.cmpi eq, %get3A_559, %eq3A_565 : vector<16xi32>
    %lt3A_567 = arith.cmpi slt, %add3A_563, %get3A_15 : vector<16xi32>
    %and3A_568 = arith.andi %eq3A_566, %lt3A_567 : vector<16xi1>
    %jit3A_569 = arith.constant 1 : i32
    %jit3A_570 = arith.constant 0 : i32
    %broadcast_in_dim3A_571 = vector.broadcast %jit3A_569 : i32 to vector<16xi32>
    %broadcast_in_dim3A_572 = vector.broadcast %jit3A_570 : i32 to vector<16xi32>
    %select_n3A_573 = arith.select %and3A_568, %broadcast_in_dim3A_571, %broadcast_in_dim3A_572 : vector<16xi1>, vector<16xi32>
    %add3A_574 = arith.addi %add3A_556, %select_n3A_573 : vector<16xi32>
    %get3A_575 = arith.constant 496 : index
    %get3A_576 = tpu.vector_load %arg5[%get3A_575] {strides = array<i32>} : memref<2048xi32, #tpu.memory_space<vmem>>, vector<16xi32>,
    %get3A_577 = vector.shape_cast %get3A_576 : vector<16xi32> to vector<16xi32>
    %add3A_578 = arith.constant 496 : i32
    %add3A_579 = arith.addi %mul3A_13, %add3A_578 : i32
    %add3A_580 = vector.broadcast %add3A_579 : i32 to vector<16xi32>
    %add3A_581 = arith.addi %add3A_580, %iota3A : vector<16xi32>
    %eq3A_582 = arith.constant 1 : i32
    %eq3A_583 = vector.broadcast %eq3A_582 : i32 to vector<16xi32>
    %eq3A_584 = arith.cmpi eq, %get3A_577, %eq3A_583 : vector<16xi32>
    %lt3A_585 = arith.cmpi slt, %add3A_581, %get3A_15 : vector<16xi32>
    %and3A_586 = arith.andi %eq3A_584, %lt3A_585 : vector<16xi1>
    %jit3A_587 = arith.constant 1 : i32
    %jit3A_588 = arith.constant 0 : i32
    %broadcast_in_dim3A_589 = vector.broadcast %jit3A_587 : i32 to vector<16xi32>
    %broadcast_in_dim3A_590 = vector.broadcast %jit3A_588 : i32 to vector<16xi32>
    %select_n3A_591 = arith.select %and3A_586, %broadcast_in_dim3A_589, %broadcast_in_dim3A_590 : vector<16xi1>, vector<16xi32>
    %add3A_592 = arith.addi %add3A_574, %select_n3A_591 : vector<16xi32>
    %get3A_593 = arith.constant 512 : index
    %get3A_594 = tpu.vector_load %arg5[%get3A_593] {strides = array<i32>} : memref<2048xi32, #tpu.memory_space<vmem>>, vector<16xi32>,
    %get3A_595 = vector.shape_cast %get3A_594 : vector<16xi32> to vector<16xi32>
    %add3A_596 = arith.constant 512 : i32
    %add3A_597 = arith.addi %mul3A_13, %add3A_596 : i32
    %add3A_598 = vector.broadcast %add3A_597 : i32 to vector<16xi32>
    %add3A_599 = arith.addi %add3A_598, %iota3A : vector<16xi32>
    %eq3A_600 = arith.constant 1 : i32
    %eq3A_601 = vector.broadcast %eq3A_600 : i32 to vector<16xi32>
    %eq3A_602 = arith.cmpi eq, %get3A_595, %eq3A_601 : vector<16xi32>
    %lt3A_603 = arith.cmpi slt, %add3A_599, %get3A_15 : vector<16xi32>
    %and3A_604 = arith.andi %eq3A_602, %lt3A_603 : vector<16xi1>
    %jit3A_605 = arith.constant 1 : i32
    %jit3A_606 = arith.constant 0 : i32
    %broadcast_in_dim3A_607 = vector.broadcast %jit3A_605 : i32 to vector<16xi32>
    %broadcast_in_dim3A_608 = vector.broadcast %jit3A_606 : i32 to vector<16xi32>
    %select_n3A_609 = arith.select %and3A_604, %broadcast_in_dim3A_607, %broadcast_in_dim3A_608 : vector<16xi1>, vector<16xi32>
    %add3A_610 = arith.addi %add3A_592, %select_n3A_609 : vector<16xi32>
    %get3A_611 = arith.constant 528 : index
    %get3A_612 = tpu.vector_load %arg5[%get3A_611] {strides = array<i32>} : memref<2048xi32, #tpu.memory_space<vmem>>, vector<16xi32>,
    %get3A_613 = vector.shape_cast %get3A_612 : vector<16xi32> to vector<16xi32>
    %add3A_614 = arith.constant 528 : i32
    %add3A_615 = arith.addi %mul3A_13, %add3A_614 : i32
    %add3A_616 = vector.broadcast %add3A_615 : i32 to vector<16xi32>
    %add3A_617 = arith.addi %add3A_616, %iota3A : vector<16xi32>
    %eq3A_618 = arith.constant 1 : i32
    %eq3A_619 = vector.broadcast %eq3A_618 : i32 to vector<16xi32>
    %eq3A_620 = arith.cmpi eq, %get3A_613, %eq3A_619 : vector<16xi32>
    %lt3A_621 = arith.cmpi slt, %add3A_617, %get3A_15 : vector<16xi32>
    %and3A_622 = arith.andi %eq3A_620, %lt3A_621 : vector<16xi1>
    %jit3A_623 = arith.constant 1 : i32
    %jit3A_624 = arith.constant 0 : i32
    %broadcast_in_dim3A_625 = vector.broadcast %jit3A_623 : i32 to vector<16xi32>
    %broadcast_in_dim3A_626 = vector.broadcast %jit3A_624 : i32 to vector<16xi32>
    %select_n3A_627 = arith.select %and3A_622, %broadcast_in_dim3A_625, %broadcast_in_dim3A_626 : vector<16xi1>, vector<16xi32>
    %add3A_628 = arith.addi %add3A_610, %select_n3A_627 : vector<16xi32>
    %get3A_629 = arith.constant 544 : index
    %get3A_630 = tpu.vector_load %arg5[%get3A_629] {strides = array<i32>} : memref<2048xi32, #tpu.memory_space<vmem>>, vector<16xi32>,
    %get3A_631 = vector.shape_cast %get3A_630 : vector<16xi32> to vector<16xi32>
    %add3A_632 = arith.constant 544 : i32
    %add3A_633 = arith.addi %mul3A_13, %add3A_632 : i32
    %add3A_634 = vector.broadcast %add3A_633 : i32 to vector<16xi32>
    %add3A_635 = arith.addi %add3A_634, %iota3A : vector<16xi32>
    %eq3A_636 = arith.constant 1 : i32
    %eq3A_637 = vector.broadcast %eq3A_636 : i32 to vector<16xi32>
    %eq3A_638 = arith.cmpi eq, %get3A_631, %eq3A_637 : vector<16xi32>
    %lt3A_639 = arith.cmpi slt, %add3A_635, %get3A_15 : vector<16xi32>
    %and3A_640 = arith.andi %eq3A_638, %lt3A_639 : vector<16xi1>
    %jit3A_641 = arith.constant 1 : i32
    %jit3A_642 = arith.constant 0 : i32
    %broadcast_in_dim3A_643 = vector.broadcast %jit3A_641 : i32 to vector<16xi32>
    %broadcast_in_dim3A_644 = vector.broadcast %jit3A_642 : i32 to vector<16xi32>
    %select_n3A_645 = arith.select %and3A_640, %broadcast_in_dim3A_643, %broadcast_in_dim3A_644 : vector<16xi1>, vector<16xi32>
    %add3A_646 = arith.addi %add3A_628, %select_n3A_645 : vector<16xi32>
    %get3A_647 = arith.constant 560 : index
    %get3A_648 = tpu.vector_load %arg5[%get3A_647] {strides = array<i32>} : memref<2048xi32, #tpu.memory_space<vmem>>, vector<16xi32>,
    %get3A_649 = vector.shape_cast %get3A_648 : vector<16xi32> to vector<16xi32>
    %add3A_650 = arith.constant 560 : i32
    %add3A_651 = arith.addi %mul3A_13, %add3A_650 : i32
    %add3A_652 = vector.broadcast %add3A_651 : i32 to vector<16xi32>
    %add3A_653 = arith.addi %add3A_652, %iota3A : vector<16xi32>
    %eq3A_654 = arith.constant 1 : i32
    %eq3A_655 = vector.broadcast %eq3A_654 : i32 to vector<16xi32>
    %eq3A_656 = arith.cmpi eq, %get3A_649, %eq3A_655 : vector<16xi32>
    %lt3A_657 = arith.cmpi slt, %add3A_653, %get3A_15 : vector<16xi32>
    %and3A_658 = arith.andi %eq3A_656, %lt3A_657 : vector<16xi1>
    %jit3A_659 = arith.constant 1 : i32
    %jit3A_660 = arith.constant 0 : i32
    %broadcast_in_dim3A_661 = vector.broadcast %jit3A_659 : i32 to vector<16xi32>
    %broadcast_in_dim3A_662 = vector.broadcast %jit3A_660 : i32 to vector<16xi32>
    %select_n3A_663 = arith.select %and3A_658, %broadcast_in_dim3A_661, %broadcast_in_dim3A_662 : vector<16xi1>, vector<16xi32>
    %add3A_664 = arith.addi %add3A_646, %select_n3A_663 : vector<16xi32>
    %get3A_665 = arith.constant 576 : index
    %get3A_666 = tpu.vector_load %arg5[%get3A_665] {strides = array<i32>} : memref<2048xi32, #tpu.memory_space<vmem>>, vector<16xi32>,
    %get3A_667 = vector.shape_cast %get3A_666 : vector<16xi32> to vector<16xi32>
    %add3A_668 = arith.constant 576 : i32
    %add3A_669 = arith.addi %mul3A_13, %add3A_668 : i32
    %add3A_670 = vector.broadcast %add3A_669 : i32 to vector<16xi32>
    %add3A_671 = arith.addi %add3A_670, %iota3A : vector<16xi32>
    %eq3A_672 = arith.constant 1 : i32
    %eq3A_673 = vector.broadcast %eq3A_672 : i32 to vector<16xi32>
    %eq3A_674 = arith.cmpi eq, %get3A_667, %eq3A_673 : vector<16xi32>
    %lt3A_675 = arith.cmpi slt, %add3A_671, %get3A_15 : vector<16xi32>
    %and3A_676 = arith.andi %eq3A_674, %lt3A_675 : vector<16xi1>
    %jit3A_677 = arith.constant 1 : i32
    %jit3A_678 = arith.constant 0 : i32
    %broadcast_in_dim3A_679 = vector.broadcast %jit3A_677 : i32 to vector<16xi32>
    %broadcast_in_dim3A_680 = vector.broadcast %jit3A_678 : i32 to vector<16xi32>
    %select_n3A_681 = arith.select %and3A_676, %broadcast_in_dim3A_679, %broadcast_in_dim3A_680 : vector<16xi1>, vector<16xi32>
    %add3A_682 = arith.addi %add3A_664, %select_n3A_681 : vector<16xi32>
    %get3A_683 = arith.constant 592 : index
    %get3A_684 = tpu.vector_load %arg5[%get3A_683] {strides = array<i32>} : memref<2048xi32, #tpu.memory_space<vmem>>, vector<16xi32>,
    %get3A_685 = vector.shape_cast %get3A_684 : vector<16xi32> to vector<16xi32>
    %add3A_686 = arith.constant 592 : i32
    %add3A_687 = arith.addi %mul3A_13, %add3A_686 : i32
    %add3A_688 = vector.broadcast %add3A_687 : i32 to vector<16xi32>
    %add3A_689 = arith.addi %add3A_688, %iota3A : vector<16xi32>
    %eq3A_690 = arith.constant 1 : i32
    %eq3A_691 = vector.broadcast %eq3A_690 : i32 to vector<16xi32>
    %eq3A_692 = arith.cmpi eq, %get3A_685, %eq3A_691 : vector<16xi32>
    %lt3A_693 = arith.cmpi slt, %add3A_689, %get3A_15 : vector<16xi32>
    %and3A_694 = arith.andi %eq3A_692, %lt3A_693 : vector<16xi1>
    %jit3A_695 = arith.constant 1 : i32
    %jit3A_696 = arith.constant 0 : i32
    %broadcast_in_dim3A_697 = vector.broadcast %jit3A_695 : i32 to vector<16xi32>
    %broadcast_in_dim3A_698 = vector.broadcast %jit3A_696 : i32 to vector<16xi32>
    %select_n3A_699 = arith.select %and3A_694, %broadcast_in_dim3A_697, %broadcast_in_dim3A_698 : vector<16xi1>, vector<16xi32>
    %add3A_700 = arith.addi %add3A_682, %select_n3A_699 : vector<16xi32>
    %get3A_701 = arith.constant 608 : index
    %get3A_702 = tpu.vector_load %arg5[%get3A_701] {strides = array<i32>} : memref<2048xi32, #tpu.memory_space<vmem>>, vector<16xi32>,
    %get3A_703 = vector.shape_cast %get3A_702 : vector<16xi32> to vector<16xi32>
    %add3A_704 = arith.constant 608 : i32
    %add3A_705 = arith.addi %mul3A_13, %add3A_704 : i32
    %add3A_706 = vector.broadcast %add3A_705 : i32 to vector<16xi32>
    %add3A_707 = arith.addi %add3A_706, %iota3A : vector<16xi32>
    %eq3A_708 = arith.constant 1 : i32
    %eq3A_709 = vector.broadcast %eq3A_708 : i32 to vector<16xi32>
    %eq3A_710 = arith.cmpi eq, %get3A_703, %eq3A_709 : vector<16xi32>
    %lt3A_711 = arith.cmpi slt, %add3A_707, %get3A_15 : vector<16xi32>
    %and3A_712 = arith.andi %eq3A_710, %lt3A_711 : vector<16xi1>
    %jit3A_713 = arith.constant 1 : i32
    %jit3A_714 = arith.constant 0 : i32
    %broadcast_in_dim3A_715 = vector.broadcast %jit3A_713 : i32 to vector<16xi32>
    %broadcast_in_dim3A_716 = vector.broadcast %jit3A_714 : i32 to vector<16xi32>
    %select_n3A_717 = arith.select %and3A_712, %broadcast_in_dim3A_715, %broadcast_in_dim3A_716 : vector<16xi1>, vector<16xi32>
    %add3A_718 = arith.addi %add3A_700, %select_n3A_717 : vector<16xi32>
    %get3A_719 = arith.constant 624 : index
    %get3A_720 = tpu.vector_load %arg5[%get3A_719] {strides = array<i32>} : memref<2048xi32, #tpu.memory_space<vmem>>, vector<16xi32>,
    %get3A_721 = vector.shape_cast %get3A_720 : vector<16xi32> to vector<16xi32>
    %add3A_722 = arith.constant 624 : i32
    %add3A_723 = arith.addi %mul3A_13, %add3A_722 : i32
    %add3A_724 = vector.broadcast %add3A_723 : i32 to vector<16xi32>
    %add3A_725 = arith.addi %add3A_724, %iota3A : vector<16xi32>
    %eq3A_726 = arith.constant 1 : i32
    %eq3A_727 = vector.broadcast %eq3A_726 : i32 to vector<16xi32>
    %eq3A_728 = arith.cmpi eq, %get3A_721, %eq3A_727 : vector<16xi32>
    %lt3A_729 = arith.cmpi slt, %add3A_725, %get3A_15 : vector<16xi32>
    %and3A_730 = arith.andi %eq3A_728, %lt3A_729 : vector<16xi1>
    %jit3A_731 = arith.constant 1 : i32
    %jit3A_732 = arith.constant 0 : i32
    %broadcast_in_dim3A_733 = vector.broadcast %jit3A_731 : i32 to vector<16xi32>
    %broadcast_in_dim3A_734 = vector.broadcast %jit3A_732 : i32 to vector<16xi32>
    %select_n3A_735 = arith.select %and3A_730, %broadcast_in_dim3A_733, %broadcast_in_dim3A_734 : vector<16xi1>, vector<16xi32>
    %add3A_736 = arith.addi %add3A_718, %select_n3A_735 : vector<16xi32>
    %get3A_737 = arith.constant 640 : index
    %get3A_738 = tpu.vector_load %arg5[%get3A_737] {strides = array<i32>} : memref<2048xi32, #tpu.memory_space<vmem>>, vector<16xi32>,
    %get3A_739 = vector.shape_cast %get3A_738 : vector<16xi32> to vector<16xi32>
    %add3A_740 = arith.constant 640 : i32
    %add3A_741 = arith.addi %mul3A_13, %add3A_740 : i32
    %add3A_742 = vector.broadcast %add3A_741 : i32 to vector<16xi32>
    %add3A_743 = arith.addi %add3A_742, %iota3A : vector<16xi32>
    %eq3A_744 = arith.constant 1 : i32
    %eq3A_745 = vector.broadcast %eq3A_744 : i32 to vector<16xi32>
    %eq3A_746 = arith.cmpi eq, %get3A_739, %eq3A_745 : vector<16xi32>
    %lt3A_747 = arith.cmpi slt, %add3A_743, %get3A_15 : vector<16xi32>
    %and3A_748 = arith.andi %eq3A_746, %lt3A_747 : vector<16xi1>
    %jit3A_749 = arith.constant 1 : i32
    %jit3A_750 = arith.constant 0 : i32
    %broadcast_in_dim3A_751 = vector.broadcast %jit3A_749 : i32 to vector<16xi32>
    %broadcast_in_dim3A_752 = vector.broadcast %jit3A_750 : i32 to vector<16xi32>
    %select_n3A_753 = arith.select %and3A_748, %broadcast_in_dim3A_751, %broadcast_in_dim3A_752 : vector<16xi1>, vector<16xi32>
    %add3A_754 = arith.addi %add3A_736, %select_n3A_753 : vector<16xi32>
    %get3A_755 = arith.constant 656 : index
    %get3A_756 = tpu.vector_load %arg5[%get3A_755] {strides = array<i32>} : memref<2048xi32, #tpu.memory_space<vmem>>, vector<16xi32>,
    %get3A_757 = vector.shape_cast %get3A_756 : vector<16xi32> to vector<16xi32>
    %add3A_758 = arith.constant 656 : i32
    %add3A_759 = arith.addi %mul3A_13, %add3A_758 : i32
    %add3A_760 = vector.broadcast %add3A_759 : i32 to vector<16xi32>
    %add3A_761 = arith.addi %add3A_760, %iota3A : vector<16xi32>
    %eq3A_762 = arith.constant 1 : i32
    %eq3A_763 = vector.broadcast %eq3A_762 : i32 to vector<16xi32>
    %eq3A_764 = arith.cmpi eq, %get3A_757, %eq3A_763 : vector<16xi32>
    %lt3A_765 = arith.cmpi slt, %add3A_761, %get3A_15 : vector<16xi32>
    %and3A_766 = arith.andi %eq3A_764, %lt3A_765 : vector<16xi1>
    %jit3A_767 = arith.constant 1 : i32
    %jit3A_768 = arith.constant 0 : i32
    %broadcast_in_dim3A_769 = vector.broadcast %jit3A_767 : i32 to vector<16xi32>
    %broadcast_in_dim3A_770 = vector.broadcast %jit3A_768 : i32 to vector<16xi32>
    %select_n3A_771 = arith.select %and3A_766, %broadcast_in_dim3A_769, %broadcast_in_dim3A_770 : vector<16xi1>, vector<16xi32>
    %add3A_772 = arith.addi %add3A_754, %select_n3A_771 : vector<16xi32>
    %get3A_773 = arith.constant 672 : index
    %get3A_774 = tpu.vector_load %arg5[%get3A_773] {strides = array<i32>} : memref<2048xi32, #tpu.memory_space<vmem>>, vector<16xi32>,
    %get3A_775 = vector.shape_cast %get3A_774 : vector<16xi32> to vector<16xi32>
    %add3A_776 = arith.constant 672 : i32
    %add3A_777 = arith.addi %mul3A_13, %add3A_776 : i32
    %add3A_778 = vector.broadcast %add3A_777 : i32 to vector<16xi32>
    %add3A_779 = arith.addi %add3A_778, %iota3A : vector<16xi32>
    %eq3A_780 = arith.constant 1 : i32
    %eq3A_781 = vector.broadcast %eq3A_780 : i32 to vector<16xi32>
    %eq3A_782 = arith.cmpi eq, %get3A_775, %eq3A_781 : vector<16xi32>
    %lt3A_783 = arith.cmpi slt, %add3A_779, %get3A_15 : vector<16xi32>
    %and3A_784 = arith.andi %eq3A_782, %lt3A_783 : vector<16xi1>
    %jit3A_785 = arith.constant 1 : i32
    %jit3A_786 = arith.constant 0 : i32
    %broadcast_in_dim3A_787 = vector.broadcast %jit3A_785 : i32 to vector<16xi32>
    %broadcast_in_dim3A_788 = vector.broadcast %jit3A_786 : i32 to vector<16xi32>
    %select_n3A_789 = arith.select %and3A_784, %broadcast_in_dim3A_787, %broadcast_in_dim3A_788 : vector<16xi1>, vector<16xi32>
    %add3A_790 = arith.addi %add3A_772, %select_n3A_789 : vector<16xi32>
    %get3A_791 = arith.constant 688 : index
    %get3A_792 = tpu.vector_load %arg5[%get3A_791] {strides = array<i32>} : memref<2048xi32, #tpu.memory_space<vmem>>, vector<16xi32>,
    %get3A_793 = vector.shape_cast %get3A_792 : vector<16xi32> to vector<16xi32>
    %add3A_794 = arith.constant 688 : i32
    %add3A_795 = arith.addi %mul3A_13, %add3A_794 : i32
    %add3A_796 = vector.broadcast %add3A_795 : i32 to vector<16xi32>
    %add3A_797 = arith.addi %add3A_796, %iota3A : vector<16xi32>
    %eq3A_798 = arith.constant 1 : i32
    %eq3A_799 = vector.broadcast %eq3A_798 : i32 to vector<16xi32>
    %eq3A_800 = arith.cmpi eq, %get3A_793, %eq3A_799 : vector<16xi32>
    %lt3A_801 = arith.cmpi slt, %add3A_797, %get3A_15 : vector<16xi32>
    %and3A_802 = arith.andi %eq3A_800, %lt3A_801 : vector<16xi1>
    %jit3A_803 = arith.constant 1 : i32
    %jit3A_804 = arith.constant 0 : i32
    %broadcast_in_dim3A_805 = vector.broadcast %jit3A_803 : i32 to vector<16xi32>
    %broadcast_in_dim3A_806 = vector.broadcast %jit3A_804 : i32 to vector<16xi32>
    %select_n3A_807 = arith.select %and3A_802, %broadcast_in_dim3A_805, %broadcast_in_dim3A_806 : vector<16xi1>, vector<16xi32>
    %add3A_808 = arith.addi %add3A_790, %select_n3A_807 : vector<16xi32>
    %get3A_809 = arith.constant 704 : index
    %get3A_810 = tpu.vector_load %arg5[%get3A_809] {strides = array<i32>} : memref<2048xi32, #tpu.memory_space<vmem>>, vector<16xi32>,
    %get3A_811 = vector.shape_cast %get3A_810 : vector<16xi32> to vector<16xi32>
    %add3A_812 = arith.constant 704 : i32
    %add3A_813 = arith.addi %mul3A_13, %add3A_812 : i32
    %add3A_814 = vector.broadcast %add3A_813 : i32 to vector<16xi32>
    %add3A_815 = arith.addi %add3A_814, %iota3A : vector<16xi32>
    %eq3A_816 = arith.constant 1 : i32
    %eq3A_817 = vector.broadcast %eq3A_816 : i32 to vector<16xi32>
    %eq3A_818 = arith.cmpi eq, %get3A_811, %eq3A_817 : vector<16xi32>
    %lt3A_819 = arith.cmpi slt, %add3A_815, %get3A_15 : vector<16xi32>
    %and3A_820 = arith.andi %eq3A_818, %lt3A_819 : vector<16xi1>
    %jit3A_821 = arith.constant 1 : i32
    %jit3A_822 = arith.constant 0 : i32
    %broadcast_in_dim3A_823 = vector.broadcast %jit3A_821 : i32 to vector<16xi32>
    %broadcast_in_dim3A_824 = vector.broadcast %jit3A_822 : i32 to vector<16xi32>
    %select_n3A_825 = arith.select %and3A_820, %broadcast_in_dim3A_823, %broadcast_in_dim3A_824 : vector<16xi1>, vector<16xi32>
    %add3A_826 = arith.addi %add3A_808, %select_n3A_825 : vector<16xi32>
    %get3A_827 = arith.constant 720 : index
    %get3A_828 = tpu.vector_load %arg5[%get3A_827] {strides = array<i32>} : memref<2048xi32, #tpu.memory_space<vmem>>, vector<16xi32>,
    %get3A_829 = vector.shape_cast %get3A_828 : vector<16xi32> to vector<16xi32>
    %add3A_830 = arith.constant 720 : i32
    %add3A_831 = arith.addi %mul3A_13, %add3A_830 : i32
    %add3A_832 = vector.broadcast %add3A_831 : i32 to vector<16xi32>
    %add3A_833 = arith.addi %add3A_832, %iota3A : vector<16xi32>
    %eq3A_834 = arith.constant 1 : i32
    %eq3A_835 = vector.broadcast %eq3A_834 : i32 to vector<16xi32>
    %eq3A_836 = arith.cmpi eq, %get3A_829, %eq3A_835 : vector<16xi32>
    %lt3A_837 = arith.cmpi slt, %add3A_833, %get3A_15 : vector<16xi32>
    %and3A_838 = arith.andi %eq3A_836, %lt3A_837 : vector<16xi1>
    %jit3A_839 = arith.constant 1 : i32
    %jit3A_840 = arith.constant 0 : i32
    %broadcast_in_dim3A_841 = vector.broadcast %jit3A_839 : i32 to vector<16xi32>
    %broadcast_in_dim3A_842 = vector.broadcast %jit3A_840 : i32 to vector<16xi32>
    %select_n3A_843 = arith.select %and3A_838, %broadcast_in_dim3A_841, %broadcast_in_dim3A_842 : vector<16xi1>, vector<16xi32>
    %add3A_844 = arith.addi %add3A_826, %select_n3A_843 : vector<16xi32>
    %get3A_845 = arith.constant 736 : index
    %get3A_846 = tpu.vector_load %arg5[%get3A_845] {strides = array<i32>} : memref<2048xi32, #tpu.memory_space<vmem>>, vector<16xi32>,
    %get3A_847 = vector.shape_cast %get3A_846 : vector<16xi32> to vector<16xi32>
    %add3A_848 = arith.constant 736 : i32
    %add3A_849 = arith.addi %mul3A_13, %add3A_848 : i32
    %add3A_850 = vector.broadcast %add3A_849 : i32 to vector<16xi32>
    %add3A_851 = arith.addi %add3A_850, %iota3A : vector<16xi32>
    %eq3A_852 = arith.constant 1 : i32
    %eq3A_853 = vector.broadcast %eq3A_852 : i32 to vector<16xi32>
    %eq3A_854 = arith.cmpi eq, %get3A_847, %eq3A_853 : vector<16xi32>
    %lt3A_855 = arith.cmpi slt, %add3A_851, %get3A_15 : vector<16xi32>
    %and3A_856 = arith.andi %eq3A_854, %lt3A_855 : vector<16xi1>
    %jit3A_857 = arith.constant 1 : i32
    %jit3A_858 = arith.constant 0 : i32
    %broadcast_in_dim3A_859 = vector.broadcast %jit3A_857 : i32 to vector<16xi32>
    %broadcast_in_dim3A_860 = vector.broadcast %jit3A_858 : i32 to vector<16xi32>
    %select_n3A_861 = arith.select %and3A_856, %broadcast_in_dim3A_859, %broadcast_in_dim3A_860 : vector<16xi1>, vector<16xi32>
    %add3A_862 = arith.addi %add3A_844, %select_n3A_861 : vector<16xi32>
    %get3A_863 = arith.constant 752 : index
    %get3A_864 = tpu.vector_load %arg5[%get3A_863] {strides = array<i32>} : memref<2048xi32, #tpu.memory_space<vmem>>, vector<16xi32>,
    %get3A_865 = vector.shape_cast %get3A_864 : vector<16xi32> to vector<16xi32>
    %add3A_866 = arith.constant 752 : i32
    %add3A_867 = arith.addi %mul3A_13, %add3A_866 : i32
    %add3A_868 = vector.broadcast %add3A_867 : i32 to vector<16xi32>
    %add3A_869 = arith.addi %add3A_868, %iota3A : vector<16xi32>
    %eq3A_870 = arith.constant 1 : i32
    %eq3A_871 = vector.broadcast %eq3A_870 : i32 to vector<16xi32>
    %eq3A_872 = arith.cmpi eq, %get3A_865, %eq3A_871 : vector<16xi32>
    %lt3A_873 = arith.cmpi slt, %add3A_869, %get3A_15 : vector<16xi32>
    %and3A_874 = arith.andi %eq3A_872, %lt3A_873 : vector<16xi1>
    %jit3A_875 = arith.constant 1 : i32
    %jit3A_876 = arith.constant 0 : i32
    %broadcast_in_dim3A_877 = vector.broadcast %jit3A_875 : i32 to vector<16xi32>
    %broadcast_in_dim3A_878 = vector.broadcast %jit3A_876 : i32 to vector<16xi32>
    %select_n3A_879 = arith.select %and3A_874, %broadcast_in_dim3A_877, %broadcast_in_dim3A_878 : vector<16xi1>, vector<16xi32>
    %add3A_880 = arith.addi %add3A_862, %select_n3A_879 : vector<16xi32>
    %get3A_881 = arith.constant 768 : index
    %get3A_882 = tpu.vector_load %arg5[%get3A_881] {strides = array<i32>} : memref<2048xi32, #tpu.memory_space<vmem>>, vector<16xi32>,
    %get3A_883 = vector.shape_cast %get3A_882 : vector<16xi32> to vector<16xi32>
    %add3A_884 = arith.constant 768 : i32
    %add3A_885 = arith.addi %mul3A_13, %add3A_884 : i32
    %add3A_886 = vector.broadcast %add3A_885 : i32 to vector<16xi32>
    %add3A_887 = arith.addi %add3A_886, %iota3A : vector<16xi32>
    %eq3A_888 = arith.constant 1 : i32
    %eq3A_889 = vector.broadcast %eq3A_888 : i32 to vector<16xi32>
    %eq3A_890 = arith.cmpi eq, %get3A_883, %eq3A_889 : vector<16xi32>
    %lt3A_891 = arith.cmpi slt, %add3A_887, %get3A_15 : vector<16xi32>
    %and3A_892 = arith.andi %eq3A_890, %lt3A_891 : vector<16xi1>
    %jit3A_893 = arith.constant 1 : i32
    %jit3A_894 = arith.constant 0 : i32
    %broadcast_in_dim3A_895 = vector.broadcast %jit3A_893 : i32 to vector<16xi32>
    %broadcast_in_dim3A_896 = vector.broadcast %jit3A_894 : i32 to vector<16xi32>
    %select_n3A_897 = arith.select %and3A_892, %broadcast_in_dim3A_895, %broadcast_in_dim3A_896 : vector<16xi1>, vector<16xi32>
    %add3A_898 = arith.addi %add3A_880, %select_n3A_897 : vector<16xi32>
    %get3A_899 = arith.constant 784 : index
    %get3A_900 = tpu.vector_load %arg5[%get3A_899] {strides = array<i32>} : memref<2048xi32, #tpu.memory_space<vmem>>, vector<16xi32>,
    %get3A_901 = vector.shape_cast %get3A_900 : vector<16xi32> to vector<16xi32>
    %add3A_902 = arith.constant 784 : i32
    %add3A_903 = arith.addi %mul3A_13, %add3A_902 : i32
    %add3A_904 = vector.broadcast %add3A_903 : i32 to vector<16xi32>
    %add3A_905 = arith.addi %add3A_904, %iota3A : vector<16xi32>
    %eq3A_906 = arith.constant 1 : i32
    %eq3A_907 = vector.broadcast %eq3A_906 : i32 to vector<16xi32>
    %eq3A_908 = arith.cmpi eq, %get3A_901, %eq3A_907 : vector<16xi32>
    %lt3A_909 = arith.cmpi slt, %add3A_905, %get3A_15 : vector<16xi32>
    %and3A_910 = arith.andi %eq3A_908, %lt3A_909 : vector<16xi1>
    %jit3A_911 = arith.constant 1 : i32
    %jit3A_912 = arith.constant 0 : i32
    %broadcast_in_dim3A_913 = vector.broadcast %jit3A_911 : i32 to vector<16xi32>
    %broadcast_in_dim3A_914 = vector.broadcast %jit3A_912 : i32 to vector<16xi32>
    %select_n3A_915 = arith.select %and3A_910, %broadcast_in_dim3A_913, %broadcast_in_dim3A_914 : vector<16xi1>, vector<16xi32>
    %add3A_916 = arith.addi %add3A_898, %select_n3A_915 : vector<16xi32>
    %get3A_917 = arith.constant 800 : index
    %get3A_918 = tpu.vector_load %arg5[%get3A_917] {strides = array<i32>} : memref<2048xi32, #tpu.memory_space<vmem>>, vector<16xi32>,
    %get3A_919 = vector.shape_cast %get3A_918 : vector<16xi32> to vector<16xi32>
    %add3A_920 = arith.constant 800 : i32
    %add3A_921 = arith.addi %mul3A_13, %add3A_920 : i32
    %add3A_922 = vector.broadcast %add3A_921 : i32 to vector<16xi32>
    %add3A_923 = arith.addi %add3A_922, %iota3A : vector<16xi32>
    %eq3A_924 = arith.constant 1 : i32
    %eq3A_925 = vector.broadcast %eq3A_924 : i32 to vector<16xi32>
    %eq3A_926 = arith.cmpi eq, %get3A_919, %eq3A_925 : vector<16xi32>
    %lt3A_927 = arith.cmpi slt, %add3A_923, %get3A_15 : vector<16xi32>
    %and3A_928 = arith.andi %eq3A_926, %lt3A_927 : vector<16xi1>
    %jit3A_929 = arith.constant 1 : i32
    %jit3A_930 = arith.constant 0 : i32
    %broadcast_in_dim3A_931 = vector.broadcast %jit3A_929 : i32 to vector<16xi32>
    %broadcast_in_dim3A_932 = vector.broadcast %jit3A_930 : i32 to vector<16xi32>
    %select_n3A_933 = arith.select %and3A_928, %broadcast_in_dim3A_931, %broadcast_in_dim3A_932 : vector<16xi1>, vector<16xi32>
    %add3A_934 = arith.addi %add3A_916, %select_n3A_933 : vector<16xi32>
    %get3A_935 = arith.constant 816 : index
    %get3A_936 = tpu.vector_load %arg5[%get3A_935] {strides = array<i32>} : memref<2048xi32, #tpu.memory_space<vmem>>, vector<16xi32>,
    %get3A_937 = vector.shape_cast %get3A_936 : vector<16xi32> to vector<16xi32>
    %add3A_938 = arith.constant 816 : i32
    %add3A_939 = arith.addi %mul3A_13, %add3A_938 : i32
    %add3A_940 = vector.broadcast %add3A_939 : i32 to vector<16xi32>
    %add3A_941 = arith.addi %add3A_940, %iota3A : vector<16xi32>
    %eq3A_942 = arith.constant 1 : i32
    %eq3A_943 = vector.broadcast %eq3A_942 : i32 to vector<16xi32>
    %eq3A_944 = arith.cmpi eq, %get3A_937, %eq3A_943 : vector<16xi32>
    %lt3A_945 = arith.cmpi slt, %add3A_941, %get3A_15 : vector<16xi32>
    %and3A_946 = arith.andi %eq3A_944, %lt3A_945 : vector<16xi1>
    %jit3A_947 = arith.constant 1 : i32
    %jit3A_948 = arith.constant 0 : i32
    %broadcast_in_dim3A_949 = vector.broadcast %jit3A_947 : i32 to vector<16xi32>
    %broadcast_in_dim3A_950 = vector.broadcast %jit3A_948 : i32 to vector<16xi32>
    %select_n3A_951 = arith.select %and3A_946, %broadcast_in_dim3A_949, %broadcast_in_dim3A_950 : vector<16xi1>, vector<16xi32>
    %add3A_952 = arith.addi %add3A_934, %select_n3A_951 : vector<16xi32>
    %get3A_953 = arith.constant 832 : index
    %get3A_954 = tpu.vector_load %arg5[%get3A_953] {strides = array<i32>} : memref<2048xi32, #tpu.memory_space<vmem>>, vector<16xi32>,
    %get3A_955 = vector.shape_cast %get3A_954 : vector<16xi32> to vector<16xi32>
    %add3A_956 = arith.constant 832 : i32
    %add3A_957 = arith.addi %mul3A_13, %add3A_956 : i32
    %add3A_958 = vector.broadcast %add3A_957 : i32 to vector<16xi32>
    %add3A_959 = arith.addi %add3A_958, %iota3A : vector<16xi32>
    %eq3A_960 = arith.constant 1 : i32
    %eq3A_961 = vector.broadcast %eq3A_960 : i32 to vector<16xi32>
    %eq3A_962 = arith.cmpi eq, %get3A_955, %eq3A_961 : vector<16xi32>
    %lt3A_963 = arith.cmpi slt, %add3A_959, %get3A_15 : vector<16xi32>
    %and3A_964 = arith.andi %eq3A_962, %lt3A_963 : vector<16xi1>
    %jit3A_965 = arith.constant 1 : i32
    %jit3A_966 = arith.constant 0 : i32
    %broadcast_in_dim3A_967 = vector.broadcast %jit3A_965 : i32 to vector<16xi32>
    %broadcast_in_dim3A_968 = vector.broadcast %jit3A_966 : i32 to vector<16xi32>
    %select_n3A_969 = arith.select %and3A_964, %broadcast_in_dim3A_967, %broadcast_in_dim3A_968 : vector<16xi1>, vector<16xi32>
    %add3A_970 = arith.addi %add3A_952, %select_n3A_969 : vector<16xi32>
    %get3A_971 = arith.constant 848 : index
    %get3A_972 = tpu.vector_load %arg5[%get3A_971] {strides = array<i32>} : memref<2048xi32, #tpu.memory_space<vmem>>, vector<16xi32>,
    %get3A_973 = vector.shape_cast %get3A_972 : vector<16xi32> to vector<16xi32>
    %add3A_974 = arith.constant 848 : i32
    %add3A_975 = arith.addi %mul3A_13, %add3A_974 : i32
    %add3A_976 = vector.broadcast %add3A_975 : i32 to vector<16xi32>
    %add3A_977 = arith.addi %add3A_976, %iota3A : vector<16xi32>
    %eq3A_978 = arith.constant 1 : i32
    %eq3A_979 = vector.broadcast %eq3A_978 : i32 to vector<16xi32>
    %eq3A_980 = arith.cmpi eq, %get3A_973, %eq3A_979 : vector<16xi32>
    %lt3A_981 = arith.cmpi slt, %add3A_977, %get3A_15 : vector<16xi32>
    %and3A_982 = arith.andi %eq3A_980, %lt3A_981 : vector<16xi1>
    %jit3A_983 = arith.constant 1 : i32
    %jit3A_984 = arith.constant 0 : i32
    %broadcast_in_dim3A_985 = vector.broadcast %jit3A_983 : i32 to vector<16xi32>
    %broadcast_in_dim3A_986 = vector.broadcast %jit3A_984 : i32 to vector<16xi32>
    %select_n3A_987 = arith.select %and3A_982, %broadcast_in_dim3A_985, %broadcast_in_dim3A_986 : vector<16xi1>, vector<16xi32>
    %add3A_988 = arith.addi %add3A_970, %select_n3A_987 : vector<16xi32>
    %get3A_989 = arith.constant 864 : index
    %get3A_990 = tpu.vector_load %arg5[%get3A_989] {strides = array<i32>} : memref<2048xi32, #tpu.memory_space<vmem>>, vector<16xi32>,
    %get3A_991 = vector.shape_cast %get3A_990 : vector<16xi32> to vector<16xi32>
    %add3A_992 = arith.constant 864 : i32
    %add3A_993 = arith.addi %mul3A_13, %add3A_992 : i32
    %add3A_994 = vector.broadcast %add3A_993 : i32 to vector<16xi32>
    %add3A_995 = arith.addi %add3A_994, %iota3A : vector<16xi32>
    %eq3A_996 = arith.constant 1 : i32
    %eq3A_997 = vector.broadcast %eq3A_996 : i32 to vector<16xi32>
    %eq3A_998 = arith.cmpi eq, %get3A_991, %eq3A_997 : vector<16xi32>
    %lt3A_999 = arith.cmpi slt, %add3A_995, %get3A_15 : vector<16xi32>
    %and3A_1000 = arith.andi %eq3A_998, %lt3A_999 : vector<16xi1>
    %jit3A_1001 = arith.constant 1 : i32
    %jit3A_1002 = arith.constant 0 : i32
    %broadcast_in_dim3A_1003 = vector.broadcast %jit3A_1001 : i32 to vector<16xi32>
    %broadcast_in_dim3A_1004 = vector.broadcast %jit3A_1002 : i32 to vector<16xi32>
    %select_n3A_1005 = arith.select %and3A_1000, %broadcast_in_dim3A_1003, %broadcast_in_dim3A_1004 : vector<16xi1>, vector<16xi32>
    %add3A_1006 = arith.addi %add3A_988, %select_n3A_1005 : vector<16xi32>
    %get3A_1007 = arith.constant 880 : index
    %get3A_1008 = tpu.vector_load %arg5[%get3A_1007] {strides = array<i32>} : memref<2048xi32, #tpu.memory_space<vmem>>, vector<16xi32>,
    %get3A_1009 = vector.shape_cast %get3A_1008 : vector<16xi32> to vector<16xi32>
    %add3A_1010 = arith.constant 880 : i32
    %add3A_1011 = arith.addi %mul3A_13, %add3A_1010 : i32
    %add3A_1012 = vector.broadcast %add3A_1011 : i32 to vector<16xi32>
    %add3A_1013 = arith.addi %add3A_1012, %iota3A : vector<16xi32>
    %eq3A_1014 = arith.constant 1 : i32
    %eq3A_1015 = vector.broadcast %eq3A_1014 : i32 to vector<16xi32>
    %eq3A_1016 = arith.cmpi eq, %get3A_1009, %eq3A_1015 : vector<16xi32>
    %lt3A_1017 = arith.cmpi slt, %add3A_1013, %get3A_15 : vector<16xi32>
    %and3A_1018 = arith.andi %eq3A_1016, %lt3A_1017 : vector<16xi1>
    %jit3A_1019 = arith.constant 1 : i32
    %jit3A_1020 = arith.constant 0 : i32
    %broadcast_in_dim3A_1021 = vector.broadcast %jit3A_1019 : i32 to vector<16xi32>
    %broadcast_in_dim3A_1022 = vector.broadcast %jit3A_1020 : i32 to vector<16xi32>
    %select_n3A_1023 = arith.select %and3A_1018, %broadcast_in_dim3A_1021, %broadcast_in_dim3A_1022 : vector<16xi1>, vector<16xi32>
    %add3A_1024 = arith.addi %add3A_1006, %select_n3A_1023 : vector<16xi32>
    %get3A_1025 = arith.constant 896 : index
    %get3A_1026 = tpu.vector_load %arg5[%get3A_1025] {strides = array<i32>} : memref<2048xi32, #tpu.memory_space<vmem>>, vector<16xi32>,
    %get3A_1027 = vector.shape_cast %get3A_1026 : vector<16xi32> to vector<16xi32>
    %add3A_1028 = arith.constant 896 : i32
    %add3A_1029 = arith.addi %mul3A_13, %add3A_1028 : i32
    %add3A_1030 = vector.broadcast %add3A_1029 : i32 to vector<16xi32>
    %add3A_1031 = arith.addi %add3A_1030, %iota3A : vector<16xi32>
    %eq3A_1032 = arith.constant 1 : i32
    %eq3A_1033 = vector.broadcast %eq3A_1032 : i32 to vector<16xi32>
    %eq3A_1034 = arith.cmpi eq, %get3A_1027, %eq3A_1033 : vector<16xi32>
    %lt3A_1035 = arith.cmpi slt, %add3A_1031, %get3A_15 : vector<16xi32>
    %and3A_1036 = arith.andi %eq3A_1034, %lt3A_1035 : vector<16xi1>
    %jit3A_1037 = arith.constant 1 : i32
    %jit3A_1038 = arith.constant 0 : i32
    %broadcast_in_dim3A_1039 = vector.broadcast %jit3A_1037 : i32 to vector<16xi32>
    %broadcast_in_dim3A_1040 = vector.broadcast %jit3A_1038 : i32 to vector<16xi32>
    %select_n3A_1041 = arith.select %and3A_1036, %broadcast_in_dim3A_1039, %broadcast_in_dim3A_1040 : vector<16xi1>, vector<16xi32>
    %add3A_1042 = arith.addi %add3A_1024, %select_n3A_1041 : vector<16xi32>
    %get3A_1043 = arith.constant 912 : index
    %get3A_1044 = tpu.vector_load %arg5[%get3A_1043] {strides = array<i32>} : memref<2048xi32, #tpu.memory_space<vmem>>, vector<16xi32>,
    %get3A_1045 = vector.shape_cast %get3A_1044 : vector<16xi32> to vector<16xi32>
    %add3A_1046 = arith.constant 912 : i32
    %add3A_1047 = arith.addi %mul3A_13, %add3A_1046 : i32
    %add3A_1048 = vector.broadcast %add3A_1047 : i32 to vector<16xi32>
    %add3A_1049 = arith.addi %add3A_1048, %iota3A : vector<16xi32>
    %eq3A_1050 = arith.constant 1 : i32
    %eq3A_1051 = vector.broadcast %eq3A_1050 : i32 to vector<16xi32>
    %eq3A_1052 = arith.cmpi eq, %get3A_1045, %eq3A_1051 : vector<16xi32>
    %lt3A_1053 = arith.cmpi slt, %add3A_1049, %get3A_15 : vector<16xi32>
    %and3A_1054 = arith.andi %eq3A_1052, %lt3A_1053 : vector<16xi1>
    %jit3A_1055 = arith.constant 1 : i32
    %jit3A_1056 = arith.constant 0 : i32
    %broadcast_in_dim3A_1057 = vector.broadcast %jit3A_1055 : i32 to vector<16xi32>
    %broadcast_in_dim3A_1058 = vector.broadcast %jit3A_1056 : i32 to vector<16xi32>
    %select_n3A_1059 = arith.select %and3A_1054, %broadcast_in_dim3A_1057, %broadcast_in_dim3A_1058 : vector<16xi1>, vector<16xi32>
    %add3A_1060 = arith.addi %add3A_1042, %select_n3A_1059 : vector<16xi32>
    %get3A_1061 = arith.constant 928 : index
    %get3A_1062 = tpu.vector_load %arg5[%get3A_1061] {strides = array<i32>} : memref<2048xi32, #tpu.memory_space<vmem>>, vector<16xi32>,
    %get3A_1063 = vector.shape_cast %get3A_1062 : vector<16xi32> to vector<16xi32>
    %add3A_1064 = arith.constant 928 : i32
    %add3A_1065 = arith.addi %mul3A_13, %add3A_1064 : i32
    %add3A_1066 = vector.broadcast %add3A_1065 : i32 to vector<16xi32>
    %add3A_1067 = arith.addi %add3A_1066, %iota3A : vector<16xi32>
    %eq3A_1068 = arith.constant 1 : i32
    %eq3A_1069 = vector.broadcast %eq3A_1068 : i32 to vector<16xi32>
    %eq3A_1070 = arith.cmpi eq, %get3A_1063, %eq3A_1069 : vector<16xi32>
    %lt3A_1071 = arith.cmpi slt, %add3A_1067, %get3A_15 : vector<16xi32>
    %and3A_1072 = arith.andi %eq3A_1070, %lt3A_1071 : vector<16xi1>
    %jit3A_1073 = arith.constant 1 : i32
    %jit3A_1074 = arith.constant 0 : i32
    %broadcast_in_dim3A_1075 = vector.broadcast %jit3A_1073 : i32 to vector<16xi32>
    %broadcast_in_dim3A_1076 = vector.broadcast %jit3A_1074 : i32 to vector<16xi32>
    %select_n3A_1077 = arith.select %and3A_1072, %broadcast_in_dim3A_1075, %broadcast_in_dim3A_1076 : vector<16xi1>, vector<16xi32>
    %add3A_1078 = arith.addi %add3A_1060, %select_n3A_1077 : vector<16xi32>
    %get3A_1079 = arith.constant 944 : index
    %get3A_1080 = tpu.vector_load %arg5[%get3A_1079] {strides = array<i32>} : memref<2048xi32, #tpu.memory_space<vmem>>, vector<16xi32>,
    %get3A_1081 = vector.shape_cast %get3A_1080 : vector<16xi32> to vector<16xi32>
    %add3A_1082 = arith.constant 944 : i32
    %add3A_1083 = arith.addi %mul3A_13, %add3A_1082 : i32
    %add3A_1084 = vector.broadcast %add3A_1083 : i32 to vector<16xi32>
    %add3A_1085 = arith.addi %add3A_1084, %iota3A : vector<16xi32>
    %eq3A_1086 = arith.constant 1 : i32
    %eq3A_1087 = vector.broadcast %eq3A_1086 : i32 to vector<16xi32>
    %eq3A_1088 = arith.cmpi eq, %get3A_1081, %eq3A_1087 : vector<16xi32>
    %lt3A_1089 = arith.cmpi slt, %add3A_1085, %get3A_15 : vector<16xi32>
    %and3A_1090 = arith.andi %eq3A_1088, %lt3A_1089 : vector<16xi1>
    %jit3A_1091 = arith.constant 1 : i32
    %jit3A_1092 = arith.constant 0 : i32
    %broadcast_in_dim3A_1093 = vector.broadcast %jit3A_1091 : i32 to vector<16xi32>
    %broadcast_in_dim3A_1094 = vector.broadcast %jit3A_1092 : i32 to vector<16xi32>
    %select_n3A_1095 = arith.select %and3A_1090, %broadcast_in_dim3A_1093, %broadcast_in_dim3A_1094 : vector<16xi1>, vector<16xi32>
    %add3A_1096 = arith.addi %add3A_1078, %select_n3A_1095 : vector<16xi32>
    %get3A_1097 = arith.constant 960 : index
    %get3A_1098 = tpu.vector_load %arg5[%get3A_1097] {strides = array<i32>} : memref<2048xi32, #tpu.memory_space<vmem>>, vector<16xi32>,
    %get3A_1099 = vector.shape_cast %get3A_1098 : vector<16xi32> to vector<16xi32>
    %add3A_1100 = arith.constant 960 : i32
    %add3A_1101 = arith.addi %mul3A_13, %add3A_1100 : i32
    %add3A_1102 = vector.broadcast %add3A_1101 : i32 to vector<16xi32>
    %add3A_1103 = arith.addi %add3A_1102, %iota3A : vector<16xi32>
    %eq3A_1104 = arith.constant 1 : i32
    %eq3A_1105 = vector.broadcast %eq3A_1104 : i32 to vector<16xi32>
    %eq3A_1106 = arith.cmpi eq, %get3A_1099, %eq3A_1105 : vector<16xi32>
    %lt3A_1107 = arith.cmpi slt, %add3A_1103, %get3A_15 : vector<16xi32>
    %and3A_1108 = arith.andi %eq3A_1106, %lt3A_1107 : vector<16xi1>
    %jit3A_1109 = arith.constant 1 : i32
    %jit3A_1110 = arith.constant 0 : i32
    %broadcast_in_dim3A_1111 = vector.broadcast %jit3A_1109 : i32 to vector<16xi32>
    %broadcast_in_dim3A_1112 = vector.broadcast %jit3A_1110 : i32 to vector<16xi32>
    %select_n3A_1113 = arith.select %and3A_1108, %broadcast_in_dim3A_1111, %broadcast_in_dim3A_1112 : vector<16xi1>, vector<16xi32>
    %add3A_1114 = arith.addi %add3A_1096, %select_n3A_1113 : vector<16xi32>
    %get3A_1115 = arith.constant 976 : index
    %get3A_1116 = tpu.vector_load %arg5[%get3A_1115] {strides = array<i32>} : memref<2048xi32, #tpu.memory_space<vmem>>, vector<16xi32>,
    %get3A_1117 = vector.shape_cast %get3A_1116 : vector<16xi32> to vector<16xi32>
    %add3A_1118 = arith.constant 976 : i32
    %add3A_1119 = arith.addi %mul3A_13, %add3A_1118 : i32
    %add3A_1120 = vector.broadcast %add3A_1119 : i32 to vector<16xi32>
    %add3A_1121 = arith.addi %add3A_1120, %iota3A : vector<16xi32>
    %eq3A_1122 = arith.constant 1 : i32
    %eq3A_1123 = vector.broadcast %eq3A_1122 : i32 to vector<16xi32>
    %eq3A_1124 = arith.cmpi eq, %get3A_1117, %eq3A_1123 : vector<16xi32>
    %lt3A_1125 = arith.cmpi slt, %add3A_1121, %get3A_15 : vector<16xi32>
    %and3A_1126 = arith.andi %eq3A_1124, %lt3A_1125 : vector<16xi1>
    %jit3A_1127 = arith.constant 1 : i32
    %jit3A_1128 = arith.constant 0 : i32
    %broadcast_in_dim3A_1129 = vector.broadcast %jit3A_1127 : i32 to vector<16xi32>
    %broadcast_in_dim3A_1130 = vector.broadcast %jit3A_1128 : i32 to vector<16xi32>
    %select_n3A_1131 = arith.select %and3A_1126, %broadcast_in_dim3A_1129, %broadcast_in_dim3A_1130 : vector<16xi1>, vector<16xi32>
    %add3A_1132 = arith.addi %add3A_1114, %select_n3A_1131 : vector<16xi32>
    %get3A_1133 = arith.constant 992 : index
    %get3A_1134 = tpu.vector_load %arg5[%get3A_1133] {strides = array<i32>} : memref<2048xi32, #tpu.memory_space<vmem>>, vector<16xi32>,
    %get3A_1135 = vector.shape_cast %get3A_1134 : vector<16xi32> to vector<16xi32>
    %add3A_1136 = arith.constant 992 : i32
    %add3A_1137 = arith.addi %mul3A_13, %add3A_1136 : i32
    %add3A_1138 = vector.broadcast %add3A_1137 : i32 to vector<16xi32>
    %add3A_1139 = arith.addi %add3A_1138, %iota3A : vector<16xi32>
    %eq3A_1140 = arith.constant 1 : i32
    %eq3A_1141 = vector.broadcast %eq3A_1140 : i32 to vector<16xi32>
    %eq3A_1142 = arith.cmpi eq, %get3A_1135, %eq3A_1141 : vector<16xi32>
    %lt3A_1143 = arith.cmpi slt, %add3A_1139, %get3A_15 : vector<16xi32>
    %and3A_1144 = arith.andi %eq3A_1142, %lt3A_1143 : vector<16xi1>
    %jit3A_1145 = arith.constant 1 : i32
    %jit3A_1146 = arith.constant 0 : i32
    %broadcast_in_dim3A_1147 = vector.broadcast %jit3A_1145 : i32 to vector<16xi32>
    %broadcast_in_dim3A_1148 = vector.broadcast %jit3A_1146 : i32 to vector<16xi32>
    %select_n3A_1149 = arith.select %and3A_1144, %broadcast_in_dim3A_1147, %broadcast_in_dim3A_1148 : vector<16xi1>, vector<16xi32>
    %add3A_1150 = arith.addi %add3A_1132, %select_n3A_1149 : vector<16xi32>
    %get3A_1151 = arith.constant 1008 : index
    %get3A_1152 = tpu.vector_load %arg5[%get3A_1151] {strides = array<i32>} : memref<2048xi32, #tpu.memory_space<vmem>>, vector<16xi32>,
    %get3A_1153 = vector.shape_cast %get3A_1152 : vector<16xi32> to vector<16xi32>
    %add3A_1154 = arith.constant 1008 : i32
    %add3A_1155 = arith.addi %mul3A_13, %add3A_1154 : i32
    %add3A_1156 = vector.broadcast %add3A_1155 : i32 to vector<16xi32>
    %add3A_1157 = arith.addi %add3A_1156, %iota3A : vector<16xi32>
    %eq3A_1158 = arith.constant 1 : i32
    %eq3A_1159 = vector.broadcast %eq3A_1158 : i32 to vector<16xi32>
    %eq3A_1160 = arith.cmpi eq, %get3A_1153, %eq3A_1159 : vector<16xi32>
    %lt3A_1161 = arith.cmpi slt, %add3A_1157, %get3A_15 : vector<16xi32>
    %and3A_1162 = arith.andi %eq3A_1160, %lt3A_1161 : vector<16xi1>
    %jit3A_1163 = arith.constant 1 : i32
    %jit3A_1164 = arith.constant 0 : i32
    %broadcast_in_dim3A_1165 = vector.broadcast %jit3A_1163 : i32 to vector<16xi32>
    %broadcast_in_dim3A_1166 = vector.broadcast %jit3A_1164 : i32 to vector<16xi32>
    %select_n3A_1167 = arith.select %and3A_1162, %broadcast_in_dim3A_1165, %broadcast_in_dim3A_1166 : vector<16xi1>, vector<16xi32>
    %add3A_1168 = arith.addi %add3A_1150, %select_n3A_1167 : vector<16xi32>
    %get3A_1169 = arith.constant 1024 : index
    %get3A_1170 = tpu.vector_load %arg5[%get3A_1169] {strides = array<i32>} : memref<2048xi32, #tpu.memory_space<vmem>>, vector<16xi32>,
    %get3A_1171 = vector.shape_cast %get3A_1170 : vector<16xi32> to vector<16xi32>
    %add3A_1172 = arith.constant 1024 : i32
    %add3A_1173 = arith.addi %mul3A_13, %add3A_1172 : i32
    %add3A_1174 = vector.broadcast %add3A_1173 : i32 to vector<16xi32>
    %add3A_1175 = arith.addi %add3A_1174, %iota3A : vector<16xi32>
    %eq3A_1176 = arith.constant 1 : i32
    %eq3A_1177 = vector.broadcast %eq3A_1176 : i32 to vector<16xi32>
    %eq3A_1178 = arith.cmpi eq, %get3A_1171, %eq3A_1177 : vector<16xi32>
    %lt3A_1179 = arith.cmpi slt, %add3A_1175, %get3A_15 : vector<16xi32>
    %and3A_1180 = arith.andi %eq3A_1178, %lt3A_1179 : vector<16xi1>
    %jit3A_1181 = arith.constant 1 : i32
    %jit3A_1182 = arith.constant 0 : i32
    %broadcast_in_dim3A_1183 = vector.broadcast %jit3A_1181 : i32 to vector<16xi32>
    %broadcast_in_dim3A_1184 = vector.broadcast %jit3A_1182 : i32 to vector<16xi32>
    %select_n3A_1185 = arith.select %and3A_1180, %broadcast_in_dim3A_1183, %broadcast_in_dim3A_1184 : vector<16xi1>, vector<16xi32>
    %add3A_1186 = arith.addi %add3A_1168, %select_n3A_1185 : vector<16xi32>
    %get3A_1187 = arith.constant 1040 : index
    %get3A_1188 = tpu.vector_load %arg5[%get3A_1187] {strides = array<i32>} : memref<2048xi32, #tpu.memory_space<vmem>>, vector<16xi32>,
    %get3A_1189 = vector.shape_cast %get3A_1188 : vector<16xi32> to vector<16xi32>
    %add3A_1190 = arith.constant 1040 : i32
    %add3A_1191 = arith.addi %mul3A_13, %add3A_1190 : i32
    %add3A_1192 = vector.broadcast %add3A_1191 : i32 to vector<16xi32>
    %add3A_1193 = arith.addi %add3A_1192, %iota3A : vector<16xi32>
    %eq3A_1194 = arith.constant 1 : i32
    %eq3A_1195 = vector.broadcast %eq3A_1194 : i32 to vector<16xi32>
    %eq3A_1196 = arith.cmpi eq, %get3A_1189, %eq3A_1195 : vector<16xi32>
    %lt3A_1197 = arith.cmpi slt, %add3A_1193, %get3A_15 : vector<16xi32>
    %and3A_1198 = arith.andi %eq3A_1196, %lt3A_1197 : vector<16xi1>
    %jit3A_1199 = arith.constant 1 : i32
    %jit3A_1200 = arith.constant 0 : i32
    %broadcast_in_dim3A_1201 = vector.broadcast %jit3A_1199 : i32 to vector<16xi32>
    %broadcast_in_dim3A_1202 = vector.broadcast %jit3A_1200 : i32 to vector<16xi32>
    %select_n3A_1203 = arith.select %and3A_1198, %broadcast_in_dim3A_1201, %broadcast_in_dim3A_1202 : vector<16xi1>, vector<16xi32>
    %add3A_1204 = arith.addi %add3A_1186, %select_n3A_1203 : vector<16xi32>
    %get3A_1205 = arith.constant 1056 : index
    %get3A_1206 = tpu.vector_load %arg5[%get3A_1205] {strides = array<i32>} : memref<2048xi32, #tpu.memory_space<vmem>>, vector<16xi32>,
    %get3A_1207 = vector.shape_cast %get3A_1206 : vector<16xi32> to vector<16xi32>
    %add3A_1208 = arith.constant 1056 : i32
    %add3A_1209 = arith.addi %mul3A_13, %add3A_1208 : i32
    %add3A_1210 = vector.broadcast %add3A_1209 : i32 to vector<16xi32>
    %add3A_1211 = arith.addi %add3A_1210, %iota3A : vector<16xi32>
    %eq3A_1212 = arith.constant 1 : i32
    %eq3A_1213 = vector.broadcast %eq3A_1212 : i32 to vector<16xi32>
    %eq3A_1214 = arith.cmpi eq, %get3A_1207, %eq3A_1213 : vector<16xi32>
    %lt3A_1215 = arith.cmpi slt, %add3A_1211, %get3A_15 : vector<16xi32>
    %and3A_1216 = arith.andi %eq3A_1214, %lt3A_1215 : vector<16xi1>
    %jit3A_1217 = arith.constant 1 : i32
    %jit3A_1218 = arith.constant 0 : i32
    %broadcast_in_dim3A_1219 = vector.broadcast %jit3A_1217 : i32 to vector<16xi32>
    %broadcast_in_dim3A_1220 = vector.broadcast %jit3A_1218 : i32 to vector<16xi32>
    %select_n3A_1221 = arith.select %and3A_1216, %broadcast_in_dim3A_1219, %broadcast_in_dim3A_1220 : vector<16xi1>, vector<16xi32>
    %add3A_1222 = arith.addi %add3A_1204, %select_n3A_1221 : vector<16xi32>
    %get3A_1223 = arith.constant 1072 : index
    %get3A_1224 = tpu.vector_load %arg5[%get3A_1223] {strides = array<i32>} : memref<2048xi32, #tpu.memory_space<vmem>>, vector<16xi32>,
    %get3A_1225 = vector.shape_cast %get3A_1224 : vector<16xi32> to vector<16xi32>
    %add3A_1226 = arith.constant 1072 : i32
    %add3A_1227 = arith.addi %mul3A_13, %add3A_1226 : i32
    %add3A_1228 = vector.broadcast %add3A_1227 : i32 to vector<16xi32>
    %add3A_1229 = arith.addi %add3A_1228, %iota3A : vector<16xi32>
    %eq3A_1230 = arith.constant 1 : i32
    %eq3A_1231 = vector.broadcast %eq3A_1230 : i32 to vector<16xi32>
    %eq3A_1232 = arith.cmpi eq, %get3A_1225, %eq3A_1231 : vector<16xi32>
    %lt3A_1233 = arith.cmpi slt, %add3A_1229, %get3A_15 : vector<16xi32>
    %and3A_1234 = arith.andi %eq3A_1232, %lt3A_1233 : vector<16xi1>
    %jit3A_1235 = arith.constant 1 : i32
    %jit3A_1236 = arith.constant 0 : i32
    %broadcast_in_dim3A_1237 = vector.broadcast %jit3A_1235 : i32 to vector<16xi32>
    %broadcast_in_dim3A_1238 = vector.broadcast %jit3A_1236 : i32 to vector<16xi32>
    %select_n3A_1239 = arith.select %and3A_1234, %broadcast_in_dim3A_1237, %broadcast_in_dim3A_1238 : vector<16xi1>, vector<16xi32>
    %add3A_1240 = arith.addi %add3A_1222, %select_n3A_1239 : vector<16xi32>
    %get3A_1241 = arith.constant 1088 : index
    %get3A_1242 = tpu.vector_load %arg5[%get3A_1241] {strides = array<i32>} : memref<2048xi32, #tpu.memory_space<vmem>>, vector<16xi32>,
    %get3A_1243 = vector.shape_cast %get3A_1242 : vector<16xi32> to vector<16xi32>
    %add3A_1244 = arith.constant 1088 : i32
    %add3A_1245 = arith.addi %mul3A_13, %add3A_1244 : i32
    %add3A_1246 = vector.broadcast %add3A_1245 : i32 to vector<16xi32>
    %add3A_1247 = arith.addi %add3A_1246, %iota3A : vector<16xi32>
    %eq3A_1248 = arith.constant 1 : i32
    %eq3A_1249 = vector.broadcast %eq3A_1248 : i32 to vector<16xi32>
    %eq3A_1250 = arith.cmpi eq, %get3A_1243, %eq3A_1249 : vector<16xi32>
    %lt3A_1251 = arith.cmpi slt, %add3A_1247, %get3A_15 : vector<16xi32>
    %and3A_1252 = arith.andi %eq3A_1250, %lt3A_1251 : vector<16xi1>
    %jit3A_1253 = arith.constant 1 : i32
    %jit3A_1254 = arith.constant 0 : i32
    %broadcast_in_dim3A_1255 = vector.broadcast %jit3A_1253 : i32 to vector<16xi32>
    %broadcast_in_dim3A_1256 = vector.broadcast %jit3A_1254 : i32 to vector<16xi32>
    %select_n3A_1257 = arith.select %and3A_1252, %broadcast_in_dim3A_1255, %broadcast_in_dim3A_1256 : vector<16xi1>, vector<16xi32>
    %add3A_1258 = arith.addi %add3A_1240, %select_n3A_1257 : vector<16xi32>
    %get3A_1259 = arith.constant 1104 : index
    %get3A_1260 = tpu.vector_load %arg5[%get3A_1259] {strides = array<i32>} : memref<2048xi32, #tpu.memory_space<vmem>>, vector<16xi32>,
    %get3A_1261 = vector.shape_cast %get3A_1260 : vector<16xi32> to vector<16xi32>
    %add3A_1262 = arith.constant 1104 : i32
    %add3A_1263 = arith.addi %mul3A_13, %add3A_1262 : i32
    %add3A_1264 = vector.broadcast %add3A_1263 : i32 to vector<16xi32>
    %add3A_1265 = arith.addi %add3A_1264, %iota3A : vector<16xi32>
    %eq3A_1266 = arith.constant 1 : i32
    %eq3A_1267 = vector.broadcast %eq3A_1266 : i32 to vector<16xi32>
    %eq3A_1268 = arith.cmpi eq, %get3A_1261, %eq3A_1267 : vector<16xi32>
    %lt3A_1269 = arith.cmpi slt, %add3A_1265, %get3A_15 : vector<16xi32>
    %and3A_1270 = arith.andi %eq3A_1268, %lt3A_1269 : vector<16xi1>
    %jit3A_1271 = arith.constant 1 : i32
    %jit3A_1272 = arith.constant 0 : i32
    %broadcast_in_dim3A_1273 = vector.broadcast %jit3A_1271 : i32 to vector<16xi32>
    %broadcast_in_dim3A_1274 = vector.broadcast %jit3A_1272 : i32 to vector<16xi32>
    %select_n3A_1275 = arith.select %and3A_1270, %broadcast_in_dim3A_1273, %broadcast_in_dim3A_1274 : vector<16xi1>, vector<16xi32>
    %add3A_1276 = arith.addi %add3A_1258, %select_n3A_1275 : vector<16xi32>
    %get3A_1277 = arith.constant 1120 : index
    %get3A_1278 = tpu.vector_load %arg5[%get3A_1277] {strides = array<i32>} : memref<2048xi32, #tpu.memory_space<vmem>>, vector<16xi32>,
    %get3A_1279 = vector.shape_cast %get3A_1278 : vector<16xi32> to vector<16xi32>
    %add3A_1280 = arith.constant 1120 : i32
    %add3A_1281 = arith.addi %mul3A_13, %add3A_1280 : i32
    %add3A_1282 = vector.broadcast %add3A_1281 : i32 to vector<16xi32>
    %add3A_1283 = arith.addi %add3A_1282, %iota3A : vector<16xi32>
    %eq3A_1284 = arith.constant 1 : i32
    %eq3A_1285 = vector.broadcast %eq3A_1284 : i32 to vector<16xi32>
    %eq3A_1286 = arith.cmpi eq, %get3A_1279, %eq3A_1285 : vector<16xi32>
    %lt3A_1287 = arith.cmpi slt, %add3A_1283, %get3A_15 : vector<16xi32>
    %and3A_1288 = arith.andi %eq3A_1286, %lt3A_1287 : vector<16xi1>
    %jit3A_1289 = arith.constant 1 : i32
    %jit3A_1290 = arith.constant 0 : i32
    %broadcast_in_dim3A_1291 = vector.broadcast %jit3A_1289 : i32 to vector<16xi32>
    %broadcast_in_dim3A_1292 = vector.broadcast %jit3A_1290 : i32 to vector<16xi32>
    %select_n3A_1293 = arith.select %and3A_1288, %broadcast_in_dim3A_1291, %broadcast_in_dim3A_1292 : vector<16xi1>, vector<16xi32>
    %add3A_1294 = arith.addi %add3A_1276, %select_n3A_1293 : vector<16xi32>
    %get3A_1295 = arith.constant 1136 : index
    %get3A_1296 = tpu.vector_load %arg5[%get3A_1295] {strides = array<i32>} : memref<2048xi32, #tpu.memory_space<vmem>>, vector<16xi32>,
    %get3A_1297 = vector.shape_cast %get3A_1296 : vector<16xi32> to vector<16xi32>
    %add3A_1298 = arith.constant 1136 : i32
    %add3A_1299 = arith.addi %mul3A_13, %add3A_1298 : i32
    %add3A_1300 = vector.broadcast %add3A_1299 : i32 to vector<16xi32>
    %add3A_1301 = arith.addi %add3A_1300, %iota3A : vector<16xi32>
    %eq3A_1302 = arith.constant 1 : i32
    %eq3A_1303 = vector.broadcast %eq3A_1302 : i32 to vector<16xi32>
    %eq3A_1304 = arith.cmpi eq, %get3A_1297, %eq3A_1303 : vector<16xi32>
    %lt3A_1305 = arith.cmpi slt, %add3A_1301, %get3A_15 : vector<16xi32>
    %and3A_1306 = arith.andi %eq3A_1304, %lt3A_1305 : vector<16xi1>
    %jit3A_1307 = arith.constant 1 : i32
    %jit3A_1308 = arith.constant 0 : i32
    %broadcast_in_dim3A_1309 = vector.broadcast %jit3A_1307 : i32 to vector<16xi32>
    %broadcast_in_dim3A_1310 = vector.broadcast %jit3A_1308 : i32 to vector<16xi32>
    %select_n3A_1311 = arith.select %and3A_1306, %broadcast_in_dim3A_1309, %broadcast_in_dim3A_1310 : vector<16xi1>, vector<16xi32>
    %add3A_1312 = arith.addi %add3A_1294, %select_n3A_1311 : vector<16xi32>
    %get3A_1313 = arith.constant 1152 : index
    %get3A_1314 = tpu.vector_load %arg5[%get3A_1313] {strides = array<i32>} : memref<2048xi32, #tpu.memory_space<vmem>>, vector<16xi32>,
    %get3A_1315 = vector.shape_cast %get3A_1314 : vector<16xi32> to vector<16xi32>
    %add3A_1316 = arith.constant 1152 : i32
    %add3A_1317 = arith.addi %mul3A_13, %add3A_1316 : i32
    %add3A_1318 = vector.broadcast %add3A_1317 : i32 to vector<16xi32>
    %add3A_1319 = arith.addi %add3A_1318, %iota3A : vector<16xi32>
    %eq3A_1320 = arith.constant 1 : i32
    %eq3A_1321 = vector.broadcast %eq3A_1320 : i32 to vector<16xi32>
    %eq3A_1322 = arith.cmpi eq, %get3A_1315, %eq3A_1321 : vector<16xi32>
    %lt3A_1323 = arith.cmpi slt, %add3A_1319, %get3A_15 : vector<16xi32>
    %and3A_1324 = arith.andi %eq3A_1322, %lt3A_1323 : vector<16xi1>
    %jit3A_1325 = arith.constant 1 : i32
    %jit3A_1326 = arith.constant 0 : i32
    %broadcast_in_dim3A_1327 = vector.broadcast %jit3A_1325 : i32 to vector<16xi32>
    %broadcast_in_dim3A_1328 = vector.broadcast %jit3A_1326 : i32 to vector<16xi32>
    %select_n3A_1329 = arith.select %and3A_1324, %broadcast_in_dim3A_1327, %broadcast_in_dim3A_1328 : vector<16xi1>, vector<16xi32>
    %add3A_1330 = arith.addi %add3A_1312, %select_n3A_1329 : vector<16xi32>
    %get3A_1331 = arith.constant 1168 : index
    %get3A_1332 = tpu.vector_load %arg5[%get3A_1331] {strides = array<i32>} : memref<2048xi32, #tpu.memory_space<vmem>>, vector<16xi32>,
    %get3A_1333 = vector.shape_cast %get3A_1332 : vector<16xi32> to vector<16xi32>
    %add3A_1334 = arith.constant 1168 : i32
    %add3A_1335 = arith.addi %mul3A_13, %add3A_1334 : i32
    %add3A_1336 = vector.broadcast %add3A_1335 : i32 to vector<16xi32>
    %add3A_1337 = arith.addi %add3A_1336, %iota3A : vector<16xi32>
    %eq3A_1338 = arith.constant 1 : i32
    %eq3A_1339 = vector.broadcast %eq3A_1338 : i32 to vector<16xi32>
    %eq3A_1340 = arith.cmpi eq, %get3A_1333, %eq3A_1339 : vector<16xi32>
    %lt3A_1341 = arith.cmpi slt, %add3A_1337, %get3A_15 : vector<16xi32>
    %and3A_1342 = arith.andi %eq3A_1340, %lt3A_1341 : vector<16xi1>
    %jit3A_1343 = arith.constant 1 : i32
    %jit3A_1344 = arith.constant 0 : i32
    %broadcast_in_dim3A_1345 = vector.broadcast %jit3A_1343 : i32 to vector<16xi32>
    %broadcast_in_dim3A_1346 = vector.broadcast %jit3A_1344 : i32 to vector<16xi32>
    %select_n3A_1347 = arith.select %and3A_1342, %broadcast_in_dim3A_1345, %broadcast_in_dim3A_1346 : vector<16xi1>, vector<16xi32>
    %add3A_1348 = arith.addi %add3A_1330, %select_n3A_1347 : vector<16xi32>
    %get3A_1349 = arith.constant 1184 : index
    %get3A_1350 = tpu.vector_load %arg5[%get3A_1349] {strides = array<i32>} : memref<2048xi32, #tpu.memory_space<vmem>>, vector<16xi32>,
    %get3A_1351 = vector.shape_cast %get3A_1350 : vector<16xi32> to vector<16xi32>
    %add3A_1352 = arith.constant 1184 : i32
    %add3A_1353 = arith.addi %mul3A_13, %add3A_1352 : i32
    %add3A_1354 = vector.broadcast %add3A_1353 : i32 to vector<16xi32>
    %add3A_1355 = arith.addi %add3A_1354, %iota3A : vector<16xi32>
    %eq3A_1356 = arith.constant 1 : i32
    %eq3A_1357 = vector.broadcast %eq3A_1356 : i32 to vector<16xi32>
    %eq3A_1358 = arith.cmpi eq, %get3A_1351, %eq3A_1357 : vector<16xi32>
    %lt3A_1359 = arith.cmpi slt, %add3A_1355, %get3A_15 : vector<16xi32>
    %and3A_1360 = arith.andi %eq3A_1358, %lt3A_1359 : vector<16xi1>
    %jit3A_1361 = arith.constant 1 : i32
    %jit3A_1362 = arith.constant 0 : i32
    %broadcast_in_dim3A_1363 = vector.broadcast %jit3A_1361 : i32 to vector<16xi32>
    %broadcast_in_dim3A_1364 = vector.broadcast %jit3A_1362 : i32 to vector<16xi32>
    %select_n3A_1365 = arith.select %and3A_1360, %broadcast_in_dim3A_1363, %broadcast_in_dim3A_1364 : vector<16xi1>, vector<16xi32>
    %add3A_1366 = arith.addi %add3A_1348, %select_n3A_1365 : vector<16xi32>
    %get3A_1367 = arith.constant 1200 : index
    %get3A_1368 = tpu.vector_load %arg5[%get3A_1367] {strides = array<i32>} : memref<2048xi32, #tpu.memory_space<vmem>>, vector<16xi32>,
    %get3A_1369 = vector.shape_cast %get3A_1368 : vector<16xi32> to vector<16xi32>
    %add3A_1370 = arith.constant 1200 : i32
    %add3A_1371 = arith.addi %mul3A_13, %add3A_1370 : i32
    %add3A_1372 = vector.broadcast %add3A_1371 : i32 to vector<16xi32>
    %add3A_1373 = arith.addi %add3A_1372, %iota3A : vector<16xi32>
    %eq3A_1374 = arith.constant 1 : i32
    %eq3A_1375 = vector.broadcast %eq3A_1374 : i32 to vector<16xi32>
    %eq3A_1376 = arith.cmpi eq, %get3A_1369, %eq3A_1375 : vector<16xi32>
    %lt3A_1377 = arith.cmpi slt, %add3A_1373, %get3A_15 : vector<16xi32>
    %and3A_1378 = arith.andi %eq3A_1376, %lt3A_1377 : vector<16xi1>
    %jit3A_1379 = arith.constant 1 : i32
    %jit3A_1380 = arith.constant 0 : i32
    %broadcast_in_dim3A_1381 = vector.broadcast %jit3A_1379 : i32 to vector<16xi32>
    %broadcast_in_dim3A_1382 = vector.broadcast %jit3A_1380 : i32 to vector<16xi32>
    %select_n3A_1383 = arith.select %and3A_1378, %broadcast_in_dim3A_1381, %broadcast_in_dim3A_1382 : vector<16xi1>, vector<16xi32>
    %add3A_1384 = arith.addi %add3A_1366, %select_n3A_1383 : vector<16xi32>
    %get3A_1385 = arith.constant 1216 : index
    %get3A_1386 = tpu.vector_load %arg5[%get3A_1385] {strides = array<i32>} : memref<2048xi32, #tpu.memory_space<vmem>>, vector<16xi32>,
    %get3A_1387 = vector.shape_cast %get3A_1386 : vector<16xi32> to vector<16xi32>
    %add3A_1388 = arith.constant 1216 : i32
    %add3A_1389 = arith.addi %mul3A_13, %add3A_1388 : i32
    %add3A_1390 = vector.broadcast %add3A_1389 : i32 to vector<16xi32>
    %add3A_1391 = arith.addi %add3A_1390, %iota3A : vector<16xi32>
    %eq3A_1392 = arith.constant 1 : i32
    %eq3A_1393 = vector.broadcast %eq3A_1392 : i32 to vector<16xi32>
    %eq3A_1394 = arith.cmpi eq, %get3A_1387, %eq3A_1393 : vector<16xi32>
    %lt3A_1395 = arith.cmpi slt, %add3A_1391, %get3A_15 : vector<16xi32>
    %and3A_1396 = arith.andi %eq3A_1394, %lt3A_1395 : vector<16xi1>
    %jit3A_1397 = arith.constant 1 : i32
    %jit3A_1398 = arith.constant 0 : i32
    %broadcast_in_dim3A_1399 = vector.broadcast %jit3A_1397 : i32 to vector<16xi32>
    %broadcast_in_dim3A_1400 = vector.broadcast %jit3A_1398 : i32 to vector<16xi32>
    %select_n3A_1401 = arith.select %and3A_1396, %broadcast_in_dim3A_1399, %broadcast_in_dim3A_1400 : vector<16xi1>, vector<16xi32>
    %add3A_1402 = arith.addi %add3A_1384, %select_n3A_1401 : vector<16xi32>
    %get3A_1403 = arith.constant 1232 : index
    %get3A_1404 = tpu.vector_load %arg5[%get3A_1403] {strides = array<i32>} : memref<2048xi32, #tpu.memory_space<vmem>>, vector<16xi32>,
    %get3A_1405 = vector.shape_cast %get3A_1404 : vector<16xi32> to vector<16xi32>
    %add3A_1406 = arith.constant 1232 : i32
    %add3A_1407 = arith.addi %mul3A_13, %add3A_1406 : i32
    %add3A_1408 = vector.broadcast %add3A_1407 : i32 to vector<16xi32>
    %add3A_1409 = arith.addi %add3A_1408, %iota3A : vector<16xi32>
    %eq3A_1410 = arith.constant 1 : i32
    %eq3A_1411 = vector.broadcast %eq3A_1410 : i32 to vector<16xi32>
    %eq3A_1412 = arith.cmpi eq, %get3A_1405, %eq3A_1411 : vector<16xi32>
    %lt3A_1413 = arith.cmpi slt, %add3A_1409, %get3A_15 : vector<16xi32>
    %and3A_1414 = arith.andi %eq3A_1412, %lt3A_1413 : vector<16xi1>
    %jit3A_1415 = arith.constant 1 : i32
    %jit3A_1416 = arith.constant 0 : i32
    %broadcast_in_dim3A_1417 = vector.broadcast %jit3A_1415 : i32 to vector<16xi32>
    %broadcast_in_dim3A_1418 = vector.broadcast %jit3A_1416 : i32 to vector<16xi32>
    %select_n3A_1419 = arith.select %and3A_1414, %broadcast_in_dim3A_1417, %broadcast_in_dim3A_1418 : vector<16xi1>, vector<16xi32>
    %add3A_1420 = arith.addi %add3A_1402, %select_n3A_1419 : vector<16xi32>
    %get3A_1421 = arith.constant 1248 : index
    %get3A_1422 = tpu.vector_load %arg5[%get3A_1421] {strides = array<i32>} : memref<2048xi32, #tpu.memory_space<vmem>>, vector<16xi32>,
    %get3A_1423 = vector.shape_cast %get3A_1422 : vector<16xi32> to vector<16xi32>
    %add3A_1424 = arith.constant 1248 : i32
    %add3A_1425 = arith.addi %mul3A_13, %add3A_1424 : i32
    %add3A_1426 = vector.broadcast %add3A_1425 : i32 to vector<16xi32>
    %add3A_1427 = arith.addi %add3A_1426, %iota3A : vector<16xi32>
    %eq3A_1428 = arith.constant 1 : i32
    %eq3A_1429 = vector.broadcast %eq3A_1428 : i32 to vector<16xi32>
    %eq3A_1430 = arith.cmpi eq, %get3A_1423, %eq3A_1429 : vector<16xi32>
    %lt3A_1431 = arith.cmpi slt, %add3A_1427, %get3A_15 : vector<16xi32>
    %and3A_1432 = arith.andi %eq3A_1430, %lt3A_1431 : vector<16xi1>
    %jit3A_1433 = arith.constant 1 : i32
    %jit3A_1434 = arith.constant 0 : i32
    %broadcast_in_dim3A_1435 = vector.broadcast %jit3A_1433 : i32 to vector<16xi32>
    %broadcast_in_dim3A_1436 = vector.broadcast %jit3A_1434 : i32 to vector<16xi32>
    %select_n3A_1437 = arith.select %and3A_1432, %broadcast_in_dim3A_1435, %broadcast_in_dim3A_1436 : vector<16xi1>, vector<16xi32>
    %add3A_1438 = arith.addi %add3A_1420, %select_n3A_1437 : vector<16xi32>
    %get3A_1439 = arith.constant 1264 : index
    %get3A_1440 = tpu.vector_load %arg5[%get3A_1439] {strides = array<i32>} : memref<2048xi32, #tpu.memory_space<vmem>>, vector<16xi32>,
    %get3A_1441 = vector.shape_cast %get3A_1440 : vector<16xi32> to vector<16xi32>
    %add3A_1442 = arith.constant 1264 : i32
    %add3A_1443 = arith.addi %mul3A_13, %add3A_1442 : i32
    %add3A_1444 = vector.broadcast %add3A_1443 : i32 to vector<16xi32>
    %add3A_1445 = arith.addi %add3A_1444, %iota3A : vector<16xi32>
    %eq3A_1446 = arith.constant 1 : i32
    %eq3A_1447 = vector.broadcast %eq3A_1446 : i32 to vector<16xi32>
    %eq3A_1448 = arith.cmpi eq, %get3A_1441, %eq3A_1447 : vector<16xi32>
    %lt3A_1449 = arith.cmpi slt, %add3A_1445, %get3A_15 : vector<16xi32>
    %and3A_1450 = arith.andi %eq3A_1448, %lt3A_1449 : vector<16xi1>
    %jit3A_1451 = arith.constant 1 : i32
    %jit3A_1452 = arith.constant 0 : i32
    %broadcast_in_dim3A_1453 = vector.broadcast %jit3A_1451 : i32 to vector<16xi32>
    %broadcast_in_dim3A_1454 = vector.broadcast %jit3A_1452 : i32 to vector<16xi32>
    %select_n3A_1455 = arith.select %and3A_1450, %broadcast_in_dim3A_1453, %broadcast_in_dim3A_1454 : vector<16xi1>, vector<16xi32>
    %add3A_1456 = arith.addi %add3A_1438, %select_n3A_1455 : vector<16xi32>
    %get3A_1457 = arith.constant 1280 : index
    %get3A_1458 = tpu.vector_load %arg5[%get3A_1457] {strides = array<i32>} : memref<2048xi32, #tpu.memory_space<vmem>>, vector<16xi32>,
    %get3A_1459 = vector.shape_cast %get3A_1458 : vector<16xi32> to vector<16xi32>
    %add3A_1460 = arith.constant 1280 : i32
    %add3A_1461 = arith.addi %mul3A_13, %add3A_1460 : i32
    %add3A_1462 = vector.broadcast %add3A_1461 : i32 to vector<16xi32>
    %add3A_1463 = arith.addi %add3A_1462, %iota3A : vector<16xi32>
    %eq3A_1464 = arith.constant 1 : i32
    %eq3A_1465 = vector.broadcast %eq3A_1464 : i32 to vector<16xi32>
    %eq3A_1466 = arith.cmpi eq, %get3A_1459, %eq3A_1465 : vector<16xi32>
    %lt3A_1467 = arith.cmpi slt, %add3A_1463, %get3A_15 : vector<16xi32>
    %and3A_1468 = arith.andi %eq3A_1466, %lt3A_1467 : vector<16xi1>
    %jit3A_1469 = arith.constant 1 : i32
    %jit3A_1470 = arith.constant 0 : i32
    %broadcast_in_dim3A_1471 = vector.broadcast %jit3A_1469 : i32 to vector<16xi32>
    %broadcast_in_dim3A_1472 = vector.broadcast %jit3A_1470 : i32 to vector<16xi32>
    %select_n3A_1473 = arith.select %and3A_1468, %broadcast_in_dim3A_1471, %broadcast_in_dim3A_1472 : vector<16xi1>, vector<16xi32>
    %add3A_1474 = arith.addi %add3A_1456, %select_n3A_1473 : vector<16xi32>
    %get3A_1475 = arith.constant 1296 : index
    %get3A_1476 = tpu.vector_load %arg5[%get3A_1475] {strides = array<i32>} : memref<2048xi32, #tpu.memory_space<vmem>>, vector<16xi32>,
    %get3A_1477 = vector.shape_cast %get3A_1476 : vector<16xi32> to vector<16xi32>
    %add3A_1478 = arith.constant 1296 : i32
    %add3A_1479 = arith.addi %mul3A_13, %add3A_1478 : i32
    %add3A_1480 = vector.broadcast %add3A_1479 : i32 to vector<16xi32>
    %add3A_1481 = arith.addi %add3A_1480, %iota3A : vector<16xi32>
    %eq3A_1482 = arith.constant 1 : i32
    %eq3A_1483 = vector.broadcast %eq3A_1482 : i32 to vector<16xi32>
    %eq3A_1484 = arith.cmpi eq, %get3A_1477, %eq3A_1483 : vector<16xi32>
    %lt3A_1485 = arith.cmpi slt, %add3A_1481, %get3A_15 : vector<16xi32>
    %and3A_1486 = arith.andi %eq3A_1484, %lt3A_1485 : vector<16xi1>
    %jit3A_1487 = arith.constant 1 : i32
    %jit3A_1488 = arith.constant 0 : i32
    %broadcast_in_dim3A_1489 = vector.broadcast %jit3A_1487 : i32 to vector<16xi32>
    %broadcast_in_dim3A_1490 = vector.broadcast %jit3A_1488 : i32 to vector<16xi32>
    %select_n3A_1491 = arith.select %and3A_1486, %broadcast_in_dim3A_1489, %broadcast_in_dim3A_1490 : vector<16xi1>, vector<16xi32>
    %add3A_1492 = arith.addi %add3A_1474, %select_n3A_1491 : vector<16xi32>
    %get3A_1493 = arith.constant 1312 : index
    %get3A_1494 = tpu.vector_load %arg5[%get3A_1493] {strides = array<i32>} : memref<2048xi32, #tpu.memory_space<vmem>>, vector<16xi32>,
    %get3A_1495 = vector.shape_cast %get3A_1494 : vector<16xi32> to vector<16xi32>
    %add3A_1496 = arith.constant 1312 : i32
    %add3A_1497 = arith.addi %mul3A_13, %add3A_1496 : i32
    %add3A_1498 = vector.broadcast %add3A_1497 : i32 to vector<16xi32>
    %add3A_1499 = arith.addi %add3A_1498, %iota3A : vector<16xi32>
    %eq3A_1500 = arith.constant 1 : i32
    %eq3A_1501 = vector.broadcast %eq3A_1500 : i32 to vector<16xi32>
    %eq3A_1502 = arith.cmpi eq, %get3A_1495, %eq3A_1501 : vector<16xi32>
    %lt3A_1503 = arith.cmpi slt, %add3A_1499, %get3A_15 : vector<16xi32>
    %and3A_1504 = arith.andi %eq3A_1502, %lt3A_1503 : vector<16xi1>
    %jit3A_1505 = arith.constant 1 : i32
    %jit3A_1506 = arith.constant 0 : i32
    %broadcast_in_dim3A_1507 = vector.broadcast %jit3A_1505 : i32 to vector<16xi32>
    %broadcast_in_dim3A_1508 = vector.broadcast %jit3A_1506 : i32 to vector<16xi32>
    %select_n3A_1509 = arith.select %and3A_1504, %broadcast_in_dim3A_1507, %broadcast_in_dim3A_1508 : vector<16xi1>, vector<16xi32>
    %add3A_1510 = arith.addi %add3A_1492, %select_n3A_1509 : vector<16xi32>
    %get3A_1511 = arith.constant 1328 : index
    %get3A_1512 = tpu.vector_load %arg5[%get3A_1511] {strides = array<i32>} : memref<2048xi32, #tpu.memory_space<vmem>>, vector<16xi32>,
    %get3A_1513 = vector.shape_cast %get3A_1512 : vector<16xi32> to vector<16xi32>
    %add3A_1514 = arith.constant 1328 : i32
    %add3A_1515 = arith.addi %mul3A_13, %add3A_1514 : i32
    %add3A_1516 = vector.broadcast %add3A_1515 : i32 to vector<16xi32>
    %add3A_1517 = arith.addi %add3A_1516, %iota3A : vector<16xi32>
    %eq3A_1518 = arith.constant 1 : i32
    %eq3A_1519 = vector.broadcast %eq3A_1518 : i32 to vector<16xi32>
    %eq3A_1520 = arith.cmpi eq, %get3A_1513, %eq3A_1519 : vector<16xi32>
    %lt3A_1521 = arith.cmpi slt, %add3A_1517, %get3A_15 : vector<16xi32>
    %and3A_1522 = arith.andi %eq3A_1520, %lt3A_1521 : vector<16xi1>
    %jit3A_1523 = arith.constant 1 : i32
    %jit3A_1524 = arith.constant 0 : i32
    %broadcast_in_dim3A_1525 = vector.broadcast %jit3A_1523 : i32 to vector<16xi32>
    %broadcast_in_dim3A_1526 = vector.broadcast %jit3A_1524 : i32 to vector<16xi32>
    %select_n3A_1527 = arith.select %and3A_1522, %broadcast_in_dim3A_1525, %broadcast_in_dim3A_1526 : vector<16xi1>, vector<16xi32>
    %add3A_1528 = arith.addi %add3A_1510, %select_n3A_1527 : vector<16xi32>
    %get3A_1529 = arith.constant 1344 : index
    %get3A_1530 = tpu.vector_load %arg5[%get3A_1529] {strides = array<i32>} : memref<2048xi32, #tpu.memory_space<vmem>>, vector<16xi32>,
    %get3A_1531 = vector.shape_cast %get3A_1530 : vector<16xi32> to vector<16xi32>
    %add3A_1532 = arith.constant 1344 : i32
    %add3A_1533 = arith.addi %mul3A_13, %add3A_1532 : i32
    %add3A_1534 = vector.broadcast %add3A_1533 : i32 to vector<16xi32>
    %add3A_1535 = arith.addi %add3A_1534, %iota3A : vector<16xi32>
    %eq3A_1536 = arith.constant 1 : i32
    %eq3A_1537 = vector.broadcast %eq3A_1536 : i32 to vector<16xi32>
    %eq3A_1538 = arith.cmpi eq, %get3A_1531, %eq3A_1537 : vector<16xi32>
    %lt3A_1539 = arith.cmpi slt, %add3A_1535, %get3A_15 : vector<16xi32>
    %and3A_1540 = arith.andi %eq3A_1538, %lt3A_1539 : vector<16xi1>
    %jit3A_1541 = arith.constant 1 : i32
    %jit3A_1542 = arith.constant 0 : i32
    %broadcast_in_dim3A_1543 = vector.broadcast %jit3A_1541 : i32 to vector<16xi32>
    %broadcast_in_dim3A_1544 = vector.broadcast %jit3A_1542 : i32 to vector<16xi32>
    %select_n3A_1545 = arith.select %and3A_1540, %broadcast_in_dim3A_1543, %broadcast_in_dim3A_1544 : vector<16xi1>, vector<16xi32>
    %add3A_1546 = arith.addi %add3A_1528, %select_n3A_1545 : vector<16xi32>
    %get3A_1547 = arith.constant 1360 : index
    %get3A_1548 = tpu.vector_load %arg5[%get3A_1547] {strides = array<i32>} : memref<2048xi32, #tpu.memory_space<vmem>>, vector<16xi32>,
    %get3A_1549 = vector.shape_cast %get3A_1548 : vector<16xi32> to vector<16xi32>
    %add3A_1550 = arith.constant 1360 : i32
    %add3A_1551 = arith.addi %mul3A_13, %add3A_1550 : i32
    %add3A_1552 = vector.broadcast %add3A_1551 : i32 to vector<16xi32>
    %add3A_1553 = arith.addi %add3A_1552, %iota3A : vector<16xi32>
    %eq3A_1554 = arith.constant 1 : i32
    %eq3A_1555 = vector.broadcast %eq3A_1554 : i32 to vector<16xi32>
    %eq3A_1556 = arith.cmpi eq, %get3A_1549, %eq3A_1555 : vector<16xi32>
    %lt3A_1557 = arith.cmpi slt, %add3A_1553, %get3A_15 : vector<16xi32>
    %and3A_1558 = arith.andi %eq3A_1556, %lt3A_1557 : vector<16xi1>
    %jit3A_1559 = arith.constant 1 : i32
    %jit3A_1560 = arith.constant 0 : i32
    %broadcast_in_dim3A_1561 = vector.broadcast %jit3A_1559 : i32 to vector<16xi32>
    %broadcast_in_dim3A_1562 = vector.broadcast %jit3A_1560 : i32 to vector<16xi32>
    %select_n3A_1563 = arith.select %and3A_1558, %broadcast_in_dim3A_1561, %broadcast_in_dim3A_1562 : vector<16xi1>, vector<16xi32>
    %add3A_1564 = arith.addi %add3A_1546, %select_n3A_1563 : vector<16xi32>
    %get3A_1565 = arith.constant 1376 : index
    %get3A_1566 = tpu.vector_load %arg5[%get3A_1565] {strides = array<i32>} : memref<2048xi32, #tpu.memory_space<vmem>>, vector<16xi32>,
    %get3A_1567 = vector.shape_cast %get3A_1566 : vector<16xi32> to vector<16xi32>
    %add3A_1568 = arith.constant 1376 : i32
    %add3A_1569 = arith.addi %mul3A_13, %add3A_1568 : i32
    %add3A_1570 = vector.broadcast %add3A_1569 : i32 to vector<16xi32>
    %add3A_1571 = arith.addi %add3A_1570, %iota3A : vector<16xi32>
    %eq3A_1572 = arith.constant 1 : i32
    %eq3A_1573 = vector.broadcast %eq3A_1572 : i32 to vector<16xi32>
    %eq3A_1574 = arith.cmpi eq, %get3A_1567, %eq3A_1573 : vector<16xi32>
    %lt3A_1575 = arith.cmpi slt, %add3A_1571, %get3A_15 : vector<16xi32>
    %and3A_1576 = arith.andi %eq3A_1574, %lt3A_1575 : vector<16xi1>
    %jit3A_1577 = arith.constant 1 : i32
    %jit3A_1578 = arith.constant 0 : i32
    %broadcast_in_dim3A_1579 = vector.broadcast %jit3A_1577 : i32 to vector<16xi32>
    %broadcast_in_dim3A_1580 = vector.broadcast %jit3A_1578 : i32 to vector<16xi32>
    %select_n3A_1581 = arith.select %and3A_1576, %broadcast_in_dim3A_1579, %broadcast_in_dim3A_1580 : vector<16xi1>, vector<16xi32>
    %add3A_1582 = arith.addi %add3A_1564, %select_n3A_1581 : vector<16xi32>
    %get3A_1583 = arith.constant 1392 : index
    %get3A_1584 = tpu.vector_load %arg5[%get3A_1583] {strides = array<i32>} : memref<2048xi32, #tpu.memory_space<vmem>>, vector<16xi32>,
    %get3A_1585 = vector.shape_cast %get3A_1584 : vector<16xi32> to vector<16xi32>
    %add3A_1586 = arith.constant 1392 : i32
    %add3A_1587 = arith.addi %mul3A_13, %add3A_1586 : i32
    %add3A_1588 = vector.broadcast %add3A_1587 : i32 to vector<16xi32>
    %add3A_1589 = arith.addi %add3A_1588, %iota3A : vector<16xi32>
    %eq3A_1590 = arith.constant 1 : i32
    %eq3A_1591 = vector.broadcast %eq3A_1590 : i32 to vector<16xi32>
    %eq3A_1592 = arith.cmpi eq, %get3A_1585, %eq3A_1591 : vector<16xi32>
    %lt3A_1593 = arith.cmpi slt, %add3A_1589, %get3A_15 : vector<16xi32>
    %and3A_1594 = arith.andi %eq3A_1592, %lt3A_1593 : vector<16xi1>
    %jit3A_1595 = arith.constant 1 : i32
    %jit3A_1596 = arith.constant 0 : i32
    %broadcast_in_dim3A_1597 = vector.broadcast %jit3A_1595 : i32 to vector<16xi32>
    %broadcast_in_dim3A_1598 = vector.broadcast %jit3A_1596 : i32 to vector<16xi32>
    %select_n3A_1599 = arith.select %and3A_1594, %broadcast_in_dim3A_1597, %broadcast_in_dim3A_1598 : vector<16xi1>, vector<16xi32>
    %add3A_1600 = arith.addi %add3A_1582, %select_n3A_1599 : vector<16xi32>
    %get3A_1601 = arith.constant 1408 : index
    %get3A_1602 = tpu.vector_load %arg5[%get3A_1601] {strides = array<i32>} : memref<2048xi32, #tpu.memory_space<vmem>>, vector<16xi32>,
    %get3A_1603 = vector.shape_cast %get3A_1602 : vector<16xi32> to vector<16xi32>
    %add3A_1604 = arith.constant 1408 : i32
    %add3A_1605 = arith.addi %mul3A_13, %add3A_1604 : i32
    %add3A_1606 = vector.broadcast %add3A_1605 : i32 to vector<16xi32>
    %add3A_1607 = arith.addi %add3A_1606, %iota3A : vector<16xi32>
    %eq3A_1608 = arith.constant 1 : i32
    %eq3A_1609 = vector.broadcast %eq3A_1608 : i32 to vector<16xi32>
    %eq3A_1610 = arith.cmpi eq, %get3A_1603, %eq3A_1609 : vector<16xi32>
    %lt3A_1611 = arith.cmpi slt, %add3A_1607, %get3A_15 : vector<16xi32>
    %and3A_1612 = arith.andi %eq3A_1610, %lt3A_1611 : vector<16xi1>
    %jit3A_1613 = arith.constant 1 : i32
    %jit3A_1614 = arith.constant 0 : i32
    %broadcast_in_dim3A_1615 = vector.broadcast %jit3A_1613 : i32 to vector<16xi32>
    %broadcast_in_dim3A_1616 = vector.broadcast %jit3A_1614 : i32 to vector<16xi32>
    %select_n3A_1617 = arith.select %and3A_1612, %broadcast_in_dim3A_1615, %broadcast_in_dim3A_1616 : vector<16xi1>, vector<16xi32>
    %add3A_1618 = arith.addi %add3A_1600, %select_n3A_1617 : vector<16xi32>
    %get3A_1619 = arith.constant 1424 : index
    %get3A_1620 = tpu.vector_load %arg5[%get3A_1619] {strides = array<i32>} : memref<2048xi32, #tpu.memory_space<vmem>>, vector<16xi32>,
    %get3A_1621 = vector.shape_cast %get3A_1620 : vector<16xi32> to vector<16xi32>
    %add3A_1622 = arith.constant 1424 : i32
    %add3A_1623 = arith.addi %mul3A_13, %add3A_1622 : i32
    %add3A_1624 = vector.broadcast %add3A_1623 : i32 to vector<16xi32>
    %add3A_1625 = arith.addi %add3A_1624, %iota3A : vector<16xi32>
    %eq3A_1626 = arith.constant 1 : i32
    %eq3A_1627 = vector.broadcast %eq3A_1626 : i32 to vector<16xi32>
    %eq3A_1628 = arith.cmpi eq, %get3A_1621, %eq3A_1627 : vector<16xi32>
    %lt3A_1629 = arith.cmpi slt, %add3A_1625, %get3A_15 : vector<16xi32>
    %and3A_1630 = arith.andi %eq3A_1628, %lt3A_1629 : vector<16xi1>
    %jit3A_1631 = arith.constant 1 : i32
    %jit3A_1632 = arith.constant 0 : i32
    %broadcast_in_dim3A_1633 = vector.broadcast %jit3A_1631 : i32 to vector<16xi32>
    %broadcast_in_dim3A_1634 = vector.broadcast %jit3A_1632 : i32 to vector<16xi32>
    %select_n3A_1635 = arith.select %and3A_1630, %broadcast_in_dim3A_1633, %broadcast_in_dim3A_1634 : vector<16xi1>, vector<16xi32>
    %add3A_1636 = arith.addi %add3A_1618, %select_n3A_1635 : vector<16xi32>
    %get3A_1637 = arith.constant 1440 : index
    %get3A_1638 = tpu.vector_load %arg5[%get3A_1637] {strides = array<i32>} : memref<2048xi32, #tpu.memory_space<vmem>>, vector<16xi32>,
    %get3A_1639 = vector.shape_cast %get3A_1638 : vector<16xi32> to vector<16xi32>
    %add3A_1640 = arith.constant 1440 : i32
    %add3A_1641 = arith.addi %mul3A_13, %add3A_1640 : i32
    %add3A_1642 = vector.broadcast %add3A_1641 : i32 to vector<16xi32>
    %add3A_1643 = arith.addi %add3A_1642, %iota3A : vector<16xi32>
    %eq3A_1644 = arith.constant 1 : i32
    %eq3A_1645 = vector.broadcast %eq3A_1644 : i32 to vector<16xi32>
    %eq3A_1646 = arith.cmpi eq, %get3A_1639, %eq3A_1645 : vector<16xi32>
    %lt3A_1647 = arith.cmpi slt, %add3A_1643, %get3A_15 : vector<16xi32>
    %and3A_1648 = arith.andi %eq3A_1646, %lt3A_1647 : vector<16xi1>
    %jit3A_1649 = arith.constant 1 : i32
    %jit3A_1650 = arith.constant 0 : i32
    %broadcast_in_dim3A_1651 = vector.broadcast %jit3A_1649 : i32 to vector<16xi32>
    %broadcast_in_dim3A_1652 = vector.broadcast %jit3A_1650 : i32 to vector<16xi32>
    %select_n3A_1653 = arith.select %and3A_1648, %broadcast_in_dim3A_1651, %broadcast_in_dim3A_1652 : vector<16xi1>, vector<16xi32>
    %add3A_1654 = arith.addi %add3A_1636, %select_n3A_1653 : vector<16xi32>
    %get3A_1655 = arith.constant 1456 : index
    %get3A_1656 = tpu.vector_load %arg5[%get3A_1655] {strides = array<i32>} : memref<2048xi32, #tpu.memory_space<vmem>>, vector<16xi32>,
    %get3A_1657 = vector.shape_cast %get3A_1656 : vector<16xi32> to vector<16xi32>
    %add3A_1658 = arith.constant 1456 : i32
    %add3A_1659 = arith.addi %mul3A_13, %add3A_1658 : i32
    %add3A_1660 = vector.broadcast %add3A_1659 : i32 to vector<16xi32>
    %add3A_1661 = arith.addi %add3A_1660, %iota3A : vector<16xi32>
    %eq3A_1662 = arith.constant 1 : i32
    %eq3A_1663 = vector.broadcast %eq3A_1662 : i32 to vector<16xi32>
    %eq3A_1664 = arith.cmpi eq, %get3A_1657, %eq3A_1663 : vector<16xi32>
    %lt3A_1665 = arith.cmpi slt, %add3A_1661, %get3A_15 : vector<16xi32>
    %and3A_1666 = arith.andi %eq3A_1664, %lt3A_1665 : vector<16xi1>
    %jit3A_1667 = arith.constant 1 : i32
    %jit3A_1668 = arith.constant 0 : i32
    %broadcast_in_dim3A_1669 = vector.broadcast %jit3A_1667 : i32 to vector<16xi32>
    %broadcast_in_dim3A_1670 = vector.broadcast %jit3A_1668 : i32 to vector<16xi32>
    %select_n3A_1671 = arith.select %and3A_1666, %broadcast_in_dim3A_1669, %broadcast_in_dim3A_1670 : vector<16xi1>, vector<16xi32>
    %add3A_1672 = arith.addi %add3A_1654, %select_n3A_1671 : vector<16xi32>
    %get3A_1673 = arith.constant 1472 : index
    %get3A_1674 = tpu.vector_load %arg5[%get3A_1673] {strides = array<i32>} : memref<2048xi32, #tpu.memory_space<vmem>>, vector<16xi32>,
    %get3A_1675 = vector.shape_cast %get3A_1674 : vector<16xi32> to vector<16xi32>
    %add3A_1676 = arith.constant 1472 : i32
    %add3A_1677 = arith.addi %mul3A_13, %add3A_1676 : i32
    %add3A_1678 = vector.broadcast %add3A_1677 : i32 to vector<16xi32>
    %add3A_1679 = arith.addi %add3A_1678, %iota3A : vector<16xi32>
    %eq3A_1680 = arith.constant 1 : i32
    %eq3A_1681 = vector.broadcast %eq3A_1680 : i32 to vector<16xi32>
    %eq3A_1682 = arith.cmpi eq, %get3A_1675, %eq3A_1681 : vector<16xi32>
    %lt3A_1683 = arith.cmpi slt, %add3A_1679, %get3A_15 : vector<16xi32>
    %and3A_1684 = arith.andi %eq3A_1682, %lt3A_1683 : vector<16xi1>
    %jit3A_1685 = arith.constant 1 : i32
    %jit3A_1686 = arith.constant 0 : i32
    %broadcast_in_dim3A_1687 = vector.broadcast %jit3A_1685 : i32 to vector<16xi32>
    %broadcast_in_dim3A_1688 = vector.broadcast %jit3A_1686 : i32 to vector<16xi32>
    %select_n3A_1689 = arith.select %and3A_1684, %broadcast_in_dim3A_1687, %broadcast_in_dim3A_1688 : vector<16xi1>, vector<16xi32>
    %add3A_1690 = arith.addi %add3A_1672, %select_n3A_1689 : vector<16xi32>
    %get3A_1691 = arith.constant 1488 : index
    %get3A_1692 = tpu.vector_load %arg5[%get3A_1691] {strides = array<i32>} : memref<2048xi32, #tpu.memory_space<vmem>>, vector<16xi32>,
    %get3A_1693 = vector.shape_cast %get3A_1692 : vector<16xi32> to vector<16xi32>
    %add3A_1694 = arith.constant 1488 : i32
    %add3A_1695 = arith.addi %mul3A_13, %add3A_1694 : i32
    %add3A_1696 = vector.broadcast %add3A_1695 : i32 to vector<16xi32>
    %add3A_1697 = arith.addi %add3A_1696, %iota3A : vector<16xi32>
    %eq3A_1698 = arith.constant 1 : i32
    %eq3A_1699 = vector.broadcast %eq3A_1698 : i32 to vector<16xi32>
    %eq3A_1700 = arith.cmpi eq, %get3A_1693, %eq3A_1699 : vector<16xi32>
    %lt3A_1701 = arith.cmpi slt, %add3A_1697, %get3A_15 : vector<16xi32>
    %and3A_1702 = arith.andi %eq3A_1700, %lt3A_1701 : vector<16xi1>
    %jit3A_1703 = arith.constant 1 : i32
    %jit3A_1704 = arith.constant 0 : i32
    %broadcast_in_dim3A_1705 = vector.broadcast %jit3A_1703 : i32 to vector<16xi32>
    %broadcast_in_dim3A_1706 = vector.broadcast %jit3A_1704 : i32 to vector<16xi32>
    %select_n3A_1707 = arith.select %and3A_1702, %broadcast_in_dim3A_1705, %broadcast_in_dim3A_1706 : vector<16xi1>, vector<16xi32>
    %add3A_1708 = arith.addi %add3A_1690, %select_n3A_1707 : vector<16xi32>
    %get3A_1709 = arith.constant 1504 : index
    %get3A_1710 = tpu.vector_load %arg5[%get3A_1709] {strides = array<i32>} : memref<2048xi32, #tpu.memory_space<vmem>>, vector<16xi32>,
    %get3A_1711 = vector.shape_cast %get3A_1710 : vector<16xi32> to vector<16xi32>
    %add3A_1712 = arith.constant 1504 : i32
    %add3A_1713 = arith.addi %mul3A_13, %add3A_1712 : i32
    %add3A_1714 = vector.broadcast %add3A_1713 : i32 to vector<16xi32>
    %add3A_1715 = arith.addi %add3A_1714, %iota3A : vector<16xi32>
    %eq3A_1716 = arith.constant 1 : i32
    %eq3A_1717 = vector.broadcast %eq3A_1716 : i32 to vector<16xi32>
    %eq3A_1718 = arith.cmpi eq, %get3A_1711, %eq3A_1717 : vector<16xi32>
    %lt3A_1719 = arith.cmpi slt, %add3A_1715, %get3A_15 : vector<16xi32>
    %and3A_1720 = arith.andi %eq3A_1718, %lt3A_1719 : vector<16xi1>
    %jit3A_1721 = arith.constant 1 : i32
    %jit3A_1722 = arith.constant 0 : i32
    %broadcast_in_dim3A_1723 = vector.broadcast %jit3A_1721 : i32 to vector<16xi32>
    %broadcast_in_dim3A_1724 = vector.broadcast %jit3A_1722 : i32 to vector<16xi32>
    %select_n3A_1725 = arith.select %and3A_1720, %broadcast_in_dim3A_1723, %broadcast_in_dim3A_1724 : vector<16xi1>, vector<16xi32>
    %add3A_1726 = arith.addi %add3A_1708, %select_n3A_1725 : vector<16xi32>
    %get3A_1727 = arith.constant 1520 : index
    %get3A_1728 = tpu.vector_load %arg5[%get3A_1727] {strides = array<i32>} : memref<2048xi32, #tpu.memory_space<vmem>>, vector<16xi32>,
    %get3A_1729 = vector.shape_cast %get3A_1728 : vector<16xi32> to vector<16xi32>
    %add3A_1730 = arith.constant 1520 : i32
    %add3A_1731 = arith.addi %mul3A_13, %add3A_1730 : i32
    %add3A_1732 = vector.broadcast %add3A_1731 : i32 to vector<16xi32>
    %add3A_1733 = arith.addi %add3A_1732, %iota3A : vector<16xi32>
    %eq3A_1734 = arith.constant 1 : i32
    %eq3A_1735 = vector.broadcast %eq3A_1734 : i32 to vector<16xi32>
    %eq3A_1736 = arith.cmpi eq, %get3A_1729, %eq3A_1735 : vector<16xi32>
    %lt3A_1737 = arith.cmpi slt, %add3A_1733, %get3A_15 : vector<16xi32>
    %and3A_1738 = arith.andi %eq3A_1736, %lt3A_1737 : vector<16xi1>
    %jit3A_1739 = arith.constant 1 : i32
    %jit3A_1740 = arith.constant 0 : i32
    %broadcast_in_dim3A_1741 = vector.broadcast %jit3A_1739 : i32 to vector<16xi32>
    %broadcast_in_dim3A_1742 = vector.broadcast %jit3A_1740 : i32 to vector<16xi32>
    %select_n3A_1743 = arith.select %and3A_1738, %broadcast_in_dim3A_1741, %broadcast_in_dim3A_1742 : vector<16xi1>, vector<16xi32>
    %add3A_1744 = arith.addi %add3A_1726, %select_n3A_1743 : vector<16xi32>
    %get3A_1745 = arith.constant 1536 : index
    %get3A_1746 = tpu.vector_load %arg5[%get3A_1745] {strides = array<i32>} : memref<2048xi32, #tpu.memory_space<vmem>>, vector<16xi32>,
    %get3A_1747 = vector.shape_cast %get3A_1746 : vector<16xi32> to vector<16xi32>
    %add3A_1748 = arith.constant 1536 : i32
    %add3A_1749 = arith.addi %mul3A_13, %add3A_1748 : i32
    %add3A_1750 = vector.broadcast %add3A_1749 : i32 to vector<16xi32>
    %add3A_1751 = arith.addi %add3A_1750, %iota3A : vector<16xi32>
    %eq3A_1752 = arith.constant 1 : i32
    %eq3A_1753 = vector.broadcast %eq3A_1752 : i32 to vector<16xi32>
    %eq3A_1754 = arith.cmpi eq, %get3A_1747, %eq3A_1753 : vector<16xi32>
    %lt3A_1755 = arith.cmpi slt, %add3A_1751, %get3A_15 : vector<16xi32>
    %and3A_1756 = arith.andi %eq3A_1754, %lt3A_1755 : vector<16xi1>
    %jit3A_1757 = arith.constant 1 : i32
    %jit3A_1758 = arith.constant 0 : i32
    %broadcast_in_dim3A_1759 = vector.broadcast %jit3A_1757 : i32 to vector<16xi32>
    %broadcast_in_dim3A_1760 = vector.broadcast %jit3A_1758 : i32 to vector<16xi32>
    %select_n3A_1761 = arith.select %and3A_1756, %broadcast_in_dim3A_1759, %broadcast_in_dim3A_1760 : vector<16xi1>, vector<16xi32>
    %add3A_1762 = arith.addi %add3A_1744, %select_n3A_1761 : vector<16xi32>
    %get3A_1763 = arith.constant 1552 : index
    %get3A_1764 = tpu.vector_load %arg5[%get3A_1763] {strides = array<i32>} : memref<2048xi32, #tpu.memory_space<vmem>>, vector<16xi32>,
    %get3A_1765 = vector.shape_cast %get3A_1764 : vector<16xi32> to vector<16xi32>
    %add3A_1766 = arith.constant 1552 : i32
    %add3A_1767 = arith.addi %mul3A_13, %add3A_1766 : i32
    %add3A_1768 = vector.broadcast %add3A_1767 : i32 to vector<16xi32>
    %add3A_1769 = arith.addi %add3A_1768, %iota3A : vector<16xi32>
    %eq3A_1770 = arith.constant 1 : i32
    %eq3A_1771 = vector.broadcast %eq3A_1770 : i32 to vector<16xi32>
    %eq3A_1772 = arith.cmpi eq, %get3A_1765, %eq3A_1771 : vector<16xi32>
    %lt3A_1773 = arith.cmpi slt, %add3A_1769, %get3A_15 : vector<16xi32>
    %and3A_1774 = arith.andi %eq3A_1772, %lt3A_1773 : vector<16xi1>
    %jit3A_1775 = arith.constant 1 : i32
    %jit3A_1776 = arith.constant 0 : i32
    %broadcast_in_dim3A_1777 = vector.broadcast %jit3A_1775 : i32 to vector<16xi32>
    %broadcast_in_dim3A_1778 = vector.broadcast %jit3A_1776 : i32 to vector<16xi32>
    %select_n3A_1779 = arith.select %and3A_1774, %broadcast_in_dim3A_1777, %broadcast_in_dim3A_1778 : vector<16xi1>, vector<16xi32>
    %add3A_1780 = arith.addi %add3A_1762, %select_n3A_1779 : vector<16xi32>
    %get3A_1781 = arith.constant 1568 : index
    %get3A_1782 = tpu.vector_load %arg5[%get3A_1781] {strides = array<i32>} : memref<2048xi32, #tpu.memory_space<vmem>>, vector<16xi32>,
    %get3A_1783 = vector.shape_cast %get3A_1782 : vector<16xi32> to vector<16xi32>
    %add3A_1784 = arith.constant 1568 : i32
    %add3A_1785 = arith.addi %mul3A_13, %add3A_1784 : i32
    %add3A_1786 = vector.broadcast %add3A_1785 : i32 to vector<16xi32>
    %add3A_1787 = arith.addi %add3A_1786, %iota3A : vector<16xi32>
    %eq3A_1788 = arith.constant 1 : i32
    %eq3A_1789 = vector.broadcast %eq3A_1788 : i32 to vector<16xi32>
    %eq3A_1790 = arith.cmpi eq, %get3A_1783, %eq3A_1789 : vector<16xi32>
    %lt3A_1791 = arith.cmpi slt, %add3A_1787, %get3A_15 : vector<16xi32>
    %and3A_1792 = arith.andi %eq3A_1790, %lt3A_1791 : vector<16xi1>
    %jit3A_1793 = arith.constant 1 : i32
    %jit3A_1794 = arith.constant 0 : i32
    %broadcast_in_dim3A_1795 = vector.broadcast %jit3A_1793 : i32 to vector<16xi32>
    %broadcast_in_dim3A_1796 = vector.broadcast %jit3A_1794 : i32 to vector<16xi32>
    %select_n3A_1797 = arith.select %and3A_1792, %broadcast_in_dim3A_1795, %broadcast_in_dim3A_1796 : vector<16xi1>, vector<16xi32>
    %add3A_1798 = arith.addi %add3A_1780, %select_n3A_1797 : vector<16xi32>
    %get3A_1799 = arith.constant 1584 : index
    %get3A_1800 = tpu.vector_load %arg5[%get3A_1799] {strides = array<i32>} : memref<2048xi32, #tpu.memory_space<vmem>>, vector<16xi32>,
    %get3A_1801 = vector.shape_cast %get3A_1800 : vector<16xi32> to vector<16xi32>
    %add3A_1802 = arith.constant 1584 : i32
    %add3A_1803 = arith.addi %mul3A_13, %add3A_1802 : i32
    %add3A_1804 = vector.broadcast %add3A_1803 : i32 to vector<16xi32>
    %add3A_1805 = arith.addi %add3A_1804, %iota3A : vector<16xi32>
    %eq3A_1806 = arith.constant 1 : i32
    %eq3A_1807 = vector.broadcast %eq3A_1806 : i32 to vector<16xi32>
    %eq3A_1808 = arith.cmpi eq, %get3A_1801, %eq3A_1807 : vector<16xi32>
    %lt3A_1809 = arith.cmpi slt, %add3A_1805, %get3A_15 : vector<16xi32>
    %and3A_1810 = arith.andi %eq3A_1808, %lt3A_1809 : vector<16xi1>
    %jit3A_1811 = arith.constant 1 : i32
    %jit3A_1812 = arith.constant 0 : i32
    %broadcast_in_dim3A_1813 = vector.broadcast %jit3A_1811 : i32 to vector<16xi32>
    %broadcast_in_dim3A_1814 = vector.broadcast %jit3A_1812 : i32 to vector<16xi32>
    %select_n3A_1815 = arith.select %and3A_1810, %broadcast_in_dim3A_1813, %broadcast_in_dim3A_1814 : vector<16xi1>, vector<16xi32>
    %add3A_1816 = arith.addi %add3A_1798, %select_n3A_1815 : vector<16xi32>
    %get3A_1817 = arith.constant 1600 : index
    %get3A_1818 = tpu.vector_load %arg5[%get3A_1817] {strides = array<i32>} : memref<2048xi32, #tpu.memory_space<vmem>>, vector<16xi32>,
    %get3A_1819 = vector.shape_cast %get3A_1818 : vector<16xi32> to vector<16xi32>
    %add3A_1820 = arith.constant 1600 : i32
    %add3A_1821 = arith.addi %mul3A_13, %add3A_1820 : i32
    %add3A_1822 = vector.broadcast %add3A_1821 : i32 to vector<16xi32>
    %add3A_1823 = arith.addi %add3A_1822, %iota3A : vector<16xi32>
    %eq3A_1824 = arith.constant 1 : i32
    %eq3A_1825 = vector.broadcast %eq3A_1824 : i32 to vector<16xi32>
    %eq3A_1826 = arith.cmpi eq, %get3A_1819, %eq3A_1825 : vector<16xi32>
    %lt3A_1827 = arith.cmpi slt, %add3A_1823, %get3A_15 : vector<16xi32>
    %and3A_1828 = arith.andi %eq3A_1826, %lt3A_1827 : vector<16xi1>
    %jit3A_1829 = arith.constant 1 : i32
    %jit3A_1830 = arith.constant 0 : i32
    %broadcast_in_dim3A_1831 = vector.broadcast %jit3A_1829 : i32 to vector<16xi32>
    %broadcast_in_dim3A_1832 = vector.broadcast %jit3A_1830 : i32 to vector<16xi32>
    %select_n3A_1833 = arith.select %and3A_1828, %broadcast_in_dim3A_1831, %broadcast_in_dim3A_1832 : vector<16xi1>, vector<16xi32>
    %add3A_1834 = arith.addi %add3A_1816, %select_n3A_1833 : vector<16xi32>
    %get3A_1835 = arith.constant 1616 : index
    %get3A_1836 = tpu.vector_load %arg5[%get3A_1835] {strides = array<i32>} : memref<2048xi32, #tpu.memory_space<vmem>>, vector<16xi32>,
    %get3A_1837 = vector.shape_cast %get3A_1836 : vector<16xi32> to vector<16xi32>
    %add3A_1838 = arith.constant 1616 : i32
    %add3A_1839 = arith.addi %mul3A_13, %add3A_1838 : i32
    %add3A_1840 = vector.broadcast %add3A_1839 : i32 to vector<16xi32>
    %add3A_1841 = arith.addi %add3A_1840, %iota3A : vector<16xi32>
    %eq3A_1842 = arith.constant 1 : i32
    %eq3A_1843 = vector.broadcast %eq3A_1842 : i32 to vector<16xi32>
    %eq3A_1844 = arith.cmpi eq, %get3A_1837, %eq3A_1843 : vector<16xi32>
    %lt3A_1845 = arith.cmpi slt, %add3A_1841, %get3A_15 : vector<16xi32>
    %and3A_1846 = arith.andi %eq3A_1844, %lt3A_1845 : vector<16xi1>
    %jit3A_1847 = arith.constant 1 : i32
    %jit3A_1848 = arith.constant 0 : i32
    %broadcast_in_dim3A_1849 = vector.broadcast %jit3A_1847 : i32 to vector<16xi32>
    %broadcast_in_dim3A_1850 = vector.broadcast %jit3A_1848 : i32 to vector<16xi32>
    %select_n3A_1851 = arith.select %and3A_1846, %broadcast_in_dim3A_1849, %broadcast_in_dim3A_1850 : vector<16xi1>, vector<16xi32>
    %add3A_1852 = arith.addi %add3A_1834, %select_n3A_1851 : vector<16xi32>
    %get3A_1853 = arith.constant 1632 : index
    %get3A_1854 = tpu.vector_load %arg5[%get3A_1853] {strides = array<i32>} : memref<2048xi32, #tpu.memory_space<vmem>>, vector<16xi32>,
    %get3A_1855 = vector.shape_cast %get3A_1854 : vector<16xi32> to vector<16xi32>
    %add3A_1856 = arith.constant 1632 : i32
    %add3A_1857 = arith.addi %mul3A_13, %add3A_1856 : i32
    %add3A_1858 = vector.broadcast %add3A_1857 : i32 to vector<16xi32>
    %add3A_1859 = arith.addi %add3A_1858, %iota3A : vector<16xi32>
    %eq3A_1860 = arith.constant 1 : i32
    %eq3A_1861 = vector.broadcast %eq3A_1860 : i32 to vector<16xi32>
    %eq3A_1862 = arith.cmpi eq, %get3A_1855, %eq3A_1861 : vector<16xi32>
    %lt3A_1863 = arith.cmpi slt, %add3A_1859, %get3A_15 : vector<16xi32>
    %and3A_1864 = arith.andi %eq3A_1862, %lt3A_1863 : vector<16xi1>
    %jit3A_1865 = arith.constant 1 : i32
    %jit3A_1866 = arith.constant 0 : i32
    %broadcast_in_dim3A_1867 = vector.broadcast %jit3A_1865 : i32 to vector<16xi32>
    %broadcast_in_dim3A_1868 = vector.broadcast %jit3A_1866 : i32 to vector<16xi32>
    %select_n3A_1869 = arith.select %and3A_1864, %broadcast_in_dim3A_1867, %broadcast_in_dim3A_1868 : vector<16xi1>, vector<16xi32>
    %add3A_1870 = arith.addi %add3A_1852, %select_n3A_1869 : vector<16xi32>
    %get3A_1871 = arith.constant 1648 : index
    %get3A_1872 = tpu.vector_load %arg5[%get3A_1871] {strides = array<i32>} : memref<2048xi32, #tpu.memory_space<vmem>>, vector<16xi32>,
    %get3A_1873 = vector.shape_cast %get3A_1872 : vector<16xi32> to vector<16xi32>
    %add3A_1874 = arith.constant 1648 : i32
    %add3A_1875 = arith.addi %mul3A_13, %add3A_1874 : i32
    %add3A_1876 = vector.broadcast %add3A_1875 : i32 to vector<16xi32>
    %add3A_1877 = arith.addi %add3A_1876, %iota3A : vector<16xi32>
    %eq3A_1878 = arith.constant 1 : i32
    %eq3A_1879 = vector.broadcast %eq3A_1878 : i32 to vector<16xi32>
    %eq3A_1880 = arith.cmpi eq, %get3A_1873, %eq3A_1879 : vector<16xi32>
    %lt3A_1881 = arith.cmpi slt, %add3A_1877, %get3A_15 : vector<16xi32>
    %and3A_1882 = arith.andi %eq3A_1880, %lt3A_1881 : vector<16xi1>
    %jit3A_1883 = arith.constant 1 : i32
    %jit3A_1884 = arith.constant 0 : i32
    %broadcast_in_dim3A_1885 = vector.broadcast %jit3A_1883 : i32 to vector<16xi32>
    %broadcast_in_dim3A_1886 = vector.broadcast %jit3A_1884 : i32 to vector<16xi32>
    %select_n3A_1887 = arith.select %and3A_1882, %broadcast_in_dim3A_1885, %broadcast_in_dim3A_1886 : vector<16xi1>, vector<16xi32>
    %add3A_1888 = arith.addi %add3A_1870, %select_n3A_1887 : vector<16xi32>
    %get3A_1889 = arith.constant 1664 : index
    %get3A_1890 = tpu.vector_load %arg5[%get3A_1889] {strides = array<i32>} : memref<2048xi32, #tpu.memory_space<vmem>>, vector<16xi32>,
    %get3A_1891 = vector.shape_cast %get3A_1890 : vector<16xi32> to vector<16xi32>
    %add3A_1892 = arith.constant 1664 : i32
    %add3A_1893 = arith.addi %mul3A_13, %add3A_1892 : i32
    %add3A_1894 = vector.broadcast %add3A_1893 : i32 to vector<16xi32>
    %add3A_1895 = arith.addi %add3A_1894, %iota3A : vector<16xi32>
    %eq3A_1896 = arith.constant 1 : i32
    %eq3A_1897 = vector.broadcast %eq3A_1896 : i32 to vector<16xi32>
    %eq3A_1898 = arith.cmpi eq, %get3A_1891, %eq3A_1897 : vector<16xi32>
    %lt3A_1899 = arith.cmpi slt, %add3A_1895, %get3A_15 : vector<16xi32>
    %and3A_1900 = arith.andi %eq3A_1898, %lt3A_1899 : vector<16xi1>
    %jit3A_1901 = arith.constant 1 : i32
    %jit3A_1902 = arith.constant 0 : i32
    %broadcast_in_dim3A_1903 = vector.broadcast %jit3A_1901 : i32 to vector<16xi32>
    %broadcast_in_dim3A_1904 = vector.broadcast %jit3A_1902 : i32 to vector<16xi32>
    %select_n3A_1905 = arith.select %and3A_1900, %broadcast_in_dim3A_1903, %broadcast_in_dim3A_1904 : vector<16xi1>, vector<16xi32>
    %add3A_1906 = arith.addi %add3A_1888, %select_n3A_1905 : vector<16xi32>
    %get3A_1907 = arith.constant 1680 : index
    %get3A_1908 = tpu.vector_load %arg5[%get3A_1907] {strides = array<i32>} : memref<2048xi32, #tpu.memory_space<vmem>>, vector<16xi32>,
    %get3A_1909 = vector.shape_cast %get3A_1908 : vector<16xi32> to vector<16xi32>
    %add3A_1910 = arith.constant 1680 : i32
    %add3A_1911 = arith.addi %mul3A_13, %add3A_1910 : i32
    %add3A_1912 = vector.broadcast %add3A_1911 : i32 to vector<16xi32>
    %add3A_1913 = arith.addi %add3A_1912, %iota3A : vector<16xi32>
    %eq3A_1914 = arith.constant 1 : i32
    %eq3A_1915 = vector.broadcast %eq3A_1914 : i32 to vector<16xi32>
    %eq3A_1916 = arith.cmpi eq, %get3A_1909, %eq3A_1915 : vector<16xi32>
    %lt3A_1917 = arith.cmpi slt, %add3A_1913, %get3A_15 : vector<16xi32>
    %and3A_1918 = arith.andi %eq3A_1916, %lt3A_1917 : vector<16xi1>
    %jit3A_1919 = arith.constant 1 : i32
    %jit3A_1920 = arith.constant 0 : i32
    %broadcast_in_dim3A_1921 = vector.broadcast %jit3A_1919 : i32 to vector<16xi32>
    %broadcast_in_dim3A_1922 = vector.broadcast %jit3A_1920 : i32 to vector<16xi32>
    %select_n3A_1923 = arith.select %and3A_1918, %broadcast_in_dim3A_1921, %broadcast_in_dim3A_1922 : vector<16xi1>, vector<16xi32>
    %add3A_1924 = arith.addi %add3A_1906, %select_n3A_1923 : vector<16xi32>
    %get3A_1925 = arith.constant 1696 : index
    %get3A_1926 = tpu.vector_load %arg5[%get3A_1925] {strides = array<i32>} : memref<2048xi32, #tpu.memory_space<vmem>>, vector<16xi32>,
    %get3A_1927 = vector.shape_cast %get3A_1926 : vector<16xi32> to vector<16xi32>
    %add3A_1928 = arith.constant 1696 : i32
    %add3A_1929 = arith.addi %mul3A_13, %add3A_1928 : i32
    %add3A_1930 = vector.broadcast %add3A_1929 : i32 to vector<16xi32>
    %add3A_1931 = arith.addi %add3A_1930, %iota3A : vector<16xi32>
    %eq3A_1932 = arith.constant 1 : i32
    %eq3A_1933 = vector.broadcast %eq3A_1932 : i32 to vector<16xi32>
    %eq3A_1934 = arith.cmpi eq, %get3A_1927, %eq3A_1933 : vector<16xi32>
    %lt3A_1935 = arith.cmpi slt, %add3A_1931, %get3A_15 : vector<16xi32>
    %and3A_1936 = arith.andi %eq3A_1934, %lt3A_1935 : vector<16xi1>
    %jit3A_1937 = arith.constant 1 : i32
    %jit3A_1938 = arith.constant 0 : i32
    %broadcast_in_dim3A_1939 = vector.broadcast %jit3A_1937 : i32 to vector<16xi32>
    %broadcast_in_dim3A_1940 = vector.broadcast %jit3A_1938 : i32 to vector<16xi32>
    %select_n3A_1941 = arith.select %and3A_1936, %broadcast_in_dim3A_1939, %broadcast_in_dim3A_1940 : vector<16xi1>, vector<16xi32>
    %add3A_1942 = arith.addi %add3A_1924, %select_n3A_1941 : vector<16xi32>
    %get3A_1943 = arith.constant 1712 : index
    %get3A_1944 = tpu.vector_load %arg5[%get3A_1943] {strides = array<i32>} : memref<2048xi32, #tpu.memory_space<vmem>>, vector<16xi32>,
    %get3A_1945 = vector.shape_cast %get3A_1944 : vector<16xi32> to vector<16xi32>
    %add3A_1946 = arith.constant 1712 : i32
    %add3A_1947 = arith.addi %mul3A_13, %add3A_1946 : i32
    %add3A_1948 = vector.broadcast %add3A_1947 : i32 to vector<16xi32>
    %add3A_1949 = arith.addi %add3A_1948, %iota3A : vector<16xi32>
    %eq3A_1950 = arith.constant 1 : i32
    %eq3A_1951 = vector.broadcast %eq3A_1950 : i32 to vector<16xi32>
    %eq3A_1952 = arith.cmpi eq, %get3A_1945, %eq3A_1951 : vector<16xi32>
    %lt3A_1953 = arith.cmpi slt, %add3A_1949, %get3A_15 : vector<16xi32>
    %and3A_1954 = arith.andi %eq3A_1952, %lt3A_1953 : vector<16xi1>
    %jit3A_1955 = arith.constant 1 : i32
    %jit3A_1956 = arith.constant 0 : i32
    %broadcast_in_dim3A_1957 = vector.broadcast %jit3A_1955 : i32 to vector<16xi32>
    %broadcast_in_dim3A_1958 = vector.broadcast %jit3A_1956 : i32 to vector<16xi32>
    %select_n3A_1959 = arith.select %and3A_1954, %broadcast_in_dim3A_1957, %broadcast_in_dim3A_1958 : vector<16xi1>, vector<16xi32>
    %add3A_1960 = arith.addi %add3A_1942, %select_n3A_1959 : vector<16xi32>
    %get3A_1961 = arith.constant 1728 : index
    %get3A_1962 = tpu.vector_load %arg5[%get3A_1961] {strides = array<i32>} : memref<2048xi32, #tpu.memory_space<vmem>>, vector<16xi32>,
    %get3A_1963 = vector.shape_cast %get3A_1962 : vector<16xi32> to vector<16xi32>
    %add3A_1964 = arith.constant 1728 : i32
    %add3A_1965 = arith.addi %mul3A_13, %add3A_1964 : i32
    %add3A_1966 = vector.broadcast %add3A_1965 : i32 to vector<16xi32>
    %add3A_1967 = arith.addi %add3A_1966, %iota3A : vector<16xi32>
    %eq3A_1968 = arith.constant 1 : i32
    %eq3A_1969 = vector.broadcast %eq3A_1968 : i32 to vector<16xi32>
    %eq3A_1970 = arith.cmpi eq, %get3A_1963, %eq3A_1969 : vector<16xi32>
    %lt3A_1971 = arith.cmpi slt, %add3A_1967, %get3A_15 : vector<16xi32>
    %and3A_1972 = arith.andi %eq3A_1970, %lt3A_1971 : vector<16xi1>
    %jit3A_1973 = arith.constant 1 : i32
    %jit3A_1974 = arith.constant 0 : i32
    %broadcast_in_dim3A_1975 = vector.broadcast %jit3A_1973 : i32 to vector<16xi32>
    %broadcast_in_dim3A_1976 = vector.broadcast %jit3A_1974 : i32 to vector<16xi32>
    %select_n3A_1977 = arith.select %and3A_1972, %broadcast_in_dim3A_1975, %broadcast_in_dim3A_1976 : vector<16xi1>, vector<16xi32>
    %add3A_1978 = arith.addi %add3A_1960, %select_n3A_1977 : vector<16xi32>
    %get3A_1979 = arith.constant 1744 : index
    %get3A_1980 = tpu.vector_load %arg5[%get3A_1979] {strides = array<i32>} : memref<2048xi32, #tpu.memory_space<vmem>>, vector<16xi32>,
    %get3A_1981 = vector.shape_cast %get3A_1980 : vector<16xi32> to vector<16xi32>
    %add3A_1982 = arith.constant 1744 : i32
    %add3A_1983 = arith.addi %mul3A_13, %add3A_1982 : i32
    %add3A_1984 = vector.broadcast %add3A_1983 : i32 to vector<16xi32>
    %add3A_1985 = arith.addi %add3A_1984, %iota3A : vector<16xi32>
    %eq3A_1986 = arith.constant 1 : i32
    %eq3A_1987 = vector.broadcast %eq3A_1986 : i32 to vector<16xi32>
    %eq3A_1988 = arith.cmpi eq, %get3A_1981, %eq3A_1987 : vector<16xi32>
    %lt3A_1989 = arith.cmpi slt, %add3A_1985, %get3A_15 : vector<16xi32>
    %and3A_1990 = arith.andi %eq3A_1988, %lt3A_1989 : vector<16xi1>
    %jit3A_1991 = arith.constant 1 : i32
    %jit3A_1992 = arith.constant 0 : i32
    %broadcast_in_dim3A_1993 = vector.broadcast %jit3A_1991 : i32 to vector<16xi32>
    %broadcast_in_dim3A_1994 = vector.broadcast %jit3A_1992 : i32 to vector<16xi32>
    %select_n3A_1995 = arith.select %and3A_1990, %broadcast_in_dim3A_1993, %broadcast_in_dim3A_1994 : vector<16xi1>, vector<16xi32>
    %add3A_1996 = arith.addi %add3A_1978, %select_n3A_1995 : vector<16xi32>
    %get3A_1997 = arith.constant 1760 : index
    %get3A_1998 = tpu.vector_load %arg5[%get3A_1997] {strides = array<i32>} : memref<2048xi32, #tpu.memory_space<vmem>>, vector<16xi32>,
    %get3A_1999 = vector.shape_cast %get3A_1998 : vector<16xi32> to vector<16xi32>
    %add3A_2000 = arith.constant 1760 : i32
    %add3A_2001 = arith.addi %mul3A_13, %add3A_2000 : i32
    %add3A_2002 = vector.broadcast %add3A_2001 : i32 to vector<16xi32>
    %add3A_2003 = arith.addi %add3A_2002, %iota3A : vector<16xi32>
    %eq3A_2004 = arith.constant 1 : i32
    %eq3A_2005 = vector.broadcast %eq3A_2004 : i32 to vector<16xi32>
    %eq3A_2006 = arith.cmpi eq, %get3A_1999, %eq3A_2005 : vector<16xi32>
    %lt3A_2007 = arith.cmpi slt, %add3A_2003, %get3A_15 : vector<16xi32>
    %and3A_2008 = arith.andi %eq3A_2006, %lt3A_2007 : vector<16xi1>
    %jit3A_2009 = arith.constant 1 : i32
    %jit3A_2010 = arith.constant 0 : i32
    %broadcast_in_dim3A_2011 = vector.broadcast %jit3A_2009 : i32 to vector<16xi32>
    %broadcast_in_dim3A_2012 = vector.broadcast %jit3A_2010 : i32 to vector<16xi32>
    %select_n3A_2013 = arith.select %and3A_2008, %broadcast_in_dim3A_2011, %broadcast_in_dim3A_2012 : vector<16xi1>, vector<16xi32>
    %add3A_2014 = arith.addi %add3A_1996, %select_n3A_2013 : vector<16xi32>
    %get3A_2015 = arith.constant 1776 : index
    %get3A_2016 = tpu.vector_load %arg5[%get3A_2015] {strides = array<i32>} : memref<2048xi32, #tpu.memory_space<vmem>>, vector<16xi32>,
    %get3A_2017 = vector.shape_cast %get3A_2016 : vector<16xi32> to vector<16xi32>
    %add3A_2018 = arith.constant 1776 : i32
    %add3A_2019 = arith.addi %mul3A_13, %add3A_2018 : i32
    %add3A_2020 = vector.broadcast %add3A_2019 : i32 to vector<16xi32>
    %add3A_2021 = arith.addi %add3A_2020, %iota3A : vector<16xi32>
    %eq3A_2022 = arith.constant 1 : i32
    %eq3A_2023 = vector.broadcast %eq3A_2022 : i32 to vector<16xi32>
    %eq3A_2024 = arith.cmpi eq, %get3A_2017, %eq3A_2023 : vector<16xi32>
    %lt3A_2025 = arith.cmpi slt, %add3A_2021, %get3A_15 : vector<16xi32>
    %and3A_2026 = arith.andi %eq3A_2024, %lt3A_2025 : vector<16xi1>
    %jit3A_2027 = arith.constant 1 : i32
    %jit3A_2028 = arith.constant 0 : i32
    %broadcast_in_dim3A_2029 = vector.broadcast %jit3A_2027 : i32 to vector<16xi32>
    %broadcast_in_dim3A_2030 = vector.broadcast %jit3A_2028 : i32 to vector<16xi32>
    %select_n3A_2031 = arith.select %and3A_2026, %broadcast_in_dim3A_2029, %broadcast_in_dim3A_2030 : vector<16xi1>, vector<16xi32>
    %add3A_2032 = arith.addi %add3A_2014, %select_n3A_2031 : vector<16xi32>
    %get3A_2033 = arith.constant 1792 : index
    %get3A_2034 = tpu.vector_load %arg5[%get3A_2033] {strides = array<i32>} : memref<2048xi32, #tpu.memory_space<vmem>>, vector<16xi32>,
    %get3A_2035 = vector.shape_cast %get3A_2034 : vector<16xi32> to vector<16xi32>
    %add3A_2036 = arith.constant 1792 : i32
    %add3A_2037 = arith.addi %mul3A_13, %add3A_2036 : i32
    %add3A_2038 = vector.broadcast %add3A_2037 : i32 to vector<16xi32>
    %add3A_2039 = arith.addi %add3A_2038, %iota3A : vector<16xi32>
    %eq3A_2040 = arith.constant 1 : i32
    %eq3A_2041 = vector.broadcast %eq3A_2040 : i32 to vector<16xi32>
    %eq3A_2042 = arith.cmpi eq, %get3A_2035, %eq3A_2041 : vector<16xi32>
    %lt3A_2043 = arith.cmpi slt, %add3A_2039, %get3A_15 : vector<16xi32>
    %and3A_2044 = arith.andi %eq3A_2042, %lt3A_2043 : vector<16xi1>
    %jit3A_2045 = arith.constant 1 : i32
    %jit3A_2046 = arith.constant 0 : i32
    %broadcast_in_dim3A_2047 = vector.broadcast %jit3A_2045 : i32 to vector<16xi32>
    %broadcast_in_dim3A_2048 = vector.broadcast %jit3A_2046 : i32 to vector<16xi32>
    %select_n3A_2049 = arith.select %and3A_2044, %broadcast_in_dim3A_2047, %broadcast_in_dim3A_2048 : vector<16xi1>, vector<16xi32>
    %add3A_2050 = arith.addi %add3A_2032, %select_n3A_2049 : vector<16xi32>
    %get3A_2051 = arith.constant 1808 : index
    %get3A_2052 = tpu.vector_load %arg5[%get3A_2051] {strides = array<i32>} : memref<2048xi32, #tpu.memory_space<vmem>>, vector<16xi32>,
    %get3A_2053 = vector.shape_cast %get3A_2052 : vector<16xi32> to vector<16xi32>
    %add3A_2054 = arith.constant 1808 : i32
    %add3A_2055 = arith.addi %mul3A_13, %add3A_2054 : i32
    %add3A_2056 = vector.broadcast %add3A_2055 : i32 to vector<16xi32>
    %add3A_2057 = arith.addi %add3A_2056, %iota3A : vector<16xi32>
    %eq3A_2058 = arith.constant 1 : i32
    %eq3A_2059 = vector.broadcast %eq3A_2058 : i32 to vector<16xi32>
    %eq3A_2060 = arith.cmpi eq, %get3A_2053, %eq3A_2059 : vector<16xi32>
    %lt3A_2061 = arith.cmpi slt, %add3A_2057, %get3A_15 : vector<16xi32>
    %and3A_2062 = arith.andi %eq3A_2060, %lt3A_2061 : vector<16xi1>
    %jit3A_2063 = arith.constant 1 : i32
    %jit3A_2064 = arith.constant 0 : i32
    %broadcast_in_dim3A_2065 = vector.broadcast %jit3A_2063 : i32 to vector<16xi32>
    %broadcast_in_dim3A_2066 = vector.broadcast %jit3A_2064 : i32 to vector<16xi32>
    %select_n3A_2067 = arith.select %and3A_2062, %broadcast_in_dim3A_2065, %broadcast_in_dim3A_2066 : vector<16xi1>, vector<16xi32>
    %add3A_2068 = arith.addi %add3A_2050, %select_n3A_2067 : vector<16xi32>
    %get3A_2069 = arith.constant 1824 : index
    %get3A_2070 = tpu.vector_load %arg5[%get3A_2069] {strides = array<i32>} : memref<2048xi32, #tpu.memory_space<vmem>>, vector<16xi32>,
    %get3A_2071 = vector.shape_cast %get3A_2070 : vector<16xi32> to vector<16xi32>
    %add3A_2072 = arith.constant 1824 : i32
    %add3A_2073 = arith.addi %mul3A_13, %add3A_2072 : i32
    %add3A_2074 = vector.broadcast %add3A_2073 : i32 to vector<16xi32>
    %add3A_2075 = arith.addi %add3A_2074, %iota3A : vector<16xi32>
    %eq3A_2076 = arith.constant 1 : i32
    %eq3A_2077 = vector.broadcast %eq3A_2076 : i32 to vector<16xi32>
    %eq3A_2078 = arith.cmpi eq, %get3A_2071, %eq3A_2077 : vector<16xi32>
    %lt3A_2079 = arith.cmpi slt, %add3A_2075, %get3A_15 : vector<16xi32>
    %and3A_2080 = arith.andi %eq3A_2078, %lt3A_2079 : vector<16xi1>
    %jit3A_2081 = arith.constant 1 : i32
    %jit3A_2082 = arith.constant 0 : i32
    %broadcast_in_dim3A_2083 = vector.broadcast %jit3A_2081 : i32 to vector<16xi32>
    %broadcast_in_dim3A_2084 = vector.broadcast %jit3A_2082 : i32 to vector<16xi32>
    %select_n3A_2085 = arith.select %and3A_2080, %broadcast_in_dim3A_2083, %broadcast_in_dim3A_2084 : vector<16xi1>, vector<16xi32>
    %add3A_2086 = arith.addi %add3A_2068, %select_n3A_2085 : vector<16xi32>
    %get3A_2087 = arith.constant 1840 : index
    %get3A_2088 = tpu.vector_load %arg5[%get3A_2087] {strides = array<i32>} : memref<2048xi32, #tpu.memory_space<vmem>>, vector<16xi32>,
    %get3A_2089 = vector.shape_cast %get3A_2088 : vector<16xi32> to vector<16xi32>
    %add3A_2090 = arith.constant 1840 : i32
    %add3A_2091 = arith.addi %mul3A_13, %add3A_2090 : i32
    %add3A_2092 = vector.broadcast %add3A_2091 : i32 to vector<16xi32>
    %add3A_2093 = arith.addi %add3A_2092, %iota3A : vector<16xi32>
    %eq3A_2094 = arith.constant 1 : i32
    %eq3A_2095 = vector.broadcast %eq3A_2094 : i32 to vector<16xi32>
    %eq3A_2096 = arith.cmpi eq, %get3A_2089, %eq3A_2095 : vector<16xi32>
    %lt3A_2097 = arith.cmpi slt, %add3A_2093, %get3A_15 : vector<16xi32>
    %and3A_2098 = arith.andi %eq3A_2096, %lt3A_2097 : vector<16xi1>
    %jit3A_2099 = arith.constant 1 : i32
    %jit3A_2100 = arith.constant 0 : i32
    %broadcast_in_dim3A_2101 = vector.broadcast %jit3A_2099 : i32 to vector<16xi32>
    %broadcast_in_dim3A_2102 = vector.broadcast %jit3A_2100 : i32 to vector<16xi32>
    %select_n3A_2103 = arith.select %and3A_2098, %broadcast_in_dim3A_2101, %broadcast_in_dim3A_2102 : vector<16xi1>, vector<16xi32>
    %add3A_2104 = arith.addi %add3A_2086, %select_n3A_2103 : vector<16xi32>
    %get3A_2105 = arith.constant 1856 : index
    %get3A_2106 = tpu.vector_load %arg5[%get3A_2105] {strides = array<i32>} : memref<2048xi32, #tpu.memory_space<vmem>>, vector<16xi32>,
    %get3A_2107 = vector.shape_cast %get3A_2106 : vector<16xi32> to vector<16xi32>
    %add3A_2108 = arith.constant 1856 : i32
    %add3A_2109 = arith.addi %mul3A_13, %add3A_2108 : i32
    %add3A_2110 = vector.broadcast %add3A_2109 : i32 to vector<16xi32>
    %add3A_2111 = arith.addi %add3A_2110, %iota3A : vector<16xi32>
    %eq3A_2112 = arith.constant 1 : i32
    %eq3A_2113 = vector.broadcast %eq3A_2112 : i32 to vector<16xi32>
    %eq3A_2114 = arith.cmpi eq, %get3A_2107, %eq3A_2113 : vector<16xi32>
    %lt3A_2115 = arith.cmpi slt, %add3A_2111, %get3A_15 : vector<16xi32>
    %and3A_2116 = arith.andi %eq3A_2114, %lt3A_2115 : vector<16xi1>
    %jit3A_2117 = arith.constant 1 : i32
    %jit3A_2118 = arith.constant 0 : i32
    %broadcast_in_dim3A_2119 = vector.broadcast %jit3A_2117 : i32 to vector<16xi32>
    %broadcast_in_dim3A_2120 = vector.broadcast %jit3A_2118 : i32 to vector<16xi32>
    %select_n3A_2121 = arith.select %and3A_2116, %broadcast_in_dim3A_2119, %broadcast_in_dim3A_2120 : vector<16xi1>, vector<16xi32>
    %add3A_2122 = arith.addi %add3A_2104, %select_n3A_2121 : vector<16xi32>
    %get3A_2123 = arith.constant 1872 : index
    %get3A_2124 = tpu.vector_load %arg5[%get3A_2123] {strides = array<i32>} : memref<2048xi32, #tpu.memory_space<vmem>>, vector<16xi32>,
    %get3A_2125 = vector.shape_cast %get3A_2124 : vector<16xi32> to vector<16xi32>
    %add3A_2126 = arith.constant 1872 : i32
    %add3A_2127 = arith.addi %mul3A_13, %add3A_2126 : i32
    %add3A_2128 = vector.broadcast %add3A_2127 : i32 to vector<16xi32>
    %add3A_2129 = arith.addi %add3A_2128, %iota3A : vector<16xi32>
    %eq3A_2130 = arith.constant 1 : i32
    %eq3A_2131 = vector.broadcast %eq3A_2130 : i32 to vector<16xi32>
    %eq3A_2132 = arith.cmpi eq, %get3A_2125, %eq3A_2131 : vector<16xi32>
    %lt3A_2133 = arith.cmpi slt, %add3A_2129, %get3A_15 : vector<16xi32>
    %and3A_2134 = arith.andi %eq3A_2132, %lt3A_2133 : vector<16xi1>
    %jit3A_2135 = arith.constant 1 : i32
    %jit3A_2136 = arith.constant 0 : i32
    %broadcast_in_dim3A_2137 = vector.broadcast %jit3A_2135 : i32 to vector<16xi32>
    %broadcast_in_dim3A_2138 = vector.broadcast %jit3A_2136 : i32 to vector<16xi32>
    %select_n3A_2139 = arith.select %and3A_2134, %broadcast_in_dim3A_2137, %broadcast_in_dim3A_2138 : vector<16xi1>, vector<16xi32>
    %add3A_2140 = arith.addi %add3A_2122, %select_n3A_2139 : vector<16xi32>
    %get3A_2141 = arith.constant 1888 : index
    %get3A_2142 = tpu.vector_load %arg5[%get3A_2141] {strides = array<i32>} : memref<2048xi32, #tpu.memory_space<vmem>>, vector<16xi32>,
    %get3A_2143 = vector.shape_cast %get3A_2142 : vector<16xi32> to vector<16xi32>
    %add3A_2144 = arith.constant 1888 : i32
    %add3A_2145 = arith.addi %mul3A_13, %add3A_2144 : i32
    %add3A_2146 = vector.broadcast %add3A_2145 : i32 to vector<16xi32>
    %add3A_2147 = arith.addi %add3A_2146, %iota3A : vector<16xi32>
    %eq3A_2148 = arith.constant 1 : i32
    %eq3A_2149 = vector.broadcast %eq3A_2148 : i32 to vector<16xi32>
    %eq3A_2150 = arith.cmpi eq, %get3A_2143, %eq3A_2149 : vector<16xi32>
    %lt3A_2151 = arith.cmpi slt, %add3A_2147, %get3A_15 : vector<16xi32>
    %and3A_2152 = arith.andi %eq3A_2150, %lt3A_2151 : vector<16xi1>
    %jit3A_2153 = arith.constant 1 : i32
    %jit3A_2154 = arith.constant 0 : i32
    %broadcast_in_dim3A_2155 = vector.broadcast %jit3A_2153 : i32 to vector<16xi32>
    %broadcast_in_dim3A_2156 = vector.broadcast %jit3A_2154 : i32 to vector<16xi32>
    %select_n3A_2157 = arith.select %and3A_2152, %broadcast_in_dim3A_2155, %broadcast_in_dim3A_2156 : vector<16xi1>, vector<16xi32>
    %add3A_2158 = arith.addi %add3A_2140, %select_n3A_2157 : vector<16xi32>
    %get3A_2159 = arith.constant 1904 : index
    %get3A_2160 = tpu.vector_load %arg5[%get3A_2159] {strides = array<i32>} : memref<2048xi32, #tpu.memory_space<vmem>>, vector<16xi32>,
    %get3A_2161 = vector.shape_cast %get3A_2160 : vector<16xi32> to vector<16xi32>
    %add3A_2162 = arith.constant 1904 : i32
    %add3A_2163 = arith.addi %mul3A_13, %add3A_2162 : i32
    %add3A_2164 = vector.broadcast %add3A_2163 : i32 to vector<16xi32>
    %add3A_2165 = arith.addi %add3A_2164, %iota3A : vector<16xi32>
    %eq3A_2166 = arith.constant 1 : i32
    %eq3A_2167 = vector.broadcast %eq3A_2166 : i32 to vector<16xi32>
    %eq3A_2168 = arith.cmpi eq, %get3A_2161, %eq3A_2167 : vector<16xi32>
    %lt3A_2169 = arith.cmpi slt, %add3A_2165, %get3A_15 : vector<16xi32>
    %and3A_2170 = arith.andi %eq3A_2168, %lt3A_2169 : vector<16xi1>
    %jit3A_2171 = arith.constant 1 : i32
    %jit3A_2172 = arith.constant 0 : i32
    %broadcast_in_dim3A_2173 = vector.broadcast %jit3A_2171 : i32 to vector<16xi32>
    %broadcast_in_dim3A_2174 = vector.broadcast %jit3A_2172 : i32 to vector<16xi32>
    %select_n3A_2175 = arith.select %and3A_2170, %broadcast_in_dim3A_2173, %broadcast_in_dim3A_2174 : vector<16xi1>, vector<16xi32>
    %add3A_2176 = arith.addi %add3A_2158, %select_n3A_2175 : vector<16xi32>
    %get3A_2177 = arith.constant 1920 : index
    %get3A_2178 = tpu.vector_load %arg5[%get3A_2177] {strides = array<i32>} : memref<2048xi32, #tpu.memory_space<vmem>>, vector<16xi32>,
    %get3A_2179 = vector.shape_cast %get3A_2178 : vector<16xi32> to vector<16xi32>
    %add3A_2180 = arith.constant 1920 : i32
    %add3A_2181 = arith.addi %mul3A_13, %add3A_2180 : i32
    %add3A_2182 = vector.broadcast %add3A_2181 : i32 to vector<16xi32>
    %add3A_2183 = arith.addi %add3A_2182, %iota3A : vector<16xi32>
    %eq3A_2184 = arith.constant 1 : i32
    %eq3A_2185 = vector.broadcast %eq3A_2184 : i32 to vector<16xi32>
    %eq3A_2186 = arith.cmpi eq, %get3A_2179, %eq3A_2185 : vector<16xi32>
    %lt3A_2187 = arith.cmpi slt, %add3A_2183, %get3A_15 : vector<16xi32>
    %and3A_2188 = arith.andi %eq3A_2186, %lt3A_2187 : vector<16xi1>
    %jit3A_2189 = arith.constant 1 : i32
    %jit3A_2190 = arith.constant 0 : i32
    %broadcast_in_dim3A_2191 = vector.broadcast %jit3A_2189 : i32 to vector<16xi32>
    %broadcast_in_dim3A_2192 = vector.broadcast %jit3A_2190 : i32 to vector<16xi32>
    %select_n3A_2193 = arith.select %and3A_2188, %broadcast_in_dim3A_2191, %broadcast_in_dim3A_2192 : vector<16xi1>, vector<16xi32>
    %add3A_2194 = arith.addi %add3A_2176, %select_n3A_2193 : vector<16xi32>
    %get3A_2195 = arith.constant 1936 : index
    %get3A_2196 = tpu.vector_load %arg5[%get3A_2195] {strides = array<i32>} : memref<2048xi32, #tpu.memory_space<vmem>>, vector<16xi32>,
    %get3A_2197 = vector.shape_cast %get3A_2196 : vector<16xi32> to vector<16xi32>
    %add3A_2198 = arith.constant 1936 : i32
    %add3A_2199 = arith.addi %mul3A_13, %add3A_2198 : i32
    %add3A_2200 = vector.broadcast %add3A_2199 : i32 to vector<16xi32>
    %add3A_2201 = arith.addi %add3A_2200, %iota3A : vector<16xi32>
    %eq3A_2202 = arith.constant 1 : i32
    %eq3A_2203 = vector.broadcast %eq3A_2202 : i32 to vector<16xi32>
    %eq3A_2204 = arith.cmpi eq, %get3A_2197, %eq3A_2203 : vector<16xi32>
    %lt3A_2205 = arith.cmpi slt, %add3A_2201, %get3A_15 : vector<16xi32>
    %and3A_2206 = arith.andi %eq3A_2204, %lt3A_2205 : vector<16xi1>
    %jit3A_2207 = arith.constant 1 : i32
    %jit3A_2208 = arith.constant 0 : i32
    %broadcast_in_dim3A_2209 = vector.broadcast %jit3A_2207 : i32 to vector<16xi32>
    %broadcast_in_dim3A_2210 = vector.broadcast %jit3A_2208 : i32 to vector<16xi32>
    %select_n3A_2211 = arith.select %and3A_2206, %broadcast_in_dim3A_2209, %broadcast_in_dim3A_2210 : vector<16xi1>, vector<16xi32>
    %add3A_2212 = arith.addi %add3A_2194, %select_n3A_2211 : vector<16xi32>
    %get3A_2213 = arith.constant 1952 : index
    %get3A_2214 = tpu.vector_load %arg5[%get3A_2213] {strides = array<i32>} : memref<2048xi32, #tpu.memory_space<vmem>>, vector<16xi32>,
    %get3A_2215 = vector.shape_cast %get3A_2214 : vector<16xi32> to vector<16xi32>
    %add3A_2216 = arith.constant 1952 : i32
    %add3A_2217 = arith.addi %mul3A_13, %add3A_2216 : i32
    %add3A_2218 = vector.broadcast %add3A_2217 : i32 to vector<16xi32>
    %add3A_2219 = arith.addi %add3A_2218, %iota3A : vector<16xi32>
    %eq3A_2220 = arith.constant 1 : i32
    %eq3A_2221 = vector.broadcast %eq3A_2220 : i32 to vector<16xi32>
    %eq3A_2222 = arith.cmpi eq, %get3A_2215, %eq3A_2221 : vector<16xi32>
    %lt3A_2223 = arith.cmpi slt, %add3A_2219, %get3A_15 : vector<16xi32>
    %and3A_2224 = arith.andi %eq3A_2222, %lt3A_2223 : vector<16xi1>
    %jit3A_2225 = arith.constant 1 : i32
    %jit3A_2226 = arith.constant 0 : i32
    %broadcast_in_dim3A_2227 = vector.broadcast %jit3A_2225 : i32 to vector<16xi32>
    %broadcast_in_dim3A_2228 = vector.broadcast %jit3A_2226 : i32 to vector<16xi32>
    %select_n3A_2229 = arith.select %and3A_2224, %broadcast_in_dim3A_2227, %broadcast_in_dim3A_2228 : vector<16xi1>, vector<16xi32>
    %add3A_2230 = arith.addi %add3A_2212, %select_n3A_2229 : vector<16xi32>
    %get3A_2231 = arith.constant 1968 : index
    %get3A_2232 = tpu.vector_load %arg5[%get3A_2231] {strides = array<i32>} : memref<2048xi32, #tpu.memory_space<vmem>>, vector<16xi32>,
    %get3A_2233 = vector.shape_cast %get3A_2232 : vector<16xi32> to vector<16xi32>
    %add3A_2234 = arith.constant 1968 : i32
    %add3A_2235 = arith.addi %mul3A_13, %add3A_2234 : i32
    %add3A_2236 = vector.broadcast %add3A_2235 : i32 to vector<16xi32>
    %add3A_2237 = arith.addi %add3A_2236, %iota3A : vector<16xi32>
    %eq3A_2238 = arith.constant 1 : i32
    %eq3A_2239 = vector.broadcast %eq3A_2238 : i32 to vector<16xi32>
    %eq3A_2240 = arith.cmpi eq, %get3A_2233, %eq3A_2239 : vector<16xi32>
    %lt3A_2241 = arith.cmpi slt, %add3A_2237, %get3A_15 : vector<16xi32>
    %and3A_2242 = arith.andi %eq3A_2240, %lt3A_2241 : vector<16xi1>
    %jit3A_2243 = arith.constant 1 : i32
    %jit3A_2244 = arith.constant 0 : i32
    %broadcast_in_dim3A_2245 = vector.broadcast %jit3A_2243 : i32 to vector<16xi32>
    %broadcast_in_dim3A_2246 = vector.broadcast %jit3A_2244 : i32 to vector<16xi32>
    %select_n3A_2247 = arith.select %and3A_2242, %broadcast_in_dim3A_2245, %broadcast_in_dim3A_2246 : vector<16xi1>, vector<16xi32>
    %add3A_2248 = arith.addi %add3A_2230, %select_n3A_2247 : vector<16xi32>
    %get3A_2249 = arith.constant 1984 : index
    %get3A_2250 = tpu.vector_load %arg5[%get3A_2249] {strides = array<i32>} : memref<2048xi32, #tpu.memory_space<vmem>>, vector<16xi32>,
    %get3A_2251 = vector.shape_cast %get3A_2250 : vector<16xi32> to vector<16xi32>
    %add3A_2252 = arith.constant 1984 : i32
    %add3A_2253 = arith.addi %mul3A_13, %add3A_2252 : i32
    %add3A_2254 = vector.broadcast %add3A_2253 : i32 to vector<16xi32>
    %add3A_2255 = arith.addi %add3A_2254, %iota3A : vector<16xi32>
    %eq3A_2256 = arith.constant 1 : i32
    %eq3A_2257 = vector.broadcast %eq3A_2256 : i32 to vector<16xi32>
    %eq3A_2258 = arith.cmpi eq, %get3A_2251, %eq3A_2257 : vector<16xi32>
    %lt3A_2259 = arith.cmpi slt, %add3A_2255, %get3A_15 : vector<16xi32>
    %and3A_2260 = arith.andi %eq3A_2258, %lt3A_2259 : vector<16xi1>
    %jit3A_2261 = arith.constant 1 : i32
    %jit3A_2262 = arith.constant 0 : i32
    %broadcast_in_dim3A_2263 = vector.broadcast %jit3A_2261 : i32 to vector<16xi32>
    %broadcast_in_dim3A_2264 = vector.broadcast %jit3A_2262 : i32 to vector<16xi32>
    %select_n3A_2265 = arith.select %and3A_2260, %broadcast_in_dim3A_2263, %broadcast_in_dim3A_2264 : vector<16xi1>, vector<16xi32>
    %add3A_2266 = arith.addi %add3A_2248, %select_n3A_2265 : vector<16xi32>
    %get3A_2267 = arith.constant 2000 : index
    %get3A_2268 = tpu.vector_load %arg5[%get3A_2267] {strides = array<i32>} : memref<2048xi32, #tpu.memory_space<vmem>>, vector<16xi32>,
    %get3A_2269 = vector.shape_cast %get3A_2268 : vector<16xi32> to vector<16xi32>
    %add3A_2270 = arith.constant 2000 : i32
    %add3A_2271 = arith.addi %mul3A_13, %add3A_2270 : i32
    %add3A_2272 = vector.broadcast %add3A_2271 : i32 to vector<16xi32>
    %add3A_2273 = arith.addi %add3A_2272, %iota3A : vector<16xi32>
    %eq3A_2274 = arith.constant 1 : i32
    %eq3A_2275 = vector.broadcast %eq3A_2274 : i32 to vector<16xi32>
    %eq3A_2276 = arith.cmpi eq, %get3A_2269, %eq3A_2275 : vector<16xi32>
    %lt3A_2277 = arith.cmpi slt, %add3A_2273, %get3A_15 : vector<16xi32>
    %and3A_2278 = arith.andi %eq3A_2276, %lt3A_2277 : vector<16xi1>
    %jit3A_2279 = arith.constant 1 : i32
    %jit3A_2280 = arith.constant 0 : i32
    %broadcast_in_dim3A_2281 = vector.broadcast %jit3A_2279 : i32 to vector<16xi32>
    %broadcast_in_dim3A_2282 = vector.broadcast %jit3A_2280 : i32 to vector<16xi32>
    %select_n3A_2283 = arith.select %and3A_2278, %broadcast_in_dim3A_2281, %broadcast_in_dim3A_2282 : vector<16xi1>, vector<16xi32>
    %add3A_2284 = arith.addi %add3A_2266, %select_n3A_2283 : vector<16xi32>
    %get3A_2285 = arith.constant 2016 : index
    %get3A_2286 = tpu.vector_load %arg5[%get3A_2285] {strides = array<i32>} : memref<2048xi32, #tpu.memory_space<vmem>>, vector<16xi32>,
    %get3A_2287 = vector.shape_cast %get3A_2286 : vector<16xi32> to vector<16xi32>
    %add3A_2288 = arith.constant 2016 : i32
    %add3A_2289 = arith.addi %mul3A_13, %add3A_2288 : i32
    %add3A_2290 = vector.broadcast %add3A_2289 : i32 to vector<16xi32>
    %add3A_2291 = arith.addi %add3A_2290, %iota3A : vector<16xi32>
    %eq3A_2292 = arith.constant 1 : i32
    %eq3A_2293 = vector.broadcast %eq3A_2292 : i32 to vector<16xi32>
    %eq3A_2294 = arith.cmpi eq, %get3A_2287, %eq3A_2293 : vector<16xi32>
    %lt3A_2295 = arith.cmpi slt, %add3A_2291, %get3A_15 : vector<16xi32>
    %and3A_2296 = arith.andi %eq3A_2294, %lt3A_2295 : vector<16xi1>
    %jit3A_2297 = arith.constant 1 : i32
    %jit3A_2298 = arith.constant 0 : i32
    %broadcast_in_dim3A_2299 = vector.broadcast %jit3A_2297 : i32 to vector<16xi32>
    %broadcast_in_dim3A_2300 = vector.broadcast %jit3A_2298 : i32 to vector<16xi32>
    %select_n3A_2301 = arith.select %and3A_2296, %broadcast_in_dim3A_2299, %broadcast_in_dim3A_2300 : vector<16xi1>, vector<16xi32>
    %add3A_2302 = arith.addi %add3A_2284, %select_n3A_2301 : vector<16xi32>
    %get3A_2303 = arith.constant 2032 : index
    %get3A_2304 = tpu.vector_load %arg5[%get3A_2303] {strides = array<i32>} : memref<2048xi32, #tpu.memory_space<vmem>>, vector<16xi32>,
    %get3A_2305 = vector.shape_cast %get3A_2304 : vector<16xi32> to vector<16xi32>
    %add3A_2306 = arith.constant 2032 : i32
    %add3A_2307 = arith.addi %mul3A_13, %add3A_2306 : i32
    %add3A_2308 = vector.broadcast %add3A_2307 : i32 to vector<16xi32>
    %add3A_2309 = arith.addi %add3A_2308, %iota3A : vector<16xi32>
    %eq3A_2310 = arith.constant 1 : i32
    %eq3A_2311 = vector.broadcast %eq3A_2310 : i32 to vector<16xi32>
    %eq3A_2312 = arith.cmpi eq, %get3A_2305, %eq3A_2311 : vector<16xi32>
    %lt3A_2313 = arith.cmpi slt, %add3A_2309, %get3A_15 : vector<16xi32>
    %and3A_2314 = arith.andi %eq3A_2312, %lt3A_2313 : vector<16xi1>
    %jit3A_2315 = arith.constant 1 : i32
    %jit3A_2316 = arith.constant 0 : i32
    %broadcast_in_dim3A_2317 = vector.broadcast %jit3A_2315 : i32 to vector<16xi32>
    %broadcast_in_dim3A_2318 = vector.broadcast %jit3A_2316 : i32 to vector<16xi32>
    %select_n3A_2319 = arith.select %and3A_2314, %broadcast_in_dim3A_2317, %broadcast_in_dim3A_2318 : vector<16xi1>, vector<16xi32>
    %add3A_2320 = arith.addi %add3A_2302, %select_n3A_2319 : vector<16xi32>
    %swap3A = arith.constant 0 : index
    %swap3A_2321 = tpu.vector_load %arg7[%swap3A] {strides = array<i32>} : memref<16xi32, #tpu.memory_space<vmem>>, vector<16xi32>,
    %swap3A_2322 = vector.shape_cast %swap3A_2321 : vector<16xi32> to vector<16xi32>
    %swap3A_2323 = vector.shape_cast %add3A_2320 : vector<16xi32> to vector<16xi32>
    tpu.vector_store %arg7[%swap3A], %swap3A_2323 {strides = array<i32>} : memref<16xi32, #tpu.memory_space<vmem>>, vector<16xi32>,
    "tpu.region"() ({
      %run_scoped3A = tpu.sem_alloc : memref<!tpu.dma_semaphore, #tpu.memory_space<semaphore_mem>>
      %dma_start3A = arith.constant 0 : i32
      %dma_start3A_2324 = tpu.memref_slice %arg4[%add3A, %dma_start3A] : memref<32x16xi32, #tpu.memory_space<hbm>> -> memref<1x16xi32, #tpu.memory_space<hbm>>
      %dma_start3A_2325 = tpu.memref_squeeze %dma_start3A_2324 : memref<1x16xi32, #tpu.memory_space<hbm>> -> memref<16xi32, #tpu.memory_space<hbm>>
      %dma_start3A_2326 = arith.constant 0 : i32
      %dma_start3A_2327 = tpu.memref_slice %arg4[%add3A, %dma_start3A_2326] : memref<32x16xi32, #tpu.memory_space<hbm>> -> memref<1x16xi32, #tpu.memory_space<hbm>>
      %dma_start3A_2328 = tpu.memref_squeeze %dma_start3A_2327 : memref<1x16xi32, #tpu.memory_space<hbm>> -> memref<16xi32, #tpu.memory_space<hbm>>
      tpu.enqueue_dma source(%arg7 : memref<16xi32, #tpu.memory_space<vmem>>) target(%dma_start3A_2328 : memref<16xi32, #tpu.memory_space<hbm>>) target_semaphore(%run_scoped3A : memref<!tpu.dma_semaphore, #tpu.memory_space<semaphore_mem>>)
      %dma_wait3A = arith.constant 0 : i32
      %dma_wait3A_2329 = tpu.memref_slice %arg4[%add3A, %dma_wait3A] : memref<32x16xi32, #tpu.memory_space<hbm>> -> memref<1x16xi32, #tpu.memory_space<hbm>>
      %dma_wait3A_2330 = tpu.memref_squeeze %dma_wait3A_2329 : memref<1x16xi32, #tpu.memory_space<hbm>> -> memref<16xi32, #tpu.memory_space<hbm>>
      %dma_wait3A_2331 = arith.constant 0 : i32
      %dma_wait3A_2332 = tpu.memref_slice %arg4[%add3A, %dma_wait3A_2331] : memref<32x16xi32, #tpu.memory_space<hbm>> -> memref<1x16xi32, #tpu.memory_space<hbm>>
      %dma_wait3A_2333 = tpu.memref_squeeze %dma_wait3A_2332 : memref<1x16xi32, #tpu.memory_space<hbm>> -> memref<16xi32, #tpu.memory_space<hbm>>
      tpu.wait_dma2 semaphore(%run_scoped3A : memref<!tpu.dma_semaphore, #tpu.memory_space<semaphore_mem>>) src(%arg7 : memref<16xi32, #tpu.memory_space<vmem>>) dst(%dma_wait3A_2333 : memref<16xi32, #tpu.memory_space<hbm>>)
      tpu.yield
    }) : () -> ()
    return
  }
}

module attributes {stable_mosaic.version = 14 : i64} {
  func.func @_loss_kernel(%arg0: memref<16x4096xf32, #tpu.memory_space<vmem>>, %arg1: memref<16x4096xf32, #tpu.memory_space<vmem>>, %arg2: memref<16x4096xi32, #tpu.memory_space<vmem>>, %arg3: memref<16x4096xf32, #tpu.memory_space<vmem>>, %arg4: memref<16x4096xi32, #tpu.memory_space<vmem>>, %arg5: memref<16x1xi32, #tpu.memory_space<vmem>>, %arg6: memref<16x1xi32, #tpu.memory_space<vmem>>, %arg7: memref<32x16xi32, #tpu.memory_space<vmem>>, %arg8: memref<1x1xf32, #tpu.memory_space<vmem>>, %arg9: memref<1x1xf32, #tpu.memory_space<vmem>>, %arg10: memref<1x1xf32, #tpu.memory_space<vmem>>) attributes {dimension_semantics = [], scalar_prefetch = 0 : i64, scratch_operands = 0 : i64, tpu.core_type = #tpu.core_type<tc>} {
    %iota3A = tpu.iota {dimensions = array<i32: 1>} : vector<16x4096xi32>
    %get3A = arith.constant 0 : index
    %get3A_0 = arith.constant 0 : index
    %get3A_1 = vector.load %arg0[%get3A, %get3A_0] : memref<16x4096xf32, #tpu.memory_space<vmem>>, vector<16x4096xf32>
    %get3A_2 = arith.constant 0 : index
    %get3A_3 = arith.constant 0 : index
    %get3A_4 = vector.load %arg1[%get3A_2, %get3A_3] : memref<16x4096xf32, #tpu.memory_space<vmem>>, vector<16x4096xf32>
    %max3A = arith.maximumf %get3A_1, %get3A_4 : vector<16x4096xf32>
    %sub3A = arith.subf %get3A_1, %max3A : vector<16x4096xf32>
    %exp3A = math.exp %sub3A : vector<16x4096xf32>
    %sub3A_5 = arith.subf %get3A_4, %max3A : vector<16x4096xf32>
    %exp3A_6 = math.exp %sub3A_5 : vector<16x4096xf32>
    %add3A = arith.addf %exp3A, %exp3A_6 : vector<16x4096xf32>
    %log3A = math.log %add3A : vector<16x4096xf32>
    %add3A_7 = arith.addf %max3A, %log3A : vector<16x4096xf32>
    %get3A_8 = arith.constant 0 : index
    %get3A_9 = arith.constant 0 : index
    %get3A_10 = vector.load %arg2[%get3A_8, %get3A_9] : memref<16x4096xi32, #tpu.memory_space<vmem>>, vector<16x4096xi32>
    %eq3A = arith.constant 0 : i32
    %eq3A_11 = vector.broadcast %eq3A : i32 to vector<16x4096xi32>
    %eq3A_12 = arith.cmpi eq, %get3A_10, %eq3A_11 : vector<16x4096xi32>
    %select_n3A = arith.select %eq3A_12, %get3A_1, %get3A_4 : vector<16x4096xi1>, vector<16x4096xf32>
    %sub3A_13 = arith.subf %add3A_7, %select_n3A : vector<16x4096xf32>
    %get3A_14 = arith.constant 0 : index
    %get3A_15 = arith.constant 0 : index
    %get3A_16 = vector.load %arg5[%get3A_14, %get3A_15] : memref<16x1xi32, #tpu.memory_space<vmem>>, vector<16x1xi32>
    %lt3A = vector.broadcast %get3A_16 : vector<16x1xi32> to vector<16x4096xi32>
    %lt3A_17 = arith.cmpi slt, %iota3A, %lt3A : vector<16x4096xi32>
    %convert_element_type3A = arith.extui %lt3A_17 : vector<16x4096xi1> to vector<16x4096xi32>
    %convert_element_type3A_18 = arith.sitofp %convert_element_type3A : vector<16x4096xi32> to vector<16x4096xf32>
    %mul3A = arith.mulf %sub3A_13, %convert_element_type3A_18 : vector<16x4096xf32>
    %reduce_sum3A = vector.shape_cast %mul3A : vector<16x4096xf32> to vector<1x16x4096xf32>
    %reduce_sum3A_19 = arith.constant dense<0.000000e+00> : vector<1xf32>
    %reduce_sum3A_20 = vector.multi_reduction <add>, %reduce_sum3A, %reduce_sum3A_19 [1, 2] : vector<1x16x4096xf32> to vector<1xf32>
    %reduce_sum3A_21 = vector.shape_cast %reduce_sum3A_20 : vector<1xf32> to vector<1x1x1xf32>
    %reduce_sum3A_22 = vector.extract %reduce_sum3A_21[0, 0, 0] : f32 from vector<1x1x1xf32>
    %reduce_sum3A_23 = vector.shape_cast %convert_element_type3A_18 : vector<16x4096xf32> to vector<1x16x4096xf32>
    %reduce_sum3A_24 = arith.constant dense<0.000000e+00> : vector<1xf32>
    %reduce_sum3A_25 = vector.multi_reduction <add>, %reduce_sum3A_23, %reduce_sum3A_24 [1, 2] : vector<1x16x4096xf32> to vector<1xf32>
    %reduce_sum3A_26 = vector.shape_cast %reduce_sum3A_25 : vector<1xf32> to vector<1x1x1xf32>
    %reduce_sum3A_27 = vector.extract %reduce_sum3A_26[0, 0, 0] : f32 from vector<1x1x1xf32>
    %add3A_28 = arith.constant 9.99999993E-9 : f32
    %add3A_29 = arith.addf %reduce_sum3A_27, %add3A_28 : f32
    %div3A = arith.divf %reduce_sum3A_22, %add3A_29 : f32
    %get3A_30 = arith.constant 0 : index
    %get3A_31 = arith.constant 0 : index
    %get3A_32 = vector.load %arg3[%get3A_30, %get3A_31] : memref<16x4096xf32, #tpu.memory_space<vmem>>, vector<16x4096xf32>
    %get3A_33 = arith.constant 0 : index
    %get3A_34 = arith.constant 0 : index
    %get3A_35 = vector.load %arg4[%get3A_33, %get3A_34] : memref<16x4096xi32, #tpu.memory_space<vmem>>, vector<16x4096xi32>
    %convert_element_type3A_36 = arith.sitofp %get3A_35 : vector<16x4096xi32> to vector<16x4096xf32>
    %get3A_37 = arith.constant 0 : index
    %get3A_38 = arith.constant 0 : index
    %get3A_39 = vector.load %arg6[%get3A_37, %get3A_38] : memref<16x1xi32, #tpu.memory_space<vmem>>, vector<16x1xi32>
    %lt3A_40 = vector.broadcast %get3A_39 : vector<16x1xi32> to vector<16x4096xi32>
    %lt3A_41 = arith.cmpi slt, %iota3A, %lt3A_40 : vector<16x4096xi32>
    %convert_element_type3A_42 = arith.extui %lt3A_41 : vector<16x4096xi1> to vector<16x4096xi32>
    %convert_element_type3A_43 = arith.sitofp %convert_element_type3A_42 : vector<16x4096xi32> to vector<16x4096xf32>
    %eq3A_44 = arith.constant 1.000000e+00 : f32
    %eq3A_45 = vector.broadcast %eq3A_44 : f32 to vector<16x4096xf32>
    %eq3A_46 = arith.cmpf oeq, %convert_element_type3A_36, %eq3A_45 : vector<16x4096xf32>
    %sub3A_47 = arith.constant 1.000000e+00 : f32
    %sub3A_48 = vector.broadcast %sub3A_47 : f32 to vector<16x4096xf32>
    %sub3A_49 = arith.subf %sub3A_48, %get3A_32 : vector<16x4096xf32>
    %select_n3A_50 = arith.select %eq3A_46, %get3A_32, %sub3A_49 : vector<16x4096xi1>, vector<16x4096xf32>
    %log3A_51 = math.log %select_n3A_50 : vector<16x4096xf32>
    %neg3A = arith.constant 0.000000e+00 : f32
    %neg3A_52 = vector.broadcast %neg3A : f32 to vector<16x4096xf32>
    %neg3A_53 = arith.subf %neg3A_52, %log3A_51 : vector<16x4096xf32>
    %min3A = arith.constant 1.000000e+02 : f32
    %min3A_54 = vector.broadcast %min3A : f32 to vector<16x4096xf32>
    %min3A_55 = arith.minimumf %neg3A_53, %min3A_54 : vector<16x4096xf32>
    %mul3A_56 = arith.mulf %min3A_55, %convert_element_type3A_43 : vector<16x4096xf32>
    %mul3A_57 = arith.mulf %convert_element_type3A_36, %convert_element_type3A_43 : vector<16x4096xf32>
    %eq3A_58 = arith.constant 1.000000e+00 : f32
    %eq3A_59 = vector.broadcast %eq3A_58 : f32 to vector<16x4096xf32>
    %eq3A_60 = arith.cmpf oeq, %mul3A_57, %eq3A_59 : vector<16x4096xf32>
    %convert_element_type3A_61 = arith.extui %eq3A_60 : vector<16x4096xi1> to vector<16x4096xi32>
    %convert_element_type3A_62 = arith.sitofp %convert_element_type3A_61 : vector<16x4096xi32> to vector<16x4096xf32>
    %get3A_63 = arith.constant 0 : index
    %get3A_64 = arith.constant 0 : index
    %get3A_65 = vector.load %arg7[%get3A_63, %get3A_64] : memref<32x16xi32, #tpu.memory_space<vmem>>, vector<32x16xi32>
    %reduce_sum3A_66 = vector.shape_cast %get3A_65 : vector<32x16xi32> to vector<1x32x16xi32>
    %reduce_sum3A_67 = arith.constant dense<0> : vector<1xi32>
    %reduce_sum3A_68 = vector.multi_reduction <add>, %reduce_sum3A_66, %reduce_sum3A_67 [1, 2] : vector<1x32x16xi32> to vector<1xi32>
    %reduce_sum3A_69 = vector.shape_cast %reduce_sum3A_68 : vector<1xi32> to vector<1x1x1xi32>
    %reduce_sum3A_70 = vector.extract %reduce_sum3A_69[0, 0, 0] : i32 from vector<1x1x1xi32>
    %convert_element_type3A_71 = arith.sitofp %reduce_sum3A_70 : i32 to f32
    %sub3A_72 = arith.constant 6.553600e+04 : f32
    %sub3A_73 = arith.subf %sub3A_72, %convert_element_type3A_71 : f32
    %mul3A_74 = arith.constant 5.000000e+00 : f32
    %mul3A_75 = arith.mulf %convert_element_type3A_71, %mul3A_74 : f32
    %floor3A = math.floor %mul3A_75 : f32
    %min3A_76 = arith.minimumf %sub3A_73, %floor3A : f32
    %mul3A_77 = arith.mulf %mul3A_56, %convert_element_type3A_62 : vector<16x4096xf32>
    %reduce_sum3A_78 = vector.shape_cast %mul3A_77 : vector<16x4096xf32> to vector<1x16x4096xf32>
    %reduce_sum3A_79 = arith.constant dense<0.000000e+00> : vector<1xf32>
    %reduce_sum3A_80 = vector.multi_reduction <add>, %reduce_sum3A_78, %reduce_sum3A_79 [1, 2] : vector<1x16x4096xf32> to vector<1xf32>
    %reduce_sum3A_81 = vector.shape_cast %reduce_sum3A_80 : vector<1xf32> to vector<1x1x1xf32>
    %reduce_sum3A_82 = vector.extract %reduce_sum3A_81[0, 0, 0] : f32 from vector<1x1x1xf32>
    %sub3A_83 = arith.constant 1.000000e+00 : f32
    %sub3A_84 = vector.broadcast %sub3A_83 : f32 to vector<16x4096xf32>
    %sub3A_85 = arith.subf %sub3A_84, %convert_element_type3A_62 : vector<16x4096xf32>
    %mul3A_86 = arith.mulf %mul3A_56, %sub3A_85 : vector<16x4096xf32>
    %bitcast_convert_type3A = tpu.bitcast %mul3A_86 : vector<16x4096xf32> -> vector<16x4096xi32>
    %convert_element_type3A_87 = arith.fptosi %min3A_76 : f32 to i32
    %add3A_88 = arith.constant 0 : i32
    %add3A_89 = arith.constant 536870912 : i32
    %add3A_90 = arith.addi %add3A_88, %add3A_89 : i32
    %ge3A = vector.broadcast %add3A_90 : i32 to vector<16x4096xi32>
    %ge3A_91 = arith.cmpi sge, %bitcast_convert_type3A, %ge3A : vector<16x4096xi32>
    %convert_element_type3A_92 = arith.extui %ge3A_91 : vector<16x4096xi1> to vector<16x4096xi32>
    %reduce_sum3A_93 = vector.shape_cast %convert_element_type3A_92 : vector<16x4096xi32> to vector<1x16x4096xi32>
    %reduce_sum3A_94 = arith.constant dense<0> : vector<1xi32>
    %reduce_sum3A_95 = vector.multi_reduction <add>, %reduce_sum3A_93, %reduce_sum3A_94 [1, 2] : vector<1x16x4096xi32> to vector<1xi32>
    %reduce_sum3A_96 = vector.shape_cast %reduce_sum3A_95 : vector<1xi32> to vector<1x1x1xi32>
    %reduce_sum3A_97 = vector.extract %reduce_sum3A_96[0, 0, 0] : i32 from vector<1x1x1xi32>
    %ge3A_98 = arith.cmpi sge, %reduce_sum3A_97, %convert_element_type3A_87 : i32
    %convert_element_type3A_99 = arith.extui %ge3A_98 : i1 to i32
    %add3A_100 = arith.constant 0 : i32
    %add3A_101 = arith.addi %add3A_100, %convert_element_type3A_99 : i32
    %add3A_102 = arith.constant 0 : i32
    %add3A_103 = arith.constant 1073741824 : i32
    %add3A_104 = arith.addi %add3A_102, %add3A_103 : i32
    %ge3A_105 = vector.broadcast %add3A_104 : i32 to vector<16x4096xi32>
    %ge3A_106 = arith.cmpi sge, %bitcast_convert_type3A, %ge3A_105 : vector<16x4096xi32>
    %convert_element_type3A_107 = arith.extui %ge3A_106 : vector<16x4096xi1> to vector<16x4096xi32>
    %reduce_sum3A_108 = vector.shape_cast %convert_element_type3A_107 : vector<16x4096xi32> to vector<1x16x4096xi32>
    %reduce_sum3A_109 = arith.constant dense<0> : vector<1xi32>
    %reduce_sum3A_110 = vector.multi_reduction <add>, %reduce_sum3A_108, %reduce_sum3A_109 [1, 2] : vector<1x16x4096xi32> to vector<1xi32>
    %reduce_sum3A_111 = vector.shape_cast %reduce_sum3A_110 : vector<1xi32> to vector<1x1x1xi32>
    %reduce_sum3A_112 = vector.extract %reduce_sum3A_111[0, 0, 0] : i32 from vector<1x1x1xi32>
    %ge3A_113 = arith.cmpi sge, %reduce_sum3A_112, %convert_element_type3A_87 : i32
    %convert_element_type3A_114 = arith.extui %ge3A_113 : i1 to i32
    %add3A_115 = arith.addi %add3A_101, %convert_element_type3A_114 : i32
    %add3A_116 = arith.constant 0 : i32
    %add3A_117 = arith.constant 1610612736 : i32
    %add3A_118 = arith.addi %add3A_116, %add3A_117 : i32
    %ge3A_119 = vector.broadcast %add3A_118 : i32 to vector<16x4096xi32>
    %ge3A_120 = arith.cmpi sge, %bitcast_convert_type3A, %ge3A_119 : vector<16x4096xi32>
    %convert_element_type3A_121 = arith.extui %ge3A_120 : vector<16x4096xi1> to vector<16x4096xi32>
    %reduce_sum3A_122 = vector.shape_cast %convert_element_type3A_121 : vector<16x4096xi32> to vector<1x16x4096xi32>
    %reduce_sum3A_123 = arith.constant dense<0> : vector<1xi32>
    %reduce_sum3A_124 = vector.multi_reduction <add>, %reduce_sum3A_122, %reduce_sum3A_123 [1, 2] : vector<1x16x4096xi32> to vector<1xi32>
    %reduce_sum3A_125 = vector.shape_cast %reduce_sum3A_124 : vector<1xi32> to vector<1x1x1xi32>
    %reduce_sum3A_126 = vector.extract %reduce_sum3A_125[0, 0, 0] : i32 from vector<1x1x1xi32>
    %ge3A_127 = arith.cmpi sge, %reduce_sum3A_126, %convert_element_type3A_87 : i32
    %convert_element_type3A_128 = arith.extui %ge3A_127 : i1 to i32
    %add3A_129 = arith.addi %add3A_115, %convert_element_type3A_128 : i32
    %mul3A_130 = arith.constant 536870912 : i32
    %mul3A_131 = arith.muli %add3A_129, %mul3A_130 : i32
    %add3A_132 = arith.constant 0 : i32
    %add3A_133 = arith.addi %add3A_132, %mul3A_131 : i32
    %add3A_134 = arith.constant 134217728 : i32
    %add3A_135 = arith.addi %add3A_133, %add3A_134 : i32
    %ge3A_136 = vector.broadcast %add3A_135 : i32 to vector<16x4096xi32>
    %ge3A_137 = arith.cmpi sge, %bitcast_convert_type3A, %ge3A_136 : vector<16x4096xi32>
    %convert_element_type3A_138 = arith.extui %ge3A_137 : vector<16x4096xi1> to vector<16x4096xi32>
    %reduce_sum3A_139 = vector.shape_cast %convert_element_type3A_138 : vector<16x4096xi32> to vector<1x16x4096xi32>
    %reduce_sum3A_140 = arith.constant dense<0> : vector<1xi32>
    %reduce_sum3A_141 = vector.multi_reduction <add>, %reduce_sum3A_139, %reduce_sum3A_140 [1, 2] : vector<1x16x4096xi32> to vector<1xi32>
    %reduce_sum3A_142 = vector.shape_cast %reduce_sum3A_141 : vector<1xi32> to vector<1x1x1xi32>
    %reduce_sum3A_143 = vector.extract %reduce_sum3A_142[0, 0, 0] : i32 from vector<1x1x1xi32>
    %ge3A_144 = arith.cmpi sge, %reduce_sum3A_143, %convert_element_type3A_87 : i32
    %convert_element_type3A_145 = arith.extui %ge3A_144 : i1 to i32
    %add3A_146 = arith.constant 0 : i32
    %add3A_147 = arith.addi %add3A_146, %convert_element_type3A_145 : i32
    %add3A_148 = arith.constant 268435456 : i32
    %add3A_149 = arith.addi %add3A_133, %add3A_148 : i32
    %ge3A_150 = vector.broadcast %add3A_149 : i32 to vector<16x4096xi32>
    %ge3A_151 = arith.cmpi sge, %bitcast_convert_type3A, %ge3A_150 : vector<16x4096xi32>
    %convert_element_type3A_152 = arith.extui %ge3A_151 : vector<16x4096xi1> to vector<16x4096xi32>
    %reduce_sum3A_153 = vector.shape_cast %convert_element_type3A_152 : vector<16x4096xi32> to vector<1x16x4096xi32>
    %reduce_sum3A_154 = arith.constant dense<0> : vector<1xi32>
    %reduce_sum3A_155 = vector.multi_reduction <add>, %reduce_sum3A_153, %reduce_sum3A_154 [1, 2] : vector<1x16x4096xi32> to vector<1xi32>
    %reduce_sum3A_156 = vector.shape_cast %reduce_sum3A_155 : vector<1xi32> to vector<1x1x1xi32>
    %reduce_sum3A_157 = vector.extract %reduce_sum3A_156[0, 0, 0] : i32 from vector<1x1x1xi32>
    %ge3A_158 = arith.cmpi sge, %reduce_sum3A_157, %convert_element_type3A_87 : i32
    %convert_element_type3A_159 = arith.extui %ge3A_158 : i1 to i32
    %add3A_160 = arith.addi %add3A_147, %convert_element_type3A_159 : i32
    %add3A_161 = arith.constant 402653184 : i32
    %add3A_162 = arith.addi %add3A_133, %add3A_161 : i32
    %ge3A_163 = vector.broadcast %add3A_162 : i32 to vector<16x4096xi32>
    %ge3A_164 = arith.cmpi sge, %bitcast_convert_type3A, %ge3A_163 : vector<16x4096xi32>
    %convert_element_type3A_165 = arith.extui %ge3A_164 : vector<16x4096xi1> to vector<16x4096xi32>
    %reduce_sum3A_166 = vector.shape_cast %convert_element_type3A_165 : vector<16x4096xi32> to vector<1x16x4096xi32>
    %reduce_sum3A_167 = arith.constant dense<0> : vector<1xi32>
    %reduce_sum3A_168 = vector.multi_reduction <add>, %reduce_sum3A_166, %reduce_sum3A_167 [1, 2] : vector<1x16x4096xi32> to vector<1xi32>
    %reduce_sum3A_169 = vector.shape_cast %reduce_sum3A_168 : vector<1xi32> to vector<1x1x1xi32>
    %reduce_sum3A_170 = vector.extract %reduce_sum3A_169[0, 0, 0] : i32 from vector<1x1x1xi32>
    %ge3A_171 = arith.cmpi sge, %reduce_sum3A_170, %convert_element_type3A_87 : i32
    %convert_element_type3A_172 = arith.extui %ge3A_171 : i1 to i32
    %add3A_173 = arith.addi %add3A_160, %convert_element_type3A_172 : i32
    %mul3A_174 = arith.constant 134217728 : i32
    %mul3A_175 = arith.muli %add3A_173, %mul3A_174 : i32
    %add3A_176 = arith.addi %add3A_133, %mul3A_175 : i32
    %add3A_177 = arith.constant 33554432 : i32
    %add3A_178 = arith.addi %add3A_176, %add3A_177 : i32
    %ge3A_179 = vector.broadcast %add3A_178 : i32 to vector<16x4096xi32>
    %ge3A_180 = arith.cmpi sge, %bitcast_convert_type3A, %ge3A_179 : vector<16x4096xi32>
    %convert_element_type3A_181 = arith.extui %ge3A_180 : vector<16x4096xi1> to vector<16x4096xi32>
    %reduce_sum3A_182 = vector.shape_cast %convert_element_type3A_181 : vector<16x4096xi32> to vector<1x16x4096xi32>
    %reduce_sum3A_183 = arith.constant dense<0> : vector<1xi32>
    %reduce_sum3A_184 = vector.multi_reduction <add>, %reduce_sum3A_182, %reduce_sum3A_183 [1, 2] : vector<1x16x4096xi32> to vector<1xi32>
    %reduce_sum3A_185 = vector.shape_cast %reduce_sum3A_184 : vector<1xi32> to vector<1x1x1xi32>
    %reduce_sum3A_186 = vector.extract %reduce_sum3A_185[0, 0, 0] : i32 from vector<1x1x1xi32>
    %ge3A_187 = arith.cmpi sge, %reduce_sum3A_186, %convert_element_type3A_87 : i32
    %convert_element_type3A_188 = arith.extui %ge3A_187 : i1 to i32
    %add3A_189 = arith.constant 0 : i32
    %add3A_190 = arith.addi %add3A_189, %convert_element_type3A_188 : i32
    %add3A_191 = arith.constant 67108864 : i32
    %add3A_192 = arith.addi %add3A_176, %add3A_191 : i32
    %ge3A_193 = vector.broadcast %add3A_192 : i32 to vector<16x4096xi32>
    %ge3A_194 = arith.cmpi sge, %bitcast_convert_type3A, %ge3A_193 : vector<16x4096xi32>
    %convert_element_type3A_195 = arith.extui %ge3A_194 : vector<16x4096xi1> to vector<16x4096xi32>
    %reduce_sum3A_196 = vector.shape_cast %convert_element_type3A_195 : vector<16x4096xi32> to vector<1x16x4096xi32>
    %reduce_sum3A_197 = arith.constant dense<0> : vector<1xi32>
    %reduce_sum3A_198 = vector.multi_reduction <add>, %reduce_sum3A_196, %reduce_sum3A_197 [1, 2] : vector<1x16x4096xi32> to vector<1xi32>
    %reduce_sum3A_199 = vector.shape_cast %reduce_sum3A_198 : vector<1xi32> to vector<1x1x1xi32>
    %reduce_sum3A_200 = vector.extract %reduce_sum3A_199[0, 0, 0] : i32 from vector<1x1x1xi32>
    %ge3A_201 = arith.cmpi sge, %reduce_sum3A_200, %convert_element_type3A_87 : i32
    %convert_element_type3A_202 = arith.extui %ge3A_201 : i1 to i32
    %add3A_203 = arith.addi %add3A_190, %convert_element_type3A_202 : i32
    %add3A_204 = arith.constant 100663296 : i32
    %add3A_205 = arith.addi %add3A_176, %add3A_204 : i32
    %ge3A_206 = vector.broadcast %add3A_205 : i32 to vector<16x4096xi32>
    %ge3A_207 = arith.cmpi sge, %bitcast_convert_type3A, %ge3A_206 : vector<16x4096xi32>
    %convert_element_type3A_208 = arith.extui %ge3A_207 : vector<16x4096xi1> to vector<16x4096xi32>
    %reduce_sum3A_209 = vector.shape_cast %convert_element_type3A_208 : vector<16x4096xi32> to vector<1x16x4096xi32>
    %reduce_sum3A_210 = arith.constant dense<0> : vector<1xi32>
    %reduce_sum3A_211 = vector.multi_reduction <add>, %reduce_sum3A_209, %reduce_sum3A_210 [1, 2] : vector<1x16x4096xi32> to vector<1xi32>
    %reduce_sum3A_212 = vector.shape_cast %reduce_sum3A_211 : vector<1xi32> to vector<1x1x1xi32>
    %reduce_sum3A_213 = vector.extract %reduce_sum3A_212[0, 0, 0] : i32 from vector<1x1x1xi32>
    %ge3A_214 = arith.cmpi sge, %reduce_sum3A_213, %convert_element_type3A_87 : i32
    %convert_element_type3A_215 = arith.extui %ge3A_214 : i1 to i32
    %add3A_216 = arith.addi %add3A_203, %convert_element_type3A_215 : i32
    %mul3A_217 = arith.constant 33554432 : i32
    %mul3A_218 = arith.muli %add3A_216, %mul3A_217 : i32
    %add3A_219 = arith.addi %add3A_176, %mul3A_218 : i32
    %add3A_220 = arith.constant 8388608 : i32
    %add3A_221 = arith.addi %add3A_219, %add3A_220 : i32
    %ge3A_222 = vector.broadcast %add3A_221 : i32 to vector<16x4096xi32>
    %ge3A_223 = arith.cmpi sge, %bitcast_convert_type3A, %ge3A_222 : vector<16x4096xi32>
    %convert_element_type3A_224 = arith.extui %ge3A_223 : vector<16x4096xi1> to vector<16x4096xi32>
    %reduce_sum3A_225 = vector.shape_cast %convert_element_type3A_224 : vector<16x4096xi32> to vector<1x16x4096xi32>
    %reduce_sum3A_226 = arith.constant dense<0> : vector<1xi32>
    %reduce_sum3A_227 = vector.multi_reduction <add>, %reduce_sum3A_225, %reduce_sum3A_226 [1, 2] : vector<1x16x4096xi32> to vector<1xi32>
    %reduce_sum3A_228 = vector.shape_cast %reduce_sum3A_227 : vector<1xi32> to vector<1x1x1xi32>
    %reduce_sum3A_229 = vector.extract %reduce_sum3A_228[0, 0, 0] : i32 from vector<1x1x1xi32>
    %ge3A_230 = arith.cmpi sge, %reduce_sum3A_229, %convert_element_type3A_87 : i32
    %convert_element_type3A_231 = arith.extui %ge3A_230 : i1 to i32
    %add3A_232 = arith.constant 0 : i32
    %add3A_233 = arith.addi %add3A_232, %convert_element_type3A_231 : i32
    %add3A_234 = arith.constant 16777216 : i32
    %add3A_235 = arith.addi %add3A_219, %add3A_234 : i32
    %ge3A_236 = vector.broadcast %add3A_235 : i32 to vector<16x4096xi32>
    %ge3A_237 = arith.cmpi sge, %bitcast_convert_type3A, %ge3A_236 : vector<16x4096xi32>
    %convert_element_type3A_238 = arith.extui %ge3A_237 : vector<16x4096xi1> to vector<16x4096xi32>
    %reduce_sum3A_239 = vector.shape_cast %convert_element_type3A_238 : vector<16x4096xi32> to vector<1x16x4096xi32>
    %reduce_sum3A_240 = arith.constant dense<0> : vector<1xi32>
    %reduce_sum3A_241 = vector.multi_reduction <add>, %reduce_sum3A_239, %reduce_sum3A_240 [1, 2] : vector<1x16x4096xi32> to vector<1xi32>
    %reduce_sum3A_242 = vector.shape_cast %reduce_sum3A_241 : vector<1xi32> to vector<1x1x1xi32>
    %reduce_sum3A_243 = vector.extract %reduce_sum3A_242[0, 0, 0] : i32 from vector<1x1x1xi32>
    %ge3A_244 = arith.cmpi sge, %reduce_sum3A_243, %convert_element_type3A_87 : i32
    %convert_element_type3A_245 = arith.extui %ge3A_244 : i1 to i32
    %add3A_246 = arith.addi %add3A_233, %convert_element_type3A_245 : i32
    %add3A_247 = arith.constant 25165824 : i32
    %add3A_248 = arith.addi %add3A_219, %add3A_247 : i32
    %ge3A_249 = vector.broadcast %add3A_248 : i32 to vector<16x4096xi32>
    %ge3A_250 = arith.cmpi sge, %bitcast_convert_type3A, %ge3A_249 : vector<16x4096xi32>
    %convert_element_type3A_251 = arith.extui %ge3A_250 : vector<16x4096xi1> to vector<16x4096xi32>
    %reduce_sum3A_252 = vector.shape_cast %convert_element_type3A_251 : vector<16x4096xi32> to vector<1x16x4096xi32>
    %reduce_sum3A_253 = arith.constant dense<0> : vector<1xi32>
    %reduce_sum3A_254 = vector.multi_reduction <add>, %reduce_sum3A_252, %reduce_sum3A_253 [1, 2] : vector<1x16x4096xi32> to vector<1xi32>
    %reduce_sum3A_255 = vector.shape_cast %reduce_sum3A_254 : vector<1xi32> to vector<1x1x1xi32>
    %reduce_sum3A_256 = vector.extract %reduce_sum3A_255[0, 0, 0] : i32 from vector<1x1x1xi32>
    %ge3A_257 = arith.cmpi sge, %reduce_sum3A_256, %convert_element_type3A_87 : i32
    %convert_element_type3A_258 = arith.extui %ge3A_257 : i1 to i32
    %add3A_259 = arith.addi %add3A_246, %convert_element_type3A_258 : i32
    %mul3A_260 = arith.constant 8388608 : i32
    %mul3A_261 = arith.muli %add3A_259, %mul3A_260 : i32
    %add3A_262 = arith.addi %add3A_219, %mul3A_261 : i32
    %add3A_263 = arith.constant 2097152 : i32
    %add3A_264 = arith.addi %add3A_262, %add3A_263 : i32
    %ge3A_265 = vector.broadcast %add3A_264 : i32 to vector<16x4096xi32>
    %ge3A_266 = arith.cmpi sge, %bitcast_convert_type3A, %ge3A_265 : vector<16x4096xi32>
    %convert_element_type3A_267 = arith.extui %ge3A_266 : vector<16x4096xi1> to vector<16x4096xi32>
    %reduce_sum3A_268 = vector.shape_cast %convert_element_type3A_267 : vector<16x4096xi32> to vector<1x16x4096xi32>
    %reduce_sum3A_269 = arith.constant dense<0> : vector<1xi32>
    %reduce_sum3A_270 = vector.multi_reduction <add>, %reduce_sum3A_268, %reduce_sum3A_269 [1, 2] : vector<1x16x4096xi32> to vector<1xi32>
    %reduce_sum3A_271 = vector.shape_cast %reduce_sum3A_270 : vector<1xi32> to vector<1x1x1xi32>
    %reduce_sum3A_272 = vector.extract %reduce_sum3A_271[0, 0, 0] : i32 from vector<1x1x1xi32>
    %ge3A_273 = arith.cmpi sge, %reduce_sum3A_272, %convert_element_type3A_87 : i32
    %convert_element_type3A_274 = arith.extui %ge3A_273 : i1 to i32
    %add3A_275 = arith.constant 0 : i32
    %add3A_276 = arith.addi %add3A_275, %convert_element_type3A_274 : i32
    %add3A_277 = arith.constant 4194304 : i32
    %add3A_278 = arith.addi %add3A_262, %add3A_277 : i32
    %ge3A_279 = vector.broadcast %add3A_278 : i32 to vector<16x4096xi32>
    %ge3A_280 = arith.cmpi sge, %bitcast_convert_type3A, %ge3A_279 : vector<16x4096xi32>
    %convert_element_type3A_281 = arith.extui %ge3A_280 : vector<16x4096xi1> to vector<16x4096xi32>
    %reduce_sum3A_282 = vector.shape_cast %convert_element_type3A_281 : vector<16x4096xi32> to vector<1x16x4096xi32>
    %reduce_sum3A_283 = arith.constant dense<0> : vector<1xi32>
    %reduce_sum3A_284 = vector.multi_reduction <add>, %reduce_sum3A_282, %reduce_sum3A_283 [1, 2] : vector<1x16x4096xi32> to vector<1xi32>
    %reduce_sum3A_285 = vector.shape_cast %reduce_sum3A_284 : vector<1xi32> to vector<1x1x1xi32>
    %reduce_sum3A_286 = vector.extract %reduce_sum3A_285[0, 0, 0] : i32 from vector<1x1x1xi32>
    %ge3A_287 = arith.cmpi sge, %reduce_sum3A_286, %convert_element_type3A_87 : i32
    %convert_element_type3A_288 = arith.extui %ge3A_287 : i1 to i32
    %add3A_289 = arith.addi %add3A_276, %convert_element_type3A_288 : i32
    %add3A_290 = arith.constant 6291456 : i32
    %add3A_291 = arith.addi %add3A_262, %add3A_290 : i32
    %ge3A_292 = vector.broadcast %add3A_291 : i32 to vector<16x4096xi32>
    %ge3A_293 = arith.cmpi sge, %bitcast_convert_type3A, %ge3A_292 : vector<16x4096xi32>
    %convert_element_type3A_294 = arith.extui %ge3A_293 : vector<16x4096xi1> to vector<16x4096xi32>
    %reduce_sum3A_295 = vector.shape_cast %convert_element_type3A_294 : vector<16x4096xi32> to vector<1x16x4096xi32>
    %reduce_sum3A_296 = arith.constant dense<0> : vector<1xi32>
    %reduce_sum3A_297 = vector.multi_reduction <add>, %reduce_sum3A_295, %reduce_sum3A_296 [1, 2] : vector<1x16x4096xi32> to vector<1xi32>
    %reduce_sum3A_298 = vector.shape_cast %reduce_sum3A_297 : vector<1xi32> to vector<1x1x1xi32>
    %reduce_sum3A_299 = vector.extract %reduce_sum3A_298[0, 0, 0] : i32 from vector<1x1x1xi32>
    %ge3A_300 = arith.cmpi sge, %reduce_sum3A_299, %convert_element_type3A_87 : i32
    %convert_element_type3A_301 = arith.extui %ge3A_300 : i1 to i32
    %add3A_302 = arith.addi %add3A_289, %convert_element_type3A_301 : i32
    %mul3A_303 = arith.constant 2097152 : i32
    %mul3A_304 = arith.muli %add3A_302, %mul3A_303 : i32
    %add3A_305 = arith.addi %add3A_262, %mul3A_304 : i32
    %add3A_306 = arith.constant 524288 : i32
    %add3A_307 = arith.addi %add3A_305, %add3A_306 : i32
    %ge3A_308 = vector.broadcast %add3A_307 : i32 to vector<16x4096xi32>
    %ge3A_309 = arith.cmpi sge, %bitcast_convert_type3A, %ge3A_308 : vector<16x4096xi32>
    %convert_element_type3A_310 = arith.extui %ge3A_309 : vector<16x4096xi1> to vector<16x4096xi32>
    %reduce_sum3A_311 = vector.shape_cast %convert_element_type3A_310 : vector<16x4096xi32> to vector<1x16x4096xi32>
    %reduce_sum3A_312 = arith.constant dense<0> : vector<1xi32>
    %reduce_sum3A_313 = vector.multi_reduction <add>, %reduce_sum3A_311, %reduce_sum3A_312 [1, 2] : vector<1x16x4096xi32> to vector<1xi32>
    %reduce_sum3A_314 = vector.shape_cast %reduce_sum3A_313 : vector<1xi32> to vector<1x1x1xi32>
    %reduce_sum3A_315 = vector.extract %reduce_sum3A_314[0, 0, 0] : i32 from vector<1x1x1xi32>
    %ge3A_316 = arith.cmpi sge, %reduce_sum3A_315, %convert_element_type3A_87 : i32
    %convert_element_type3A_317 = arith.extui %ge3A_316 : i1 to i32
    %add3A_318 = arith.constant 0 : i32
    %add3A_319 = arith.addi %add3A_318, %convert_element_type3A_317 : i32
    %add3A_320 = arith.constant 1048576 : i32
    %add3A_321 = arith.addi %add3A_305, %add3A_320 : i32
    %ge3A_322 = vector.broadcast %add3A_321 : i32 to vector<16x4096xi32>
    %ge3A_323 = arith.cmpi sge, %bitcast_convert_type3A, %ge3A_322 : vector<16x4096xi32>
    %convert_element_type3A_324 = arith.extui %ge3A_323 : vector<16x4096xi1> to vector<16x4096xi32>
    %reduce_sum3A_325 = vector.shape_cast %convert_element_type3A_324 : vector<16x4096xi32> to vector<1x16x4096xi32>
    %reduce_sum3A_326 = arith.constant dense<0> : vector<1xi32>
    %reduce_sum3A_327 = vector.multi_reduction <add>, %reduce_sum3A_325, %reduce_sum3A_326 [1, 2] : vector<1x16x4096xi32> to vector<1xi32>
    %reduce_sum3A_328 = vector.shape_cast %reduce_sum3A_327 : vector<1xi32> to vector<1x1x1xi32>
    %reduce_sum3A_329 = vector.extract %reduce_sum3A_328[0, 0, 0] : i32 from vector<1x1x1xi32>
    %ge3A_330 = arith.cmpi sge, %reduce_sum3A_329, %convert_element_type3A_87 : i32
    %convert_element_type3A_331 = arith.extui %ge3A_330 : i1 to i32
    %add3A_332 = arith.addi %add3A_319, %convert_element_type3A_331 : i32
    %add3A_333 = arith.constant 1572864 : i32
    %add3A_334 = arith.addi %add3A_305, %add3A_333 : i32
    %ge3A_335 = vector.broadcast %add3A_334 : i32 to vector<16x4096xi32>
    %ge3A_336 = arith.cmpi sge, %bitcast_convert_type3A, %ge3A_335 : vector<16x4096xi32>
    %convert_element_type3A_337 = arith.extui %ge3A_336 : vector<16x4096xi1> to vector<16x4096xi32>
    %reduce_sum3A_338 = vector.shape_cast %convert_element_type3A_337 : vector<16x4096xi32> to vector<1x16x4096xi32>
    %reduce_sum3A_339 = arith.constant dense<0> : vector<1xi32>
    %reduce_sum3A_340 = vector.multi_reduction <add>, %reduce_sum3A_338, %reduce_sum3A_339 [1, 2] : vector<1x16x4096xi32> to vector<1xi32>
    %reduce_sum3A_341 = vector.shape_cast %reduce_sum3A_340 : vector<1xi32> to vector<1x1x1xi32>
    %reduce_sum3A_342 = vector.extract %reduce_sum3A_341[0, 0, 0] : i32 from vector<1x1x1xi32>
    %ge3A_343 = arith.cmpi sge, %reduce_sum3A_342, %convert_element_type3A_87 : i32
    %convert_element_type3A_344 = arith.extui %ge3A_343 : i1 to i32
    %add3A_345 = arith.addi %add3A_332, %convert_element_type3A_344 : i32
    %mul3A_346 = arith.constant 524288 : i32
    %mul3A_347 = arith.muli %add3A_345, %mul3A_346 : i32
    %add3A_348 = arith.addi %add3A_305, %mul3A_347 : i32
    %add3A_349 = arith.constant 131072 : i32
    %add3A_350 = arith.addi %add3A_348, %add3A_349 : i32
    %ge3A_351 = vector.broadcast %add3A_350 : i32 to vector<16x4096xi32>
    %ge3A_352 = arith.cmpi sge, %bitcast_convert_type3A, %ge3A_351 : vector<16x4096xi32>
    %convert_element_type3A_353 = arith.extui %ge3A_352 : vector<16x4096xi1> to vector<16x4096xi32>
    %reduce_sum3A_354 = vector.shape_cast %convert_element_type3A_353 : vector<16x4096xi32> to vector<1x16x4096xi32>
    %reduce_sum3A_355 = arith.constant dense<0> : vector<1xi32>
    %reduce_sum3A_356 = vector.multi_reduction <add>, %reduce_sum3A_354, %reduce_sum3A_355 [1, 2] : vector<1x16x4096xi32> to vector<1xi32>
    %reduce_sum3A_357 = vector.shape_cast %reduce_sum3A_356 : vector<1xi32> to vector<1x1x1xi32>
    %reduce_sum3A_358 = vector.extract %reduce_sum3A_357[0, 0, 0] : i32 from vector<1x1x1xi32>
    %ge3A_359 = arith.cmpi sge, %reduce_sum3A_358, %convert_element_type3A_87 : i32
    %convert_element_type3A_360 = arith.extui %ge3A_359 : i1 to i32
    %add3A_361 = arith.constant 0 : i32
    %add3A_362 = arith.addi %add3A_361, %convert_element_type3A_360 : i32
    %add3A_363 = arith.constant 262144 : i32
    %add3A_364 = arith.addi %add3A_348, %add3A_363 : i32
    %ge3A_365 = vector.broadcast %add3A_364 : i32 to vector<16x4096xi32>
    %ge3A_366 = arith.cmpi sge, %bitcast_convert_type3A, %ge3A_365 : vector<16x4096xi32>
    %convert_element_type3A_367 = arith.extui %ge3A_366 : vector<16x4096xi1> to vector<16x4096xi32>
    %reduce_sum3A_368 = vector.shape_cast %convert_element_type3A_367 : vector<16x4096xi32> to vector<1x16x4096xi32>
    %reduce_sum3A_369 = arith.constant dense<0> : vector<1xi32>
    %reduce_sum3A_370 = vector.multi_reduction <add>, %reduce_sum3A_368, %reduce_sum3A_369 [1, 2] : vector<1x16x4096xi32> to vector<1xi32>
    %reduce_sum3A_371 = vector.shape_cast %reduce_sum3A_370 : vector<1xi32> to vector<1x1x1xi32>
    %reduce_sum3A_372 = vector.extract %reduce_sum3A_371[0, 0, 0] : i32 from vector<1x1x1xi32>
    %ge3A_373 = arith.cmpi sge, %reduce_sum3A_372, %convert_element_type3A_87 : i32
    %convert_element_type3A_374 = arith.extui %ge3A_373 : i1 to i32
    %add3A_375 = arith.addi %add3A_362, %convert_element_type3A_374 : i32
    %add3A_376 = arith.constant 393216 : i32
    %add3A_377 = arith.addi %add3A_348, %add3A_376 : i32
    %ge3A_378 = vector.broadcast %add3A_377 : i32 to vector<16x4096xi32>
    %ge3A_379 = arith.cmpi sge, %bitcast_convert_type3A, %ge3A_378 : vector<16x4096xi32>
    %convert_element_type3A_380 = arith.extui %ge3A_379 : vector<16x4096xi1> to vector<16x4096xi32>
    %reduce_sum3A_381 = vector.shape_cast %convert_element_type3A_380 : vector<16x4096xi32> to vector<1x16x4096xi32>
    %reduce_sum3A_382 = arith.constant dense<0> : vector<1xi32>
    %reduce_sum3A_383 = vector.multi_reduction <add>, %reduce_sum3A_381, %reduce_sum3A_382 [1, 2] : vector<1x16x4096xi32> to vector<1xi32>
    %reduce_sum3A_384 = vector.shape_cast %reduce_sum3A_383 : vector<1xi32> to vector<1x1x1xi32>
    %reduce_sum3A_385 = vector.extract %reduce_sum3A_384[0, 0, 0] : i32 from vector<1x1x1xi32>
    %ge3A_386 = arith.cmpi sge, %reduce_sum3A_385, %convert_element_type3A_87 : i32
    %convert_element_type3A_387 = arith.extui %ge3A_386 : i1 to i32
    %add3A_388 = arith.addi %add3A_375, %convert_element_type3A_387 : i32
    %mul3A_389 = arith.constant 131072 : i32
    %mul3A_390 = arith.muli %add3A_388, %mul3A_389 : i32
    %add3A_391 = arith.addi %add3A_348, %mul3A_390 : i32
    %add3A_392 = arith.constant 32768 : i32
    %add3A_393 = arith.addi %add3A_391, %add3A_392 : i32
    %ge3A_394 = vector.broadcast %add3A_393 : i32 to vector<16x4096xi32>
    %ge3A_395 = arith.cmpi sge, %bitcast_convert_type3A, %ge3A_394 : vector<16x4096xi32>
    %convert_element_type3A_396 = arith.extui %ge3A_395 : vector<16x4096xi1> to vector<16x4096xi32>
    %reduce_sum3A_397 = vector.shape_cast %convert_element_type3A_396 : vector<16x4096xi32> to vector<1x16x4096xi32>
    %reduce_sum3A_398 = arith.constant dense<0> : vector<1xi32>
    %reduce_sum3A_399 = vector.multi_reduction <add>, %reduce_sum3A_397, %reduce_sum3A_398 [1, 2] : vector<1x16x4096xi32> to vector<1xi32>
    %reduce_sum3A_400 = vector.shape_cast %reduce_sum3A_399 : vector<1xi32> to vector<1x1x1xi32>
    %reduce_sum3A_401 = vector.extract %reduce_sum3A_400[0, 0, 0] : i32 from vector<1x1x1xi32>
    %ge3A_402 = arith.cmpi sge, %reduce_sum3A_401, %convert_element_type3A_87 : i32
    %convert_element_type3A_403 = arith.extui %ge3A_402 : i1 to i32
    %add3A_404 = arith.constant 0 : i32
    %add3A_405 = arith.addi %add3A_404, %convert_element_type3A_403 : i32
    %add3A_406 = arith.constant 65536 : i32
    %add3A_407 = arith.addi %add3A_391, %add3A_406 : i32
    %ge3A_408 = vector.broadcast %add3A_407 : i32 to vector<16x4096xi32>
    %ge3A_409 = arith.cmpi sge, %bitcast_convert_type3A, %ge3A_408 : vector<16x4096xi32>
    %convert_element_type3A_410 = arith.extui %ge3A_409 : vector<16x4096xi1> to vector<16x4096xi32>
    %reduce_sum3A_411 = vector.shape_cast %convert_element_type3A_410 : vector<16x4096xi32> to vector<1x16x4096xi32>
    %reduce_sum3A_412 = arith.constant dense<0> : vector<1xi32>
    %reduce_sum3A_413 = vector.multi_reduction <add>, %reduce_sum3A_411, %reduce_sum3A_412 [1, 2] : vector<1x16x4096xi32> to vector<1xi32>
    %reduce_sum3A_414 = vector.shape_cast %reduce_sum3A_413 : vector<1xi32> to vector<1x1x1xi32>
    %reduce_sum3A_415 = vector.extract %reduce_sum3A_414[0, 0, 0] : i32 from vector<1x1x1xi32>
    %ge3A_416 = arith.cmpi sge, %reduce_sum3A_415, %convert_element_type3A_87 : i32
    %convert_element_type3A_417 = arith.extui %ge3A_416 : i1 to i32
    %add3A_418 = arith.addi %add3A_405, %convert_element_type3A_417 : i32
    %add3A_419 = arith.constant 98304 : i32
    %add3A_420 = arith.addi %add3A_391, %add3A_419 : i32
    %ge3A_421 = vector.broadcast %add3A_420 : i32 to vector<16x4096xi32>
    %ge3A_422 = arith.cmpi sge, %bitcast_convert_type3A, %ge3A_421 : vector<16x4096xi32>
    %convert_element_type3A_423 = arith.extui %ge3A_422 : vector<16x4096xi1> to vector<16x4096xi32>
    %reduce_sum3A_424 = vector.shape_cast %convert_element_type3A_423 : vector<16x4096xi32> to vector<1x16x4096xi32>
    %reduce_sum3A_425 = arith.constant dense<0> : vector<1xi32>
    %reduce_sum3A_426 = vector.multi_reduction <add>, %reduce_sum3A_424, %reduce_sum3A_425 [1, 2] : vector<1x16x4096xi32> to vector<1xi32>
    %reduce_sum3A_427 = vector.shape_cast %reduce_sum3A_426 : vector<1xi32> to vector<1x1x1xi32>
    %reduce_sum3A_428 = vector.extract %reduce_sum3A_427[0, 0, 0] : i32 from vector<1x1x1xi32>
    %ge3A_429 = arith.cmpi sge, %reduce_sum3A_428, %convert_element_type3A_87 : i32
    %convert_element_type3A_430 = arith.extui %ge3A_429 : i1 to i32
    %add3A_431 = arith.addi %add3A_418, %convert_element_type3A_430 : i32
    %mul3A_432 = arith.constant 32768 : i32
    %mul3A_433 = arith.muli %add3A_431, %mul3A_432 : i32
    %add3A_434 = arith.addi %add3A_391, %mul3A_433 : i32
    %add3A_435 = arith.constant 8192 : i32
    %add3A_436 = arith.addi %add3A_434, %add3A_435 : i32
    %ge3A_437 = vector.broadcast %add3A_436 : i32 to vector<16x4096xi32>
    %ge3A_438 = arith.cmpi sge, %bitcast_convert_type3A, %ge3A_437 : vector<16x4096xi32>
    %convert_element_type3A_439 = arith.extui %ge3A_438 : vector<16x4096xi1> to vector<16x4096xi32>
    %reduce_sum3A_440 = vector.shape_cast %convert_element_type3A_439 : vector<16x4096xi32> to vector<1x16x4096xi32>
    %reduce_sum3A_441 = arith.constant dense<0> : vector<1xi32>
    %reduce_sum3A_442 = vector.multi_reduction <add>, %reduce_sum3A_440, %reduce_sum3A_441 [1, 2] : vector<1x16x4096xi32> to vector<1xi32>
    %reduce_sum3A_443 = vector.shape_cast %reduce_sum3A_442 : vector<1xi32> to vector<1x1x1xi32>
    %reduce_sum3A_444 = vector.extract %reduce_sum3A_443[0, 0, 0] : i32 from vector<1x1x1xi32>
    %ge3A_445 = arith.cmpi sge, %reduce_sum3A_444, %convert_element_type3A_87 : i32
    %convert_element_type3A_446 = arith.extui %ge3A_445 : i1 to i32
    %add3A_447 = arith.constant 0 : i32
    %add3A_448 = arith.addi %add3A_447, %convert_element_type3A_446 : i32
    %add3A_449 = arith.constant 16384 : i32
    %add3A_450 = arith.addi %add3A_434, %add3A_449 : i32
    %ge3A_451 = vector.broadcast %add3A_450 : i32 to vector<16x4096xi32>
    %ge3A_452 = arith.cmpi sge, %bitcast_convert_type3A, %ge3A_451 : vector<16x4096xi32>
    %convert_element_type3A_453 = arith.extui %ge3A_452 : vector<16x4096xi1> to vector<16x4096xi32>
    %reduce_sum3A_454 = vector.shape_cast %convert_element_type3A_453 : vector<16x4096xi32> to vector<1x16x4096xi32>
    %reduce_sum3A_455 = arith.constant dense<0> : vector<1xi32>
    %reduce_sum3A_456 = vector.multi_reduction <add>, %reduce_sum3A_454, %reduce_sum3A_455 [1, 2] : vector<1x16x4096xi32> to vector<1xi32>
    %reduce_sum3A_457 = vector.shape_cast %reduce_sum3A_456 : vector<1xi32> to vector<1x1x1xi32>
    %reduce_sum3A_458 = vector.extract %reduce_sum3A_457[0, 0, 0] : i32 from vector<1x1x1xi32>
    %ge3A_459 = arith.cmpi sge, %reduce_sum3A_458, %convert_element_type3A_87 : i32
    %convert_element_type3A_460 = arith.extui %ge3A_459 : i1 to i32
    %add3A_461 = arith.addi %add3A_448, %convert_element_type3A_460 : i32
    %add3A_462 = arith.constant 24576 : i32
    %add3A_463 = arith.addi %add3A_434, %add3A_462 : i32
    %ge3A_464 = vector.broadcast %add3A_463 : i32 to vector<16x4096xi32>
    %ge3A_465 = arith.cmpi sge, %bitcast_convert_type3A, %ge3A_464 : vector<16x4096xi32>
    %convert_element_type3A_466 = arith.extui %ge3A_465 : vector<16x4096xi1> to vector<16x4096xi32>
    %reduce_sum3A_467 = vector.shape_cast %convert_element_type3A_466 : vector<16x4096xi32> to vector<1x16x4096xi32>
    %reduce_sum3A_468 = arith.constant dense<0> : vector<1xi32>
    %reduce_sum3A_469 = vector.multi_reduction <add>, %reduce_sum3A_467, %reduce_sum3A_468 [1, 2] : vector<1x16x4096xi32> to vector<1xi32>
    %reduce_sum3A_470 = vector.shape_cast %reduce_sum3A_469 : vector<1xi32> to vector<1x1x1xi32>
    %reduce_sum3A_471 = vector.extract %reduce_sum3A_470[0, 0, 0] : i32 from vector<1x1x1xi32>
    %ge3A_472 = arith.cmpi sge, %reduce_sum3A_471, %convert_element_type3A_87 : i32
    %convert_element_type3A_473 = arith.extui %ge3A_472 : i1 to i32
    %add3A_474 = arith.addi %add3A_461, %convert_element_type3A_473 : i32
    %mul3A_475 = arith.constant 8192 : i32
    %mul3A_476 = arith.muli %add3A_474, %mul3A_475 : i32
    %add3A_477 = arith.addi %add3A_434, %mul3A_476 : i32
    %add3A_478 = arith.constant 2048 : i32
    %add3A_479 = arith.addi %add3A_477, %add3A_478 : i32
    %ge3A_480 = vector.broadcast %add3A_479 : i32 to vector<16x4096xi32>
    %ge3A_481 = arith.cmpi sge, %bitcast_convert_type3A, %ge3A_480 : vector<16x4096xi32>
    %convert_element_type3A_482 = arith.extui %ge3A_481 : vector<16x4096xi1> to vector<16x4096xi32>
    %reduce_sum3A_483 = vector.shape_cast %convert_element_type3A_482 : vector<16x4096xi32> to vector<1x16x4096xi32>
    %reduce_sum3A_484 = arith.constant dense<0> : vector<1xi32>
    %reduce_sum3A_485 = vector.multi_reduction <add>, %reduce_sum3A_483, %reduce_sum3A_484 [1, 2] : vector<1x16x4096xi32> to vector<1xi32>
    %reduce_sum3A_486 = vector.shape_cast %reduce_sum3A_485 : vector<1xi32> to vector<1x1x1xi32>
    %reduce_sum3A_487 = vector.extract %reduce_sum3A_486[0, 0, 0] : i32 from vector<1x1x1xi32>
    %ge3A_488 = arith.cmpi sge, %reduce_sum3A_487, %convert_element_type3A_87 : i32
    %convert_element_type3A_489 = arith.extui %ge3A_488 : i1 to i32
    %add3A_490 = arith.constant 0 : i32
    %add3A_491 = arith.addi %add3A_490, %convert_element_type3A_489 : i32
    %add3A_492 = arith.constant 4096 : i32
    %add3A_493 = arith.addi %add3A_477, %add3A_492 : i32
    %ge3A_494 = vector.broadcast %add3A_493 : i32 to vector<16x4096xi32>
    %ge3A_495 = arith.cmpi sge, %bitcast_convert_type3A, %ge3A_494 : vector<16x4096xi32>
    %convert_element_type3A_496 = arith.extui %ge3A_495 : vector<16x4096xi1> to vector<16x4096xi32>
    %reduce_sum3A_497 = vector.shape_cast %convert_element_type3A_496 : vector<16x4096xi32> to vector<1x16x4096xi32>
    %reduce_sum3A_498 = arith.constant dense<0> : vector<1xi32>
    %reduce_sum3A_499 = vector.multi_reduction <add>, %reduce_sum3A_497, %reduce_sum3A_498 [1, 2] : vector<1x16x4096xi32> to vector<1xi32>
    %reduce_sum3A_500 = vector.shape_cast %reduce_sum3A_499 : vector<1xi32> to vector<1x1x1xi32>
    %reduce_sum3A_501 = vector.extract %reduce_sum3A_500[0, 0, 0] : i32 from vector<1x1x1xi32>
    %ge3A_502 = arith.cmpi sge, %reduce_sum3A_501, %convert_element_type3A_87 : i32
    %convert_element_type3A_503 = arith.extui %ge3A_502 : i1 to i32
    %add3A_504 = arith.addi %add3A_491, %convert_element_type3A_503 : i32
    %add3A_505 = arith.constant 6144 : i32
    %add3A_506 = arith.addi %add3A_477, %add3A_505 : i32
    %ge3A_507 = vector.broadcast %add3A_506 : i32 to vector<16x4096xi32>
    %ge3A_508 = arith.cmpi sge, %bitcast_convert_type3A, %ge3A_507 : vector<16x4096xi32>
    %convert_element_type3A_509 = arith.extui %ge3A_508 : vector<16x4096xi1> to vector<16x4096xi32>
    %reduce_sum3A_510 = vector.shape_cast %convert_element_type3A_509 : vector<16x4096xi32> to vector<1x16x4096xi32>
    %reduce_sum3A_511 = arith.constant dense<0> : vector<1xi32>
    %reduce_sum3A_512 = vector.multi_reduction <add>, %reduce_sum3A_510, %reduce_sum3A_511 [1, 2] : vector<1x16x4096xi32> to vector<1xi32>
    %reduce_sum3A_513 = vector.shape_cast %reduce_sum3A_512 : vector<1xi32> to vector<1x1x1xi32>
    %reduce_sum3A_514 = vector.extract %reduce_sum3A_513[0, 0, 0] : i32 from vector<1x1x1xi32>
    %ge3A_515 = arith.cmpi sge, %reduce_sum3A_514, %convert_element_type3A_87 : i32
    %convert_element_type3A_516 = arith.extui %ge3A_515 : i1 to i32
    %add3A_517 = arith.addi %add3A_504, %convert_element_type3A_516 : i32
    %mul3A_518 = arith.constant 2048 : i32
    %mul3A_519 = arith.muli %add3A_517, %mul3A_518 : i32
    %add3A_520 = arith.addi %add3A_477, %mul3A_519 : i32
    %add3A_521 = arith.constant 512 : i32
    %add3A_522 = arith.addi %add3A_520, %add3A_521 : i32
    %ge3A_523 = vector.broadcast %add3A_522 : i32 to vector<16x4096xi32>
    %ge3A_524 = arith.cmpi sge, %bitcast_convert_type3A, %ge3A_523 : vector<16x4096xi32>
    %convert_element_type3A_525 = arith.extui %ge3A_524 : vector<16x4096xi1> to vector<16x4096xi32>
    %reduce_sum3A_526 = vector.shape_cast %convert_element_type3A_525 : vector<16x4096xi32> to vector<1x16x4096xi32>
    %reduce_sum3A_527 = arith.constant dense<0> : vector<1xi32>
    %reduce_sum3A_528 = vector.multi_reduction <add>, %reduce_sum3A_526, %reduce_sum3A_527 [1, 2] : vector<1x16x4096xi32> to vector<1xi32>
    %reduce_sum3A_529 = vector.shape_cast %reduce_sum3A_528 : vector<1xi32> to vector<1x1x1xi32>
    %reduce_sum3A_530 = vector.extract %reduce_sum3A_529[0, 0, 0] : i32 from vector<1x1x1xi32>
    %ge3A_531 = arith.cmpi sge, %reduce_sum3A_530, %convert_element_type3A_87 : i32
    %convert_element_type3A_532 = arith.extui %ge3A_531 : i1 to i32
    %add3A_533 = arith.constant 0 : i32
    %add3A_534 = arith.addi %add3A_533, %convert_element_type3A_532 : i32
    %add3A_535 = arith.constant 1024 : i32
    %add3A_536 = arith.addi %add3A_520, %add3A_535 : i32
    %ge3A_537 = vector.broadcast %add3A_536 : i32 to vector<16x4096xi32>
    %ge3A_538 = arith.cmpi sge, %bitcast_convert_type3A, %ge3A_537 : vector<16x4096xi32>
    %convert_element_type3A_539 = arith.extui %ge3A_538 : vector<16x4096xi1> to vector<16x4096xi32>
    %reduce_sum3A_540 = vector.shape_cast %convert_element_type3A_539 : vector<16x4096xi32> to vector<1x16x4096xi32>
    %reduce_sum3A_541 = arith.constant dense<0> : vector<1xi32>
    %reduce_sum3A_542 = vector.multi_reduction <add>, %reduce_sum3A_540, %reduce_sum3A_541 [1, 2] : vector<1x16x4096xi32> to vector<1xi32>
    %reduce_sum3A_543 = vector.shape_cast %reduce_sum3A_542 : vector<1xi32> to vector<1x1x1xi32>
    %reduce_sum3A_544 = vector.extract %reduce_sum3A_543[0, 0, 0] : i32 from vector<1x1x1xi32>
    %ge3A_545 = arith.cmpi sge, %reduce_sum3A_544, %convert_element_type3A_87 : i32
    %convert_element_type3A_546 = arith.extui %ge3A_545 : i1 to i32
    %add3A_547 = arith.addi %add3A_534, %convert_element_type3A_546 : i32
    %add3A_548 = arith.constant 1536 : i32
    %add3A_549 = arith.addi %add3A_520, %add3A_548 : i32
    %ge3A_550 = vector.broadcast %add3A_549 : i32 to vector<16x4096xi32>
    %ge3A_551 = arith.cmpi sge, %bitcast_convert_type3A, %ge3A_550 : vector<16x4096xi32>
    %convert_element_type3A_552 = arith.extui %ge3A_551 : vector<16x4096xi1> to vector<16x4096xi32>
    %reduce_sum3A_553 = vector.shape_cast %convert_element_type3A_552 : vector<16x4096xi32> to vector<1x16x4096xi32>
    %reduce_sum3A_554 = arith.constant dense<0> : vector<1xi32>
    %reduce_sum3A_555 = vector.multi_reduction <add>, %reduce_sum3A_553, %reduce_sum3A_554 [1, 2] : vector<1x16x4096xi32> to vector<1xi32>
    %reduce_sum3A_556 = vector.shape_cast %reduce_sum3A_555 : vector<1xi32> to vector<1x1x1xi32>
    %reduce_sum3A_557 = vector.extract %reduce_sum3A_556[0, 0, 0] : i32 from vector<1x1x1xi32>
    %ge3A_558 = arith.cmpi sge, %reduce_sum3A_557, %convert_element_type3A_87 : i32
    %convert_element_type3A_559 = arith.extui %ge3A_558 : i1 to i32
    %add3A_560 = arith.addi %add3A_547, %convert_element_type3A_559 : i32
    %mul3A_561 = arith.constant 512 : i32
    %mul3A_562 = arith.muli %add3A_560, %mul3A_561 : i32
    %add3A_563 = arith.addi %add3A_520, %mul3A_562 : i32
    %add3A_564 = arith.constant 128 : i32
    %add3A_565 = arith.addi %add3A_563, %add3A_564 : i32
    %ge3A_566 = vector.broadcast %add3A_565 : i32 to vector<16x4096xi32>
    %ge3A_567 = arith.cmpi sge, %bitcast_convert_type3A, %ge3A_566 : vector<16x4096xi32>
    %convert_element_type3A_568 = arith.extui %ge3A_567 : vector<16x4096xi1> to vector<16x4096xi32>
    %reduce_sum3A_569 = vector.shape_cast %convert_element_type3A_568 : vector<16x4096xi32> to vector<1x16x4096xi32>
    %reduce_sum3A_570 = arith.constant dense<0> : vector<1xi32>
    %reduce_sum3A_571 = vector.multi_reduction <add>, %reduce_sum3A_569, %reduce_sum3A_570 [1, 2] : vector<1x16x4096xi32> to vector<1xi32>
    %reduce_sum3A_572 = vector.shape_cast %reduce_sum3A_571 : vector<1xi32> to vector<1x1x1xi32>
    %reduce_sum3A_573 = vector.extract %reduce_sum3A_572[0, 0, 0] : i32 from vector<1x1x1xi32>
    %ge3A_574 = arith.cmpi sge, %reduce_sum3A_573, %convert_element_type3A_87 : i32
    %convert_element_type3A_575 = arith.extui %ge3A_574 : i1 to i32
    %add3A_576 = arith.constant 0 : i32
    %add3A_577 = arith.addi %add3A_576, %convert_element_type3A_575 : i32
    %add3A_578 = arith.constant 256 : i32
    %add3A_579 = arith.addi %add3A_563, %add3A_578 : i32
    %ge3A_580 = vector.broadcast %add3A_579 : i32 to vector<16x4096xi32>
    %ge3A_581 = arith.cmpi sge, %bitcast_convert_type3A, %ge3A_580 : vector<16x4096xi32>
    %convert_element_type3A_582 = arith.extui %ge3A_581 : vector<16x4096xi1> to vector<16x4096xi32>
    %reduce_sum3A_583 = vector.shape_cast %convert_element_type3A_582 : vector<16x4096xi32> to vector<1x16x4096xi32>
    %reduce_sum3A_584 = arith.constant dense<0> : vector<1xi32>
    %reduce_sum3A_585 = vector.multi_reduction <add>, %reduce_sum3A_583, %reduce_sum3A_584 [1, 2] : vector<1x16x4096xi32> to vector<1xi32>
    %reduce_sum3A_586 = vector.shape_cast %reduce_sum3A_585 : vector<1xi32> to vector<1x1x1xi32>
    %reduce_sum3A_587 = vector.extract %reduce_sum3A_586[0, 0, 0] : i32 from vector<1x1x1xi32>
    %ge3A_588 = arith.cmpi sge, %reduce_sum3A_587, %convert_element_type3A_87 : i32
    %convert_element_type3A_589 = arith.extui %ge3A_588 : i1 to i32
    %add3A_590 = arith.addi %add3A_577, %convert_element_type3A_589 : i32
    %add3A_591 = arith.constant 384 : i32
    %add3A_592 = arith.addi %add3A_563, %add3A_591 : i32
    %ge3A_593 = vector.broadcast %add3A_592 : i32 to vector<16x4096xi32>
    %ge3A_594 = arith.cmpi sge, %bitcast_convert_type3A, %ge3A_593 : vector<16x4096xi32>
    %convert_element_type3A_595 = arith.extui %ge3A_594 : vector<16x4096xi1> to vector<16x4096xi32>
    %reduce_sum3A_596 = vector.shape_cast %convert_element_type3A_595 : vector<16x4096xi32> to vector<1x16x4096xi32>
    %reduce_sum3A_597 = arith.constant dense<0> : vector<1xi32>
    %reduce_sum3A_598 = vector.multi_reduction <add>, %reduce_sum3A_596, %reduce_sum3A_597 [1, 2] : vector<1x16x4096xi32> to vector<1xi32>
    %reduce_sum3A_599 = vector.shape_cast %reduce_sum3A_598 : vector<1xi32> to vector<1x1x1xi32>
    %reduce_sum3A_600 = vector.extract %reduce_sum3A_599[0, 0, 0] : i32 from vector<1x1x1xi32>
    %ge3A_601 = arith.cmpi sge, %reduce_sum3A_600, %convert_element_type3A_87 : i32
    %convert_element_type3A_602 = arith.extui %ge3A_601 : i1 to i32
    %add3A_603 = arith.addi %add3A_590, %convert_element_type3A_602 : i32
    %mul3A_604 = arith.constant 128 : i32
    %mul3A_605 = arith.muli %add3A_603, %mul3A_604 : i32
    %add3A_606 = arith.addi %add3A_563, %mul3A_605 : i32
    %add3A_607 = arith.constant 32 : i32
    %add3A_608 = arith.addi %add3A_606, %add3A_607 : i32
    %ge3A_609 = vector.broadcast %add3A_608 : i32 to vector<16x4096xi32>
    %ge3A_610 = arith.cmpi sge, %bitcast_convert_type3A, %ge3A_609 : vector<16x4096xi32>
    %convert_element_type3A_611 = arith.extui %ge3A_610 : vector<16x4096xi1> to vector<16x4096xi32>
    %reduce_sum3A_612 = vector.shape_cast %convert_element_type3A_611 : vector<16x4096xi32> to vector<1x16x4096xi32>
    %reduce_sum3A_613 = arith.constant dense<0> : vector<1xi32>
    %reduce_sum3A_614 = vector.multi_reduction <add>, %reduce_sum3A_612, %reduce_sum3A_613 [1, 2] : vector<1x16x4096xi32> to vector<1xi32>
    %reduce_sum3A_615 = vector.shape_cast %reduce_sum3A_614 : vector<1xi32> to vector<1x1x1xi32>
    %reduce_sum3A_616 = vector.extract %reduce_sum3A_615[0, 0, 0] : i32 from vector<1x1x1xi32>
    %ge3A_617 = arith.cmpi sge, %reduce_sum3A_616, %convert_element_type3A_87 : i32
    %convert_element_type3A_618 = arith.extui %ge3A_617 : i1 to i32
    %add3A_619 = arith.constant 0 : i32
    %add3A_620 = arith.addi %add3A_619, %convert_element_type3A_618 : i32
    %add3A_621 = arith.constant 64 : i32
    %add3A_622 = arith.addi %add3A_606, %add3A_621 : i32
    %ge3A_623 = vector.broadcast %add3A_622 : i32 to vector<16x4096xi32>
    %ge3A_624 = arith.cmpi sge, %bitcast_convert_type3A, %ge3A_623 : vector<16x4096xi32>
    %convert_element_type3A_625 = arith.extui %ge3A_624 : vector<16x4096xi1> to vector<16x4096xi32>
    %reduce_sum3A_626 = vector.shape_cast %convert_element_type3A_625 : vector<16x4096xi32> to vector<1x16x4096xi32>
    %reduce_sum3A_627 = arith.constant dense<0> : vector<1xi32>
    %reduce_sum3A_628 = vector.multi_reduction <add>, %reduce_sum3A_626, %reduce_sum3A_627 [1, 2] : vector<1x16x4096xi32> to vector<1xi32>
    %reduce_sum3A_629 = vector.shape_cast %reduce_sum3A_628 : vector<1xi32> to vector<1x1x1xi32>
    %reduce_sum3A_630 = vector.extract %reduce_sum3A_629[0, 0, 0] : i32 from vector<1x1x1xi32>
    %ge3A_631 = arith.cmpi sge, %reduce_sum3A_630, %convert_element_type3A_87 : i32
    %convert_element_type3A_632 = arith.extui %ge3A_631 : i1 to i32
    %add3A_633 = arith.addi %add3A_620, %convert_element_type3A_632 : i32
    %add3A_634 = arith.constant 96 : i32
    %add3A_635 = arith.addi %add3A_606, %add3A_634 : i32
    %ge3A_636 = vector.broadcast %add3A_635 : i32 to vector<16x4096xi32>
    %ge3A_637 = arith.cmpi sge, %bitcast_convert_type3A, %ge3A_636 : vector<16x4096xi32>
    %convert_element_type3A_638 = arith.extui %ge3A_637 : vector<16x4096xi1> to vector<16x4096xi32>
    %reduce_sum3A_639 = vector.shape_cast %convert_element_type3A_638 : vector<16x4096xi32> to vector<1x16x4096xi32>
    %reduce_sum3A_640 = arith.constant dense<0> : vector<1xi32>
    %reduce_sum3A_641 = vector.multi_reduction <add>, %reduce_sum3A_639, %reduce_sum3A_640 [1, 2] : vector<1x16x4096xi32> to vector<1xi32>
    %reduce_sum3A_642 = vector.shape_cast %reduce_sum3A_641 : vector<1xi32> to vector<1x1x1xi32>
    %reduce_sum3A_643 = vector.extract %reduce_sum3A_642[0, 0, 0] : i32 from vector<1x1x1xi32>
    %ge3A_644 = arith.cmpi sge, %reduce_sum3A_643, %convert_element_type3A_87 : i32
    %convert_element_type3A_645 = arith.extui %ge3A_644 : i1 to i32
    %add3A_646 = arith.addi %add3A_633, %convert_element_type3A_645 : i32
    %mul3A_647 = arith.constant 32 : i32
    %mul3A_648 = arith.muli %add3A_646, %mul3A_647 : i32
    %add3A_649 = arith.addi %add3A_606, %mul3A_648 : i32
    %add3A_650 = arith.constant 8 : i32
    %add3A_651 = arith.addi %add3A_649, %add3A_650 : i32
    %ge3A_652 = vector.broadcast %add3A_651 : i32 to vector<16x4096xi32>
    %ge3A_653 = arith.cmpi sge, %bitcast_convert_type3A, %ge3A_652 : vector<16x4096xi32>
    %convert_element_type3A_654 = arith.extui %ge3A_653 : vector<16x4096xi1> to vector<16x4096xi32>
    %reduce_sum3A_655 = vector.shape_cast %convert_element_type3A_654 : vector<16x4096xi32> to vector<1x16x4096xi32>
    %reduce_sum3A_656 = arith.constant dense<0> : vector<1xi32>
    %reduce_sum3A_657 = vector.multi_reduction <add>, %reduce_sum3A_655, %reduce_sum3A_656 [1, 2] : vector<1x16x4096xi32> to vector<1xi32>
    %reduce_sum3A_658 = vector.shape_cast %reduce_sum3A_657 : vector<1xi32> to vector<1x1x1xi32>
    %reduce_sum3A_659 = vector.extract %reduce_sum3A_658[0, 0, 0] : i32 from vector<1x1x1xi32>
    %ge3A_660 = arith.cmpi sge, %reduce_sum3A_659, %convert_element_type3A_87 : i32
    %convert_element_type3A_661 = arith.extui %ge3A_660 : i1 to i32
    %add3A_662 = arith.constant 0 : i32
    %add3A_663 = arith.addi %add3A_662, %convert_element_type3A_661 : i32
    %add3A_664 = arith.constant 16 : i32
    %add3A_665 = arith.addi %add3A_649, %add3A_664 : i32
    %ge3A_666 = vector.broadcast %add3A_665 : i32 to vector<16x4096xi32>
    %ge3A_667 = arith.cmpi sge, %bitcast_convert_type3A, %ge3A_666 : vector<16x4096xi32>
    %convert_element_type3A_668 = arith.extui %ge3A_667 : vector<16x4096xi1> to vector<16x4096xi32>
    %reduce_sum3A_669 = vector.shape_cast %convert_element_type3A_668 : vector<16x4096xi32> to vector<1x16x4096xi32>
    %reduce_sum3A_670 = arith.constant dense<0> : vector<1xi32>
    %reduce_sum3A_671 = vector.multi_reduction <add>, %reduce_sum3A_669, %reduce_sum3A_670 [1, 2] : vector<1x16x4096xi32> to vector<1xi32>
    %reduce_sum3A_672 = vector.shape_cast %reduce_sum3A_671 : vector<1xi32> to vector<1x1x1xi32>
    %reduce_sum3A_673 = vector.extract %reduce_sum3A_672[0, 0, 0] : i32 from vector<1x1x1xi32>
    %ge3A_674 = arith.cmpi sge, %reduce_sum3A_673, %convert_element_type3A_87 : i32
    %convert_element_type3A_675 = arith.extui %ge3A_674 : i1 to i32
    %add3A_676 = arith.addi %add3A_663, %convert_element_type3A_675 : i32
    %add3A_677 = arith.constant 24 : i32
    %add3A_678 = arith.addi %add3A_649, %add3A_677 : i32
    %ge3A_679 = vector.broadcast %add3A_678 : i32 to vector<16x4096xi32>
    %ge3A_680 = arith.cmpi sge, %bitcast_convert_type3A, %ge3A_679 : vector<16x4096xi32>
    %convert_element_type3A_681 = arith.extui %ge3A_680 : vector<16x4096xi1> to vector<16x4096xi32>
    %reduce_sum3A_682 = vector.shape_cast %convert_element_type3A_681 : vector<16x4096xi32> to vector<1x16x4096xi32>
    %reduce_sum3A_683 = arith.constant dense<0> : vector<1xi32>
    %reduce_sum3A_684 = vector.multi_reduction <add>, %reduce_sum3A_682, %reduce_sum3A_683 [1, 2] : vector<1x16x4096xi32> to vector<1xi32>
    %reduce_sum3A_685 = vector.shape_cast %reduce_sum3A_684 : vector<1xi32> to vector<1x1x1xi32>
    %reduce_sum3A_686 = vector.extract %reduce_sum3A_685[0, 0, 0] : i32 from vector<1x1x1xi32>
    %ge3A_687 = arith.cmpi sge, %reduce_sum3A_686, %convert_element_type3A_87 : i32
    %convert_element_type3A_688 = arith.extui %ge3A_687 : i1 to i32
    %add3A_689 = arith.addi %add3A_676, %convert_element_type3A_688 : i32
    %mul3A_690 = arith.constant 8 : i32
    %mul3A_691 = arith.muli %add3A_689, %mul3A_690 : i32
    %add3A_692 = arith.addi %add3A_649, %mul3A_691 : i32
    %add3A_693 = arith.constant 2 : i32
    %add3A_694 = arith.addi %add3A_692, %add3A_693 : i32
    %ge3A_695 = vector.broadcast %add3A_694 : i32 to vector<16x4096xi32>
    %ge3A_696 = arith.cmpi sge, %bitcast_convert_type3A, %ge3A_695 : vector<16x4096xi32>
    %convert_element_type3A_697 = arith.extui %ge3A_696 : vector<16x4096xi1> to vector<16x4096xi32>
    %reduce_sum3A_698 = vector.shape_cast %convert_element_type3A_697 : vector<16x4096xi32> to vector<1x16x4096xi32>
    %reduce_sum3A_699 = arith.constant dense<0> : vector<1xi32>
    %reduce_sum3A_700 = vector.multi_reduction <add>, %reduce_sum3A_698, %reduce_sum3A_699 [1, 2] : vector<1x16x4096xi32> to vector<1xi32>
    %reduce_sum3A_701 = vector.shape_cast %reduce_sum3A_700 : vector<1xi32> to vector<1x1x1xi32>
    %reduce_sum3A_702 = vector.extract %reduce_sum3A_701[0, 0, 0] : i32 from vector<1x1x1xi32>
    %ge3A_703 = arith.cmpi sge, %reduce_sum3A_702, %convert_element_type3A_87 : i32
    %convert_element_type3A_704 = arith.extui %ge3A_703 : i1 to i32
    %add3A_705 = arith.constant 0 : i32
    %add3A_706 = arith.addi %add3A_705, %convert_element_type3A_704 : i32
    %add3A_707 = arith.constant 4 : i32
    %add3A_708 = arith.addi %add3A_692, %add3A_707 : i32
    %ge3A_709 = vector.broadcast %add3A_708 : i32 to vector<16x4096xi32>
    %ge3A_710 = arith.cmpi sge, %bitcast_convert_type3A, %ge3A_709 : vector<16x4096xi32>
    %convert_element_type3A_711 = arith.extui %ge3A_710 : vector<16x4096xi1> to vector<16x4096xi32>
    %reduce_sum3A_712 = vector.shape_cast %convert_element_type3A_711 : vector<16x4096xi32> to vector<1x16x4096xi32>
    %reduce_sum3A_713 = arith.constant dense<0> : vector<1xi32>
    %reduce_sum3A_714 = vector.multi_reduction <add>, %reduce_sum3A_712, %reduce_sum3A_713 [1, 2] : vector<1x16x4096xi32> to vector<1xi32>
    %reduce_sum3A_715 = vector.shape_cast %reduce_sum3A_714 : vector<1xi32> to vector<1x1x1xi32>
    %reduce_sum3A_716 = vector.extract %reduce_sum3A_715[0, 0, 0] : i32 from vector<1x1x1xi32>
    %ge3A_717 = arith.cmpi sge, %reduce_sum3A_716, %convert_element_type3A_87 : i32
    %convert_element_type3A_718 = arith.extui %ge3A_717 : i1 to i32
    %add3A_719 = arith.addi %add3A_706, %convert_element_type3A_718 : i32
    %add3A_720 = arith.constant 6 : i32
    %add3A_721 = arith.addi %add3A_692, %add3A_720 : i32
    %ge3A_722 = vector.broadcast %add3A_721 : i32 to vector<16x4096xi32>
    %ge3A_723 = arith.cmpi sge, %bitcast_convert_type3A, %ge3A_722 : vector<16x4096xi32>
    %convert_element_type3A_724 = arith.extui %ge3A_723 : vector<16x4096xi1> to vector<16x4096xi32>
    %reduce_sum3A_725 = vector.shape_cast %convert_element_type3A_724 : vector<16x4096xi32> to vector<1x16x4096xi32>
    %reduce_sum3A_726 = arith.constant dense<0> : vector<1xi32>
    %reduce_sum3A_727 = vector.multi_reduction <add>, %reduce_sum3A_725, %reduce_sum3A_726 [1, 2] : vector<1x16x4096xi32> to vector<1xi32>
    %reduce_sum3A_728 = vector.shape_cast %reduce_sum3A_727 : vector<1xi32> to vector<1x1x1xi32>
    %reduce_sum3A_729 = vector.extract %reduce_sum3A_728[0, 0, 0] : i32 from vector<1x1x1xi32>
    %ge3A_730 = arith.cmpi sge, %reduce_sum3A_729, %convert_element_type3A_87 : i32
    %convert_element_type3A_731 = arith.extui %ge3A_730 : i1 to i32
    %add3A_732 = arith.addi %add3A_719, %convert_element_type3A_731 : i32
    %mul3A_733 = arith.constant 2 : i32
    %mul3A_734 = arith.muli %add3A_732, %mul3A_733 : i32
    %add3A_735 = arith.addi %add3A_692, %mul3A_734 : i32
    %add3A_736 = arith.constant 1 : i32
    %add3A_737 = arith.addi %add3A_735, %add3A_736 : i32
    %ge3A_738 = vector.broadcast %add3A_737 : i32 to vector<16x4096xi32>
    %ge3A_739 = arith.cmpi sge, %bitcast_convert_type3A, %ge3A_738 : vector<16x4096xi32>
    %convert_element_type3A_740 = arith.extui %ge3A_739 : vector<16x4096xi1> to vector<16x4096xi32>
    %reduce_sum3A_741 = vector.shape_cast %convert_element_type3A_740 : vector<16x4096xi32> to vector<1x16x4096xi32>
    %reduce_sum3A_742 = arith.constant dense<0> : vector<1xi32>
    %reduce_sum3A_743 = vector.multi_reduction <add>, %reduce_sum3A_741, %reduce_sum3A_742 [1, 2] : vector<1x16x4096xi32> to vector<1xi32>
    %reduce_sum3A_744 = vector.shape_cast %reduce_sum3A_743 : vector<1xi32> to vector<1x1x1xi32>
    %reduce_sum3A_745 = vector.extract %reduce_sum3A_744[0, 0, 0] : i32 from vector<1x1x1xi32>
    %ge3A_746 = arith.cmpi sge, %reduce_sum3A_745, %convert_element_type3A_87 : i32
    %convert_element_type3A_747 = arith.extui %ge3A_746 : i1 to i32
    %add3A_748 = arith.constant 0 : i32
    %add3A_749 = arith.addi %add3A_748, %convert_element_type3A_747 : i32
    %mul3A_750 = arith.constant 1 : i32
    %mul3A_751 = arith.muli %add3A_749, %mul3A_750 : i32
    %add3A_752 = arith.addi %add3A_735, %mul3A_751 : i32
    %bitcast_convert_type3A_753 = arith.bitcast %add3A_752 : i32 to f32
    %gt3A = vector.broadcast %add3A_752 : i32 to vector<16x4096xi32>
    %gt3A_754 = arith.cmpi sgt, %bitcast_convert_type3A, %gt3A : vector<16x4096xi32>
    %convert_element_type3A_755 = arith.extui %gt3A_754 : vector<16x4096xi1> to vector<16x4096xi32>
    %convert_element_type3A_756 = arith.sitofp %convert_element_type3A_755 : vector<16x4096xi32> to vector<16x4096xf32>
    %reduce_sum3A_757 = vector.shape_cast %convert_element_type3A_756 : vector<16x4096xf32> to vector<1x16x4096xf32>
    %reduce_sum3A_758 = arith.constant dense<0.000000e+00> : vector<1xf32>
    %reduce_sum3A_759 = vector.multi_reduction <add>, %reduce_sum3A_757, %reduce_sum3A_758 [1, 2] : vector<1x16x4096xf32> to vector<1xf32>
    %reduce_sum3A_760 = vector.shape_cast %reduce_sum3A_759 : vector<1xf32> to vector<1x1x1xf32>
    %reduce_sum3A_761 = vector.extract %reduce_sum3A_760[0, 0, 0] : f32 from vector<1x1x1xf32>
    %jit3A = arith.constant 0.000000e+00 : f32
    %broadcast_in_dim3A = vector.broadcast %jit3A : f32 to vector<16x4096xf32>
    %select_n3A_762 = arith.select %gt3A_754, %mul3A_86, %broadcast_in_dim3A : vector<16x4096xi1>, vector<16x4096xf32>
    %reduce_sum3A_763 = vector.shape_cast %select_n3A_762 : vector<16x4096xf32> to vector<1x16x4096xf32>
    %reduce_sum3A_764 = arith.constant dense<0.000000e+00> : vector<1xf32>
    %reduce_sum3A_765 = vector.multi_reduction <add>, %reduce_sum3A_763, %reduce_sum3A_764 [1, 2] : vector<1x16x4096xf32> to vector<1xf32>
    %reduce_sum3A_766 = vector.shape_cast %reduce_sum3A_765 : vector<1xf32> to vector<1x1x1xf32>
    %reduce_sum3A_767 = vector.extract %reduce_sum3A_766[0, 0, 0] : f32 from vector<1x1x1xf32>
    %eq3A_768 = arith.constant 0 : i32
    %eq3A_769 = arith.cmpi eq, %convert_element_type3A_87, %eq3A_768 : i32
    %sub3A_770 = arith.subf %min3A_76, %reduce_sum3A_761 : f32
    %mul3A_771 = arith.mulf %sub3A_770, %bitcast_convert_type3A_753 : f32
    %add3A_772 = arith.addf %reduce_sum3A_767, %mul3A_771 : f32
    %jit3A_773 = arith.constant 0.000000e+00 : f32
    %select_n3A_774 = arith.select %eq3A_769, %jit3A_773, %add3A_772 : f32
    %add3A_775 = arith.addf %reduce_sum3A_82, %select_n3A_774 : f32
    %add3A_776 = arith.addf %convert_element_type3A_71, %min3A_76 : f32
    %add3A_777 = arith.constant 9.99999993E-9 : f32
    %add3A_778 = arith.addf %add3A_776, %add3A_777 : f32
    %div3A_779 = arith.divf %add3A_775, %add3A_778 : f32
    %reduce_sum3A_780 = vector.shape_cast %mul3A_56 : vector<16x4096xf32> to vector<1x16x4096xf32>
    %reduce_sum3A_781 = arith.constant dense<0.000000e+00> : vector<1xf32>
    %reduce_sum3A_782 = vector.multi_reduction <add>, %reduce_sum3A_780, %reduce_sum3A_781 [1, 2] : vector<1x16x4096xf32> to vector<1xf32>
    %reduce_sum3A_783 = vector.shape_cast %reduce_sum3A_782 : vector<1xf32> to vector<1x1x1xf32>
    %reduce_sum3A_784 = vector.extract %reduce_sum3A_783[0, 0, 0] : f32 from vector<1x1x1xf32>
    %div3A_785 = arith.constant 6.553600e+04 : f32
    %div3A_786 = arith.divf %reduce_sum3A_784, %div3A_785 : f32
    %eq3A_787 = arith.constant 0.000000e+00 : f32
    %eq3A_788 = arith.cmpf oeq, %convert_element_type3A_71, %eq3A_787 : f32
    %select_n3A_789 = arith.select %eq3A_788, %div3A_786, %div3A_779 : f32
    %mul3A_790 = arith.constant 5.000000e-01 : f32
    %mul3A_791 = arith.mulf %mul3A_790, %select_n3A_789 : f32
    %add3A_792 = arith.addf %div3A, %mul3A_791 : f32
    %broadcast_in_dim3A_793 = vector.broadcast %add3A_792 : f32 to vector<1x1xf32>
    %swap3A = arith.constant 0 : index
    %swap3A_794 = arith.constant 0 : index
    %swap3A_795 = vector.load %arg8[%swap3A, %swap3A_794] : memref<1x1xf32, #tpu.memory_space<vmem>>, vector<1x1xf32>
    tpu.vector_store %arg8[%swap3A, %swap3A_794], %broadcast_in_dim3A_793 {strides = array<i32>} : memref<1x1xf32, #tpu.memory_space<vmem>>, vector<1x1xf32>,
    %broadcast_in_dim3A_796 = vector.broadcast %div3A : f32 to vector<1x1xf32>
    %swap3A_797 = arith.constant 0 : index
    %swap3A_798 = arith.constant 0 : index
    %swap3A_799 = vector.load %arg9[%swap3A_797, %swap3A_798] : memref<1x1xf32, #tpu.memory_space<vmem>>, vector<1x1xf32>
    tpu.vector_store %arg9[%swap3A_797, %swap3A_798], %broadcast_in_dim3A_796 {strides = array<i32>} : memref<1x1xf32, #tpu.memory_space<vmem>>, vector<1x1xf32>,
    %broadcast_in_dim3A_800 = vector.broadcast %select_n3A_789 : f32 to vector<1x1xf32>
    %swap3A_801 = arith.constant 0 : index
    %swap3A_802 = arith.constant 0 : index
    %swap3A_803 = vector.load %arg10[%swap3A_801, %swap3A_802] : memref<1x1xf32, #tpu.memory_space<vmem>>, vector<1x1xf32>
    tpu.vector_store %arg10[%swap3A_801, %swap3A_802], %broadcast_in_dim3A_800 {strides = array<i32>} : memref<1x1xf32, #tpu.memory_space<vmem>>, vector<1x1xf32>,
    return
  }
}

</mosaic_0001>

<sc_bundles>
// kernel: kernel.4.cloned.1.call-start
scs
__scs_entry_jumppad:
0x0: {  	(pc) =	sbr.rel $0x88, $3  }
0x1: {  	(tag) =	ssettag $0x0;
	lr =	simm.s32 $0x1  }
0x2: {  	[smem:$0x3F9B] =	sst lr;
	_ =	strace $0xD0000000  }
0x3: {  	_ = 	snop  }
0x4: {  	_ = 	snop  }
0x5: {  	_ = 	snop  }
0x6: {  	_ = 	snop  }
0x7: {  	_ = 	snop  }
__scs_overlays_trampoline_lowered:
0x8: {  	[smem:$0x3FAA] =	sst s0  }
0x9: {  	[smem:$0x3FAB] =	sst s1  }
0xa: {  	[smem:$0x3FAC] =	sst s2  }
0xb: {  	[smem:$0x3FAD] =	sst s3  }
0xc: {  	[smem:$0x3FAE] =	sst s4  }
0xd: {  	[smem:$0x3FAF] =	sst s5  }
0xe: {  	[smem:$0x3FB0] =	sst s6  }
0xf: {  	[smem:$0x3FB1] =	sst s7  }
0x10: {  	[smem:$0x3FB2] =	sst s8  }
0x11: {  	[smem:$0x3FB3] =	sst s9;
	s0 =	simm.s32 @!p0 $0x0  }
0x12: {  	s1 =	sld [smem:$0x3F99];
	s0 =	simm.s32 @p0 $0x1  }
0x13: {  	[smem:$0x3FB4] =	sst s0;
	s0 =	simm.s32 @!p1 $0x0  }
0x14: {  	s2 =	sld [smem:$0x3F98];
	s0 =	simm.s32 @p1 $0x1  }
0x15: {  	[smem:$0x3FB5] =	sst s0;
	s0 =	simm.s32 @!p2 $0x0  }
0x16: {  	s3 =	sld [smem:$0x3FDB];
	s0 =	simm.s32 @p2 $0x1  }
0x17: {  	s4 =	simm.s32 $0x1BF5;
	[smem:$0x3FB7] =	sst s0  }
0x18: {  	s0 =	sld [smem:$0x3F9A];
	_ =	swait.ge [sflag:s4], $0x0  }
0x19: {  	s7 =	sld [smem:$0x3F9B]  }
0x1a: {  	s8 =	sadd.s32 $0xFFFFE003, lr  }
0x1b: {  	s9 =	sadd.s32 $0xFFFFFEF7, lr;
	s5 =	simm.s32 $0xFFFFFFFF;
	p2 =	slt.u32 s8, $0xFFFFF086  }
0x1c: {  	p1 =	slt.u32 s9, $0xF7A;
	s5 =	simm.s32 @!p2 $0x0  }
0x1d: {  	s5 =	simm.s32 @p1 $0x1;
	p0 =	seq.s32 s7, s2  }
0x1e: {  	s7 =	smul.u32 @!p0 $0xF7A, s2;
	p2 =	seq.s32 @!p0 s5, $0x0  }
0x1f: {  	s9 =	smul.u32 $0xF7A, s1;
	s8 =	simm.s32 @!p0 $0x1BF5;
	p2 =	por !p2, p0  }
0x20: {  	[sflag:s8] =	ssyncset.s32 @!p0 $0xFFFFF086;
	s6 =	sadd.s32 @!p0 s3, s7;
	s7 =	simm.s32 @!p0 $0x108  }
0x21: {  	s3 =	sadd.s32 s3, s9;
	s6 =	sadd.s32 @!p0 $0x88, s6;
	s7 =	simm.s32 @p2 $0x1082  }
0x22: {  	[simem:s7], [sflag:s8] =	dma.local @!p0 [hbm:s6], $0xF7A  }
0x23: {  	s9 =	sor.u32 $0xD0000000, s2;
	s6 =	simm.s32 $0x108;
	_ =	swait.ge @!p0 [sflag:s8], $0x0  }
0x24: {  	s3 =	sadd.s32 $0x88, s3;
	s6 =	simm.s32 @!p1 $0x1082;
	[sflag:s4] =	ssyncset.s32 $0xFFFFF086  }
0x25: {  	[simem:s6], [sflag:s4] =	dma.local [hbm:s3], $0xF7A  }
0x26: {  	[smem:$0x3F9B] =	sst s1;
	(tag) =	ssettag s2;
	_ =	strace s9  }
0x27: {  	s1 =	sld [smem:$0x3FAB]  }
0x28: {  	s2 =	sld [smem:$0x3FAC]  }
0x29: {  	s4 =	sld [smem:$0x3FAE]  }
0x2a: {  	p0 =	seq.s32 s5, $0x0;
	s5 =	sld [smem:$0x3FAF]  }
0x2b: {  	s6 =	sld [smem:$0x3FB0]  }
0x2c: {  	s7 =	sld [smem:$0x3FB1]  }
0x2d: {  	s3 =	simm.s32 $0x108;
	s8 =	sld [smem:$0x3FB2]  }
0x2e: {  	s3 =	simm.s32 @!p0 $0x1082;
	s9 =	sld [smem:$0x3FB3]  }
0x2f: {  	lr =	sadd.s32 s0, s3;
	s0 =	sld [smem:$0x3FAA]  }
0x30: {  	s3 =	sld [smem:$0x3FAD]  }
0x31: {  	[smem:$0x3FB6] =	sst s10  }
0x32: {  	s10 =	sld [smem:$0x3FB4];
	_ =	sdelay $0x3  }
0x33: {  	p0 =	seq.s32 s10, $0x1;
	s10 =	sld [smem:$0x3FB6];
	_ =	sdelay $0x3  }
0x34: {  	[smem:$0x3FB6] =	sst s10  }
0x35: {  	s10 =	sld [smem:$0x3FB5];
	_ =	sdelay $0x3  }
0x36: {  	p1 =	seq.s32 s10, $0x1;
	s10 =	sld [smem:$0x3FB6];
	_ =	sdelay $0x3  }
0x37: {  	[smem:$0x3FB6] =	sst s10  }
0x38: {  	s10 =	sld [smem:$0x3FB7]  }
0x39: {  	_ = 	snop;
	(pc) =	sbr.ind lr, $3  }
0x3a: {  	_ = 	snop  }
0x3b: {  	_ = 	snop  }
0x3c: {  	p2 =	seq.s32 s10, $0x1;
	s10 =	sld [smem:$0x3FB6]  }
0x3d: {  	_ =	shalt  }
0x3e: {  	_ =	shalt  }
0x3f: {  	_ =	shalt  }
0x40: {  	_ =	shalt  }
0x41: {  	_ =	shalt  }
0x42: {  	_ =	shalt  }
0x43: {  	_ =	shalt  }
0x44: {  	_ =	shalt  }
0x45: {  	_ =	shalt  }
0x46: {  	_ =	shalt  }
0x47: {  	_ =	shalt  }
0x48: {  	_ =	shalt  }
0x49: {  	_ =	shalt  }
0x4a: {  	_ =	shalt  }
0x4b: {  	_ =	shalt  }
0x4c: {  	_ =	shalt  }
0x4d: {  	_ =	shalt  }
0x4e: {  	_ =	shalt  }
0x4f: {  	_ =	shalt  }
0x50: {  	_ =	shalt  }
0x51: {  	_ =	shalt  }
0x52: {  	_ =	shalt  }
0x53: {  	_ =	shalt  }
0x54: {  	_ =	shalt  }
0x55: {  	_ =	shalt  }
0x56: {  	_ =	shalt  }
0x57: {  	_ =	shalt  }
0x58: {  	_ =	shalt  }
0x59: {  	_ =	shalt  }
0x5a: {  	_ =	shalt  }
0x5b: {  	_ =	shalt  }
0x5c: {  	_ =	shalt  }
0x5d: {  	_ =	shalt  }
0x5e: {  	_ =	shalt  }
0x5f: {  	_ =	shalt  }
0x60: {  	_ =	shalt  }
0x61: {  	_ =	shalt  }
0x62: {  	_ =	shalt  }
0x63: {  	_ =	shalt  }
0x64: {  	_ =	shalt  }
0x65: {  	_ =	shalt  }
0x66: {  	_ =	shalt  }
0x67: {  	_ =	shalt  }
0x68: {  	_ =	shalt  }
0x69: {  	_ =	shalt  }
0x6a: {  	_ =	shalt  }
0x6b: {  	_ =	shalt  }
0x6c: {  	_ =	shalt  }
0x6d: {  	_ =	shalt  }
0x6e: {  	_ =	shalt  }
0x6f: {  	_ =	shalt  }
0x70: {  	_ =	shalt  }
0x71: {  	_ =	shalt  }
0x72: {  	_ =	shalt  }
0x73: {  	_ =	shalt  }
0x74: {  	_ =	shalt  }
0x75: {  	_ =	shalt  }
0x76: {  	_ =	shalt  }
0x77: {  	_ =	shalt  }
0x78: {  	_ =	shalt  }
0x79: {  	_ =	shalt  }
0x7a: {  	_ =	shalt  }
0x7b: {  	_ =	shalt  }
0x7c: {  	_ =	shalt  }
0x7d: {  	_ =	shalt  }
0x7e: {  	_ =	shalt  }
0x7f: {  	_ =	shalt  }
0x80: {  	_ =	shalt  }
0x81: {  	_ =	shalt  }
0x82: {  	_ =	shalt  }
0x83: {  	_ =	shalt  }
0x84: {  	_ =	shalt  }
0x85: {  	_ =	shalt  }
0x86: {  	_ =	shalt  }
0x87: {  	_ =	shalt  }
.Lfunc_end0:
.L_simem_size_0:
called_computation_lowered:
.L_overlay_start_0:
0x88: {  	s2 =	sld [smem:$0x3FD9]  }
0x89: {  	s3 =	sld [smem:$0x3FFE];
	_ =	sdelay $0x1  }
0x8a: {  	s1 =	srdreg.scid  }
0x8b: {  	s0 =	sand.u32 $0x1, s1  }
0x8c: {  	s16 =	sshll.u32 s0, $0xA;
	s2 =	sadd.s32 s3, s2  }
0x8d: {  	s2 =	sadd.s32 s2, s16  }
0x8e: {  	[smem:$0x3FC2] =	sst s2  }
0x8f: {  	_ = 	snop  }
0x90: {  	(tm) =	ssettm $0x1  }
0x91: {  	s17 =	sld [smem:$0x3FFB];
	_ =	sdelay $0x3  }
0x92: {  	_ =	strace s17  }
0x93: {  	s2 =	sld [smem:$0x3FFC];
	_ =	sdelay $0x3  }
0x94: {  	_ =	strace s2  }
0x95: {  	s2 =	sld [smem:$0x3FFD];
	_ =	sdelay $0x3  }
0x96: {  	_ =	strace s2  }
0x97: {  	_ =	strace $0x8FFFFFFF  }
0x98: {  	s18 =	sld [smem:$0x3FDB];
	_ =	sdelay $0x1  }
0x99: {  	s19 =	simm.s32 $_scs_section_size  }
0x9a: {  	s4 =	simm.s32 $_size__tile_overlayer_lowered;
	s5 =	simm.s32 $_tile_overlayer_lowered  }
0x9b: {  	s22 =	simm.s32 $0x1BFF;
	s21 =	sshll.u32 s5, $0x1;
	s2 =	sadd.s32 s19, s18  }
0x9c: {  	s6 =	simm.s32 $0x0;
	s20 =	sshll.u32 s4, $0x1;
	s4 =	sadd.s32 s21, s2  }
0x9d: {  	[timem:s6], [sflag:s22] =	dma.local [hbm:s4], s20  }
0x9e: {  	_ =	swait.ge [sflag:s22], s20  }
0x9f: {  	s3 =	ssub.s32 $0x0, s20;
	[sflag:s22] =	ssyncset.done $0x0  }
0xa0: {  	[sflag:s22] =	ssyncadd.s32 s3;
	_ =	sdelay $0x1  }
0xa1: {  	s23 =	simm.s32 $0x1B8B  }
0xa2: {  	_ =	swait.ge [sflag:s23], $0x1  }
0xa3: {  	[sflag:s23] =	ssyncset.done $0x0  }
0xa4: {  	s25 =	simm.s32 $0x1B8E;
	s24 =	sld [smem:$0x3FFE];
	[sflag:s23] =	ssyncadd.s32 $0xFFFFFFFF  }
0xa5: {  	s26 =	simm.s32 $execute0_lowered;
	[smem:$0x3FD2] =	sst s25  }
0xa6: {  	s4 =	sshll.u32 s26, $0x1;
	_ =	strace $0x80000046;
	[dreg:$0x1] =	wrdreg $0xFFFFFFFF  }
0xa7: {  	s28 =	simm.s32 $_size_execute0_lowered;
	s2 =	sadd.s32 s2, s4;
	[dreg:$0x0] =	wrdreg $0x0  }
0xa8: {  	s4 =	sshll.u32 s28, $0x1;
	[dreg:$0x2] =	wrdreg s2  }
0xa9: {  	[dreg:$0x3] =	wrdreg s4  }
0xaa: {  	[dreg:$0x4] =	wrdreg $0xC0  }
0xab: {  	_ =	task [dreg:s6], $0x5FFFF  }
0xac: {  	[dreg:$0x1] =	wrdreg $0xFFFFFFFF  }
0xad: {  	[dreg:$0x0] =	wrdreg $0x60  }
0xae: {  	[dreg:$0x2] =	wrdreg s24  }
0xaf: {  	[dreg:$0x3] =	wrdreg $0x9  }
0xb0: {  	_ =	task.clear_ibuf [dreg:s6], $0x4FFFF;
	_ =	strace $0x90000046  }
0xb1: {  	s29 =	simm.s32 $0x9;
	_ =	strace $0x80000048  }
0xb2: {  	_ =	swait.ge [sflag:s29], $0x1  }
0xb3: {  	[sflag:s29] =	ssyncadd.s32 $0xFFFFFFFF  }
0xb4: {  	_ =	strace $0x90000048  }
0xb5: {  	_ =	sfence  }
0xb6: {  	s30 =	sld [smem:$0x0];
	_ =	sdelay $0x2  }
0xb7: {  	s31 =	sshll.u32 s1, $0xD;
	s1 =	sshrl.u32 s1, $0x2  }
0xb8: {  	s3 =	sand.u32 $0x4000, s31;
	s1 =	sadd.s32 s1, s30  }
0xb9: {  	s0 =	sor.u32 s3, s0;
	s1 =	sshll.u32 s1, $0x11  }
0xba: {  	s0 =	sor.u32 s1, s0  }
0xbb: {  	s0 =	sadd.s32 $0x8F2B, s0  }
0xbc: {  	[sflag:s0] =	ssyncadd.remote.s32 $0x1  }
0xbd: {  	_ =	sfence.sel $0xFFFF  }
0xbe: {  	[dreg:$0x0] =	wrdreg $0xFFFFFFFF;
	(pc) =	sbr.abs _section_cstart, $3  }
0xbf: {  	[dreg:$0x1] =	wrdreg $0xFFFFFFFF  }
0xc0: {  	_ =	task.clear_ibuf [dreg:s6], $0x2FFFF;
	_ =	strace $0x9FFFFFFF  }
0xc1: {  	(tm) =	ssettm $0x7FFFFFFF  }
tec
execute0_lowered:
.L_overlay_start_1:
0x0: {  	(tag) =	ssettag $0x1  }
0x1: {  	s4 =	srdreg.scid;
	s1 =	stileid.u32  }
0x2: {  	s7 =	sand.u32 $0x1, s4;
	s25 =	sshll.u32 s1, $0x1  }
0x3: {  	s4 =	sor.u32 s7, s25;
	s6 =	ssub.s32 $0x2, s7;
	s7 =	sshll.u32 s7, $0xB  }
0x4: {  	s3 =	rddreg [dreg:$0x0];
	s2 =	simm.s32 $0x0;
	v0 =	vlaneseq.u32;
	s26 =	sor.u32 $0x10, s7  }
0x5: {  	[smem:$0x7FF] =	sst s2;
	s28 =	sor.u32 $0x20, s7;
	v1 =	vor.u32 s26, v0  }
0x6: {  	s0 =	rddreg [dreg:$0x1];
	_ =	strace $0x80000047;
	s10 =	sor.u32 $0x30, s7;
	[tilespmem:$0x1FB90] =	vst v1;
	v1 =	vor.u32 s28, v0  }
0x7: {  	s29 =	sor.u32 $0x40, s7;
	[tilespmem:$0x1FBA0] =	vst v1;
	v1 =	vor.u32 s10, v0  }
0x8: {  	s30 =	sor.u32 $0x50, s7;
	[tilespmem:$0x1FBB0] =	vst v1;
	v1 =	vor.u32 s29, v0  }
0x9: {  	s31 =	sor.u32 $0x60, s7;
	[tilespmem:$0x1FBC0] =	vst v1;
	v1 =	vor.u32 s30, v0  }
0xa: {  	s10 =	sor.u32 $0x70, s7;
	[tilespmem:$0x1FBD0] =	vst v1;
	v1 =	vor.u32 s31, v0  }
0xb: {  	s11 =	sor.u32 $0x80, s7;
	[tilespmem:$0x1FBE0] =	vst v1;
	v1 =	vor.u32 s10, v0  }
0xc: {  	s12 =	sor.u32 $0x90, s7;
	[tilespmem:$0x1FBF0] =	vst v1;
	v1 =	vor.u32 s11, v0  }
0xd: {  	s13 =	sor.u32 $0xA0, s7;
	[tilespmem:$0x1FC00] =	vst v1;
	v1 =	vor.u32 s12, v0  }
0xe: {  	s14 =	sor.u32 $0xB0, s7;
	[tilespmem:$0x1FC10] =	vst v1;
	v1 =	vor.u32 s13, v0  }
0xf: {  	s15 =	sor.u32 $0xC0, s7;
	[tilespmem:$0x1FC20] =	vst v1;
	v1 =	vor.u32 s14, v0  }
0x10: {  	s16 =	sor.u32 $0xD0, s7;
	[tilespmem:$0x1FC30] =	vst v1;
	v1 =	vor.u32 s15, v0  }
0x11: {  	s17 =	sor.u32 $0xE0, s7;
	[tilespmem:$0x1FC40] =	vst v1;
	v1 =	vor.u32 s16, v0  }
0x12: {  	s18 =	sor.u32 $0xF0, s7;
	[tilespmem:$0x1FC50] =	vst v1;
	v1 =	vor.u32 s17, v0  }
0x13: {  	s19 =	sor.u32 $0x100, s7;
	[tilespmem:$0x1FC60] =	vst v1;
	v1 =	vor.u32 s18, v0  }
0x14: {  	s20 =	sor.u32 $0x110, s7;
	[tilespmem:$0x1FC70] =	vst v1;
	v1 =	vor.u32 s19, v0  }
0x15: {  	s21 =	sor.u32 $0x120, s7;
	[tilespmem:$0x1FC80] =	vst v1;
	v1 =	vor.u32 s20, v0  }
0x16: {  	s22 =	sor.u32 $0x130, s7;
	[tilespmem:$0x1FC90] =	vst v1;
	v1 =	vor.u32 s21, v0  }
0x17: {  	s23 =	sor.u32 $0x140, s7;
	[tilespmem:$0x1FCA0] =	vst v1;
	v1 =	vor.u32 s22, v0  }
0x18: {  	s24 =	sor.u32 $0x150, s7;
	[tilespmem:$0x1FCB0] =	vst v1;
	v1 =	vor.u32 s23, v0  }
0x19: {  	s25 =	sor.u32 $0x160, s7;
	[tilespmem:$0x1FCC0] =	vst v1;
	v1 =	vor.u32 s24, v0  }
0x1a: {  	s26 =	sor.u32 $0x170, s7;
	[tilespmem:$0x1FCD0] =	vst v1;
	v1 =	vor.u32 s25, v0  }
0x1b: {  	s28 =	sor.u32 $0x180, s7;
	[tilespmem:$0x1FCE0] =	vst v1;
	v1 =	vor.u32 s26, v0  }
0x1c: {  	s29 =	sor.u32 $0x190, s7;
	[tilespmem:$0x1FCF0] =	vst v1;
	v1 =	vor.u32 s28, v0  }
0x1d: {  	s30 =	sor.u32 $0x1A0, s7;
	[tilespmem:$0x1FD00] =	vst v1;
	v1 =	vor.u32 s29, v0  }
0x1e: {  	s31 =	sor.u32 $0x1B0, s7;
	[tilespmem:$0x1FD10] =	vst v1;
	v1 =	vor.u32 s30, v0  }
0x1f: {  	s10 =	sor.u32 $0x1C0, s7;
	[tilespmem:$0x1FD20] =	vst v1;
	v1 =	vor.u32 s31, v0  }
0x20: {  	s11 =	sor.u32 $0x1D0, s7;
	[tilespmem:$0x1FD30] =	vst v1;
	v1 =	vor.u32 s10, v0  }
0x21: {  	s12 =	sor.u32 $0x1E0, s7;
	[tilespmem:$0x1FD40] =	vst v1;
	v1 =	vor.u32 s11, v0  }
0x22: {  	s13 =	sor.u32 $0x1F0, s7;
	[tilespmem:$0x1FD50] =	vst v1;
	v1 =	vor.u32 s12, v0  }
0x23: {  	s14 =	sor.u32 $0x200, s7;
	[tilespmem:$0x1FD60] =	vst v1;
	v1 =	vor.u32 s13, v0  }
0x24: {  	s15 =	sor.u32 $0x210, s7;
	[tilespmem:$0x1FD70] =	vst v1;
	v1 =	vor.u32 s14, v0  }
0x25: {  	s16 =	sor.u32 $0x220, s7;
	[tilespmem:$0x1FD80] =	vst v1;
	v1 =	vor.u32 s15, v0  }
0x26: {  	s17 =	sor.u32 $0x230, s7;
	[tilespmem:$0x1FD90] =	vst v1;
	v1 =	vor.u32 s16, v0  }
0x27: {  	s18 =	sor.u32 $0x240, s7;
	[tilespmem:$0x1FDA0] =	vst v1;
	v1 =	vor.u32 s17, v0  }
0x28: {  	s19 =	sor.u32 $0x250, s7;
	[tilespmem:$0x1FDB0] =	vst v1;
	v1 =	vor.u32 s18, v0  }
0x29: {  	s20 =	sor.u32 $0x260, s7;
	[tilespmem:$0x1FDC0] =	vst v1;
	v1 =	vor.u32 s19, v0  }
0x2a: {  	s21 =	sor.u32 $0x270, s7;
	[tilespmem:$0x1FDD0] =	vst v1;
	v1 =	vor.u32 s20, v0  }
0x2b: {  	s22 =	sor.u32 $0x280, s7;
	[tilespmem:$0x1FDE0] =	vst v1;
	v1 =	vor.u32 s21, v0  }
0x2c: {  	s23 =	sor.u32 $0x290, s7;
	[tilespmem:$0x1FDF0] =	vst v1;
	v1 =	vor.u32 s22, v0  }
0x2d: {  	s24 =	sor.u32 $0x2A0, s7;
	[tilespmem:$0x1FE00] =	vst v1;
	v1 =	vor.u32 s23, v0  }
0x2e: {  	s25 =	sor.u32 $0x2B0, s7;
	[tilespmem:$0x1FE10] =	vst v1;
	v1 =	vor.u32 s24, v0  }
0x2f: {  	s26 =	sor.u32 $0x2C0, s7;
	[tilespmem:$0x1FE20] =	vst v1;
	v1 =	vor.u32 s25, v0  }
0x30: {  	s28 =	sor.u32 $0x2D0, s7;
	[tilespmem:$0x1FE30] =	vst v1;
	v1 =	vor.u32 s26, v0  }
0x31: {  	s29 =	sor.u32 $0x2E0, s7;
	[tilespmem:$0x1FE40] =	vst v1;
	v1 =	vor.u32 s28, v0  }
0x32: {  	s30 =	sor.u32 $0x2F0, s7;
	[tilespmem:$0x1FE50] =	vst v1;
	v1 =	vor.u32 s29, v0  }
0x33: {  	s5 =	sshll.u32 s4, $0x8;
	s4 =	sshll.u32 s4, $0x4;
	s31 =	sor.u32 $0x300, s7;
	[tilespmem:$0x1FE60] =	vst v1;
	v1 =	vor.u32 s30, v0  }
0x34: {  	s8 =	sshrl.u32 s6, $0x1;
	s9 =	sadd.s32 s5, s3;
	s10 =	sor.u32 $0x310, s7;
	[tilespmem:$0x1FE70] =	vst v1;
	v1 =	vor.u32 s31, v0  }
0x35: {  	s5 =	sadd.s32 s4, s3;
	s6 =	ssub.s32 s6, s8;
	s11 =	sor.u32 $0x320, s7;
	[tilespmem:$0x1FE80] =	vst v1;
	v1 =	vor.u32 s10, v0  }
0x36: {  	s8 =	simm.s32 $0x800;
	s12 =	sor.u32 $0x330, s7;
	s31 =	sor.u32 $0x480, s7;
	[tilespmem:$0x1FE90] =	vst v1;
	v1 =	vor.u32 s11, v0  }
0x37: {  	s3 =	sadd.s32 $0x1800, s9;
	s13 =	sor.u32 $0x340, s7;
	v7 =	vor.u32 s31, v0;
	s31 =	sor.u32 $0x5A0, s7;
	[tilespmem:$0x1FEA0] =	vst v1;
	v1 =	vor.u32 s12, v0  }
0x38: {  	s4 =	sadd.s32 $0x3800, s5;
	s14 =	sor.u32 $0x350, s7;
	v25 =	vor.u32 s31, v0;
	s31 =	sor.u32 $0x6C0, s7;
	[tilespmem:$0x1FEB0] =	vst v1;
	v1 =	vor.u32 s13, v0  }
0x39: {  	v58 =	vor.u32 s7, v0;
	s15 =	sor.u32 $0x360, s7;
	v43 =	vor.u32 s31, v0;
	s31 =	sor.u32 $0x7E0, s7;
	[tilespmem:$0x1FEC0] =	vst v1;
	v1 =	vor.u32 s14, v0;
	s14 =	sor.u32 $0x4A0, s7  }
0x3a: {  	s16 =	sor.u32 $0x370, s7;
	v62 =	vor.u32 s31, v0;
	[tilespmem:$0x1FED0] =	vst v1;
	v1 =	vor.u32 s15, v0;
	s15 =	sor.u32 $0x4B0, s7;
	v9 =	vor.u32 s14, v0;
	s14 =	sor.u32 $0x5C0, s7  }
0x3b: {  	s17 =	sor.u32 $0x380, s7;
	[tilespmem:$0x1FEE0] =	vst v1;
	v1 =	vor.u32 s16, v0;
	s16 =	sor.u32 $0x4C0, s7;
	v10 =	vor.u32 s15, v0;
	s15 =	sor.u32 $0x5D0, s7;
	v27 =	vor.u32 s14, v0  }
0x3c: {  	s18 =	sor.u32 $0x390, s7;
	s14 =	sor.u32 $0x6E0, s7;
	[tilespmem:$0x1FEF0] =	vst v1;
	v1 =	vor.u32 s17, v0;
	s17 =	sor.u32 $0x4D0, s7;
	v11 =	vor.u32 s16, v0;
	v28 =	vor.u32 s15, v0  }
0x3d: {  	s19 =	sor.u32 $0x3A0, s7;
	s16 =	sor.u32 $0x5E0, s7;
	s15 =	sor.u32 $0x6F0, s7;
	v45 =	vor.u32 s14, v0;
	[tilespmem:$0x1FF00] =	vst v1;
	v1 =	vor.u32 s18, v0;
	v12 =	vor.u32 s17, v0  }
0x3e: {  	s18 =	sor.u32 $0x4E0, s7;
	s17 =	sor.u32 $0x5F0, s7;
	v29 =	vor.u32 s16, v0;
	s16 =	sor.u32 $0x700, s7;
	v46 =	vor.u32 s15, v0;
	[tilespmem:$0x1FF10] =	vst v1;
	v1 =	vor.u32 s19, v0  }
0x3f: {  	s20 =	sor.u32 $0x3B0, s7;
	s19 =	sor.u32 $0x4F0, s7;
	v13 =	vor.u32 s18, v0;
	s18 =	sor.u32 $0x600, s7;
	v30 =	vor.u32 s17, v0;
	v47 =	vor.u32 s16, v0  }
0x40: {  	s21 =	sor.u32 $0x3C0, s7;
	s17 =	sor.u32 $0x710, s7;
	[tilespmem:$0x1FF20] =	vst v1;
	v1 =	vor.u32 s20, v0;
	s20 =	sor.u32 $0x500, s7;
	v14 =	vor.u32 s19, v0;
	v31 =	vor.u32 s18, v0  }
0x41: {  	s22 =	sor.u32 $0x3D0, s7;
	s19 =	sor.u32 $0x610, s7;
	s18 =	sor.u32 $0x720, s7;
	v48 =	vor.u32 s17, v0;
	[tilespmem:$0x1FF30] =	vst v1;
	v1 =	vor.u32 s21, v0;
	v15 =	vor.u32 s20, v0  }
0x42: {  	s21 =	sor.u32 $0x510, s7;
	s20 =	sor.u32 $0x620, s7;
	v32 =	vor.u32 s19, v0;
	s19 =	sor.u32 $0x730, s7;
	v49 =	vor.u32 s18, v0;
	[tilespmem:$0x1FF40] =	vst v1;
	v1 =	vor.u32 s22, v0  }
0x43: {  	s23 =	sor.u32 $0x3E0, s7;
	s22 =	sor.u32 $0x520, s7;
	v16 =	vor.u32 s21, v0;
	s21 =	sor.u32 $0x630, s7;
	v33 =	vor.u32 s20, v0;
	v50 =	vor.u32 s19, v0  }
0x44: {  	s24 =	sor.u32 $0x3F0, s7;
	s20 =	sor.u32 $0x740, s7;
	[tilespmem:$0x1FF50] =	vst v1;
	v1 =	vor.u32 s23, v0;
	s23 =	sor.u32 $0x530, s7;
	v17 =	vor.u32 s22, v0;
	v34 =	vor.u32 s21, v0  }
0x45: {  	s25 =	sor.u32 $0x400, s7;
	s22 =	sor.u32 $0x640, s7;
	s21 =	sor.u32 $0x750, s7;
	v51 =	vor.u32 s20, v0;
	[tilespmem:$0x1FF60] =	vst v1;
	v1 =	vor.u32 s24, v0;
	v18 =	vor.u32 s23, v0  }
0x46: {  	s24 =	sor.u32 $0x540, s7;
	s23 =	sor.u32 $0x650, s7;
	v35 =	vor.u32 s22, v0;
	s22 =	sor.u32 $0x760, s7;
	v52 =	vor.u32 s21, v0;
	[tilespmem:$0x1FF70] =	vst v1;
	v1 =	vor.u32 s25, v0  }
0x47: {  	s26 =	sor.u32 $0x410, s7;
	s25 =	sor.u32 $0x550, s7;
	v19 =	vor.u32 s24, v0;
	s24 =	sor.u32 $0x660, s7;
	v36 =	vor.u32 s23, v0;
	v53 =	vor.u32 s22, v0  }
0x48: {  	s28 =	sor.u32 $0x420, s7;
	s23 =	sor.u32 $0x770, s7;
	[tilespmem:$0x1FF80] =	vst v1;
	v1 =	vor.u32 s26, v0;
	s26 =	sor.u32 $0x560, s7;
	v20 =	vor.u32 s25, v0;
	v37 =	vor.u32 s24, v0  }
0x49: {  	s11 =	sor.u32 $0x430, s7;
	s25 =	sor.u32 $0x670, s7;
	s24 =	sor.u32 $0x780, s7;
	v54 =	vor.u32 s23, v0;
	[tilespmem:$0x1FF90] =	vst v1;
	v1 =	vor.u32 s28, v0;
	v21 =	vor.u32 s26, v0  }
0x4a: {  	s12 =	sor.u32 $0x440, s7;
	s28 =	sor.u32 $0x570, s7;
	s26 =	sor.u32 $0x680, s7;
	v38 =	vor.u32 s25, v0;
	v55 =	vor.u32 s24, v0;
	[tilespmem:$0x1FFA0] =	vst v1;
	v1 =	vor.u32 s11, v0  }
0x4b: {  	s13 =	sor.u32 $0x450, s7;
	s25 =	sor.u32 $0x790, s7;
	v22 =	vor.u32 s28, v0;
	s28 =	sor.u32 $0x690, s7;
	v39 =	vor.u32 s26, v0;
	[tilespmem:$0x1FFB0] =	vst v1;
	v1 =	vor.u32 s12, v0  }
0x4c: {  	s29 =	sor.u32 $0x460, s7;
	s26 =	sor.u32 $0x7A0, s7;
	v56 =	vor.u32 s25, v0;
	v40 =	vor.u32 s28, v0;
	s28 =	sor.u32 $0x7B0, s7;
	[tilespmem:$0x1FFC0] =	vst v1;
	v1 =	vor.u32 s13, v0  }
0x4d: {  	s30 =	sor.u32 $0x470, s7;
	v57 =	vor.u32 s26, v0;
	s13 =	sor.u32 $0x490, s7;
	v59 =	vor.u32 s28, v0;
	[tilespmem:$0x1FFD0] =	vst v1;
	v1 =	vor.u32 s29, v0;
	s29 =	sor.u32 $0x580, s7  }
0x4e: {  	v8 =	vor.u32 s13, v0;
	s13 =	sor.u32 $0x5B0, s7;
	[tilespmem:$0x1FFE0] =	vst v1;
	v1 =	vor.u32 s30, v0;
	s30 =	sor.u32 $0x590, s7;
	v23 =	vor.u32 s29, v0;
	s29 =	sor.u32 $0x6A0, s7  }
0x4f: {  	v26 =	vor.u32 s13, v0;
	s13 =	sor.u32 $0x6D0, s7;
	v24 =	vor.u32 s30, v0;
	s30 =	sor.u32 $0x6B0, s7;
	v41 =	vor.u32 s29, v0;
	s29 =	sor.u32 $0x7C0, s7  }
0x50: {  	s5 =	sadd.s32 $0x3A00, s5;
	v44 =	vor.u32 s13, v0;
	v42 =	vor.u32 s30, v0;
	s30 =	sor.u32 $0x7D0, s7;
	s7 =	sor.u32 $0x7F0, s7;
	v60 =	vor.u32 s29, v0  }
0x51: {  	s6 =	smax.u32 s6, $0x1;
	s9 =	simm.s32 $0x880;
	[tilespmem:$0x1FFF0] =	vst v1;
	v61 =	vor.u32 s30, v0;
	v63 =	vor.u32 s7, v0;
	s7 =	simm.s32 $0x1;
	v0 =	vimm.s32 $0x0  }
.LBB2_1:
0x52: {  	[tilespmem:s2], [sflag:$0x1] =	stream.linear.gather [hbm4b:s3+s2], $0x800, $0x38;
	[tilespmem:$0x900] =	vst v63  }
0x53: {  	_ =	swait.ge [sflag:s7], $0x800  }
0x54: {  	[sflag:s7] =	ssyncset.done $0x0  }
0x55: {  	[sflag:s7] =	ssyncadd.s32 $0xFFFFF800  }
0x56: {  	[tilespmem:s8], [sflag:$0x1] =	stream.linear.gather [hbm4b:s4+s2], $0x80, $0x38;
	[tilespmem:$0x900] =	vst v63  }
0x57: {  	_ =	swait.ge [sflag:s7], $0x80  }
0x58: {  	[sflag:s7] =	ssyncset.done $0x0  }
0x59: {  	[sflag:s7] =	ssyncadd.s32 $0xFFFFFF80  }
0x5a: {  	v2 =	vld [tilespmem:$0x0]  }
0x5b: {  	v4 =	vld [tilespmem:$0x20]  }
0x5c: {  	v3 =	vld [tilespmem:$0x10]  }
0x5d: {  	v5 =	vld [tilespmem:$0x40]  }
0x5e: {  	v1 =	vld [tilespmem:$0x800]  }
0x5f: {  	vm0 =	veq.s32 v2, $0x1;
	v2 =	vld [tilespmem:$0x30]  }
0x60: {  	vm4 =	veq.s32 v4, $0x1;
	v4 =	vld [tilespmem:$0x1FBA0]  }
0x61: {  	vm14 =	veq.s32 v3, $0x1;
	v3 =	vld [tilespmem:$0x1FB90]  }
0x62: {  	vm8 =	veq.s32 v5, $0x1;
	v5 =	vld [tilespmem:$0x1FBC0];
	_ =	sdelay $0x2  }
0x63: {  	vm5 =	vlt.s32 v4, v1;
	v4 =	vld [tilespmem:$0x50]  }
0x64: {  	vm6 =	veq.s32 v2, $0x1;
	v2 =	vld [tilespmem:$0x1FBB0]  }
0x65: {  	vm1 =	vlt.s32 v58, v1;
	vm2 =	vlt.s32 v3, v1;
	vm9 =	vlt.s32 v5, v1;
	v5 =	vld [tilespmem:$0x70]  }
0x66: {  	vm0 =	vmand vm1, vm0;
	vm15 =	vmand vm2, vm14  }
0x67: {  	v3 =	vsel vm0, $0x1, v0;
	vm0 =	vmand vm5, vm4;
	v6 =	vsel vm15, $0x1, v0  }
0x68: {  	v3 =	vadd.s32 v3, v6;
	v6 =	vsel vm0, $0x1, v0;
	vm10 =	veq.s32 v4, $0x1;
	v4 =	vld [tilespmem:$0x1FBD0]  }
0x69: {  	vm7 =	vlt.s32 v2, v1;
	v2 =	vadd.s32 v6, v3;
	v3 =	vld [tilespmem:$0x60]  }
0x6a: {  	vm14 =	veq.s32 v5, $0x1;
	v5 =	vld [tilespmem:$0x1FBF0];
	_ =	sdelay $0x2  }
0x6b: {  	vm11 =	vlt.s32 v4, v1;
	v4 =	vld [tilespmem:$0x80]  }
0x6c: {  	vm12 =	veq.s32 v3, $0x1;
	v3 =	vld [tilespmem:$0x1FBE0]  }
0x6d: {  	vm15 =	vlt.s32 v5, v1;
	v5 =	vld [tilespmem:$0xA0];
	_ =	sdelay $0x2  }
0x6e: {  	vm4 =	veq.s32 v4, $0x1;
	v4 =	vld [tilespmem:$0x1FC00]  }
0x6f: {  	vm0 =	vmand vm7, vm6;
	vm13 =	vlt.s32 v3, v1;
	v3 =	vld [tilespmem:$0x90]  }
0x70: {  	v6 =	vsel vm0, $0x1, v0;
	vm0 =	vmand vm9, vm8;
	vm8 =	veq.s32 v5, $0x1;
	v5 =	vld [tilespmem:$0x1FC20];
	_ =	sdelay $0x2  }
0x71: {  	vm5 =	vlt.s32 v4, v1;
	v4 =	vld [tilespmem:$0xB0]  }
0x72: {  	vm6 =	veq.s32 v3, $0x1;
	v3 =	vld [tilespmem:$0x1FC10]  }
0x73: {  	vm9 =	vlt.s32 v5, v1;
	v5 =	vld [tilespmem:$0xD0];
	_ =	sdelay $0x1  }
0x74: {  	v2 =	vadd.s32 v6, v2;
	v6 =	vsel vm0, $0x1, v0;
	vm0 =	vmand vm11, vm10  }
0x75: {  	v2 =	vadd.s32 v6, v2;
	v6 =	vsel vm0, $0x1, v0;
	vm10 =	veq.s32 v4, $0x1;
	v4 =	vld [tilespmem:$0x1FC30]  }
0x76: {  	v2 =	vadd.s32 v6, v2;
	vm0 =	vmand vm13, vm12;
	vm7 =	vlt.s32 v3, v1;
	v3 =	vld [tilespmem:$0xC0]  }
0x77: {  	v6 =	vsel vm0, $0x1, v0;
	vm0 =	vmand vm15, vm14;
	vm14 =	veq.s32 v5, $0x1;
	v5 =	vld [tilespmem:$0x1FC50];
	_ =	sdelay $0x2  }
0x78: {  	vm11 =	vlt.s32 v4, v1;
	v4 =	vld [tilespmem:$0xE0]  }
0x79: {  	vm12 =	veq.s32 v3, $0x1;
	v3 =	vld [tilespmem:$0x1FC40]  }
0x7a: {  	vm15 =	vlt.s32 v5, v1;
	v5 =	vld [tilespmem:$0x100];
	_ =	sdelay $0x1  }
0x7b: {  	v2 =	vadd.s32 v6, v2;
	v6 =	vsel vm0, $0x1, v0;
	vm0 =	vmand vm5, vm4  }
0x7c: {  	v2 =	vadd.s32 v6, v2;
	v6 =	vsel vm0, $0x1, v0;
	vm4 =	veq.s32 v4, $0x1;
	v4 =	vld [tilespmem:$0x1FC60]  }
0x7d: {  	v2 =	vadd.s32 v6, v2;
	vm0 =	vmand vm7, vm6;
	vm13 =	vlt.s32 v3, v1;
	v3 =	vld [tilespmem:$0xF0]  }
0x7e: {  	v6 =	vsel vm0, $0x1, v0;
	vm0 =	vmand vm9, vm8;
	vm8 =	veq.s32 v5, $0x1;
	v5 =	vld [tilespmem:$0x1FC80];
	_ =	sdelay $0x2  }
0x7f: {  	vm5 =	vlt.s32 v4, v1;
	v4 =	vld [tilespmem:$0x110]  }
0x80: {  	vm6 =	veq.s32 v3, $0x1;
	v3 =	vld [tilespmem:$0x1FC70]  }
0x81: {  	vm9 =	vlt.s32 v5, v1;
	v5 =	vld [tilespmem:$0x130];
	_ =	sdelay $0x1  }
0x82: {  	v2 =	vadd.s32 v6, v2;
	v6 =	vsel vm0, $0x1, v0;
	vm0 =	vmand vm11, vm10  }
0x83: {  	v2 =	vadd.s32 v6, v2;
	v6 =	vsel vm0, $0x1, v0;
	vm10 =	veq.s32 v4, $0x1;
	v4 =	vld [tilespmem:$0x1FC90]  }
0x84: {  	v2 =	vadd.s32 v6, v2;
	vm0 =	vmand vm13, vm12;
	vm7 =	vlt.s32 v3, v1;
	v3 =	vld [tilespmem:$0x120]  }
0x85: {  	v6 =	vsel vm0, $0x1, v0;
	vm0 =	vmand vm15, vm14;
	vm14 =	veq.s32 v5, $0x1;
	v5 =	vld [tilespmem:$0x1FCB0];
	_ =	sdelay $0x2  }
0x86: {  	vm11 =	vlt.s32 v4, v1;
	v4 =	vld [tilespmem:$0x140]  }
0x87: {  	vm12 =	veq.s32 v3, $0x1;
	v3 =	vld [tilespmem:$0x1FCA0]  }
0x88: {  	vm15 =	vlt.s32 v5, v1;
	v5 =	vld [tilespmem:$0x160];
	_ =	sdelay $0x1  }
0x89: {  	v2 =	vadd.s32 v6, v2;
	v6 =	vsel vm0, $0x1, v0;
	vm0 =	vmand vm5, vm4  }
0x8a: {  	v2 =	vadd.s32 v6, v2;
	v6 =	vsel vm0, $0x1, v0;
	vm4 =	veq.s32 v4, $0x1;
	v4 =	vld [tilespmem:$0x1FCC0]  }
0x8b: {  	v2 =	vadd.s32 v6, v2;
	vm0 =	vmand vm7, vm6;
	vm13 =	vlt.s32 v3, v1;
	v3 =	vld [tilespmem:$0x150]  }
0x8c: {  	v6 =	vsel vm0, $0x1, v0;
	vm0 =	vmand vm9, vm8;
	vm8 =	veq.s32 v5, $0x1;
	v5 =	vld [tilespmem:$0x1FCE0];
	_ =	sdelay $0x2  }
0x8d: {  	vm5 =	vlt.s32 v4, v1;
	v4 =	vld [tilespmem:$0x170]  }
0x8e: {  	vm6 =	veq.s32 v3, $0x1;
	v3 =	vld [tilespmem:$0x1FCD0]  }
0x8f: {  	vm9 =	vlt.s32 v5, v1;
	v5 =	vld [tilespmem:$0x190];
	_ =	sdelay $0x1  }
0x90: {  	v2 =	vadd.s32 v6, v2;
	v6 =	vsel vm0, $0x1, v0;
	vm0 =	vmand vm11, vm10  }
0x91: {  	v2 =	vadd.s32 v6, v2;
	v6 =	vsel vm0, $0x1, v0;
	vm10 =	veq.s32 v4, $0x1;
	v4 =	vld [tilespmem:$0x1FCF0]  }
0x92: {  	v2 =	vadd.s32 v6, v2;
	vm0 =	vmand vm13, vm12;
	vm7 =	vlt.s32 v3, v1;
	v3 =	vld [tilespmem:$0x180]  }
0x93: {  	v6 =	vsel vm0, $0x1, v0;
	vm0 =	vmand vm15, vm14;
	vm14 =	veq.s32 v5, $0x1;
	v5 =	vld [tilespmem:$0x1FD10];
	_ =	sdelay $0x2  }
0x94: {  	vm11 =	vlt.s32 v4, v1;
	v4 =	vld [tilespmem:$0x1A0]  }
0x95: {  	vm12 =	veq.s32 v3, $0x1;
	v3 =	vld [tilespmem:$0x1FD00]  }
0x96: {  	vm15 =	vlt.s32 v5, v1;
	v5 =	vld [tilespmem:$0x1C0];
	_ =	sdelay $0x1  }
0x97: {  	v2 =	vadd.s32 v6, v2;
	v6 =	vsel vm0, $0x1, v0;
	vm0 =	vmand vm5, vm4  }
0x98: {  	v2 =	vadd.s32 v6, v2;
	v6 =	vsel vm0, $0x1, v0;
	vm4 =	veq.s32 v4, $0x1;
	v4 =	vld [tilespmem:$0x1FD20]  }
0x99: {  	v2 =	vadd.s32 v6, v2;
	vm0 =	vmand vm7, vm6;
	vm13 =	vlt.s32 v3, v1;
	v3 =	vld [tilespmem:$0x1B0]  }
0x9a: {  	v6 =	vsel vm0, $0x1, v0;
	vm0 =	vmand vm9, vm8;
	vm8 =	veq.s32 v5, $0x1;
	v5 =	vld [tilespmem:$0x1FD40];
	_ =	sdelay $0x2  }
0x9b: {  	vm5 =	vlt.s32 v4, v1;
	v4 =	vld [tilespmem:$0x1D0]  }
0x9c: {  	vm6 =	veq.s32 v3, $0x1;
	v3 =	vld [tilespmem:$0x1FD30]  }
0x9d: {  	vm9 =	vlt.s32 v5, v1;
	v5 =	vld [tilespmem:$0x1F0];
	_ =	sdelay $0x1  }
0x9e: {  	v2 =	vadd.s32 v6, v2;
	v6 =	vsel vm0, $0x1, v0;
	vm0 =	vmand vm11, vm10  }
0x9f: {  	v2 =	vadd.s32 v6, v2;
	v6 =	vsel vm0, $0x1, v0;
	vm10 =	veq.s32 v4, $0x1;
	v4 =	vld [tilespmem:$0x1FD50]  }
0xa0: {  	v2 =	vadd.s32 v6, v2;
	vm0 =	vmand vm13, vm12;
	vm7 =	vlt.s32 v3, v1;
	v3 =	vld [tilespmem:$0x1E0]  }
0xa1: {  	v6 =	vsel vm0, $0x1, v0;
	vm0 =	vmand vm15, vm14;
	vm14 =	veq.s32 v5, $0x1;
	v5 =	vld [tilespmem:$0x1FD70];
	_ =	sdelay $0x2  }
0xa2: {  	vm11 =	vlt.s32 v4, v1;
	v4 =	vld [tilespmem:$0x200]  }
0xa3: {  	vm12 =	veq.s32 v3, $0x1;
	v3 =	vld [tilespmem:$0x1FD60]  }
0xa4: {  	vm15 =	vlt.s32 v5, v1;
	v5 =	vld [tilespmem:$0x220];
	_ =	sdelay $0x1  }
0xa5: {  	v2 =	vadd.s32 v6, v2;
	v6 =	vsel vm0, $0x1, v0;
	vm0 =	vmand vm5, vm4  }
0xa6: {  	v2 =	vadd.s32 v6, v2;
	v6 =	vsel vm0, $0x1, v0;
	vm4 =	veq.s32 v4, $0x1;
	v4 =	vld [tilespmem:$0x1FD80]  }
0xa7: {  	v2 =	vadd.s32 v6, v2;
	vm0 =	vmand vm7, vm6;
	vm13 =	vlt.s32 v3, v1;
	v3 =	vld [tilespmem:$0x210]  }
0xa8: {  	v6 =	vsel vm0, $0x1, v0;
	vm0 =	vmand vm9, vm8;
	vm8 =	veq.s32 v5, $0x1;
	v5 =	vld [tilespmem:$0x1FDA0];
	_ =	sdelay $0x2  }
0xa9: {  	vm5 =	vlt.s32 v4, v1;
	v4 =	vld [tilespmem:$0x230]  }
0xaa: {  	vm6 =	veq.s32 v3, $0x1;
	v3 =	vld [tilespmem:$0x1FD90]  }
0xab: {  	vm9 =	vlt.s32 v5, v1;
	v5 =	vld [tilespmem:$0x250];
	_ =	sdelay $0x1  }
0xac: {  	v2 =	vadd.s32 v6, v2;
	v6 =	vsel vm0, $0x1, v0;
	vm0 =	vmand vm11, vm10  }
0xad: {  	v2 =	vadd.s32 v6, v2;
	v6 =	vsel vm0, $0x1, v0;
	vm10 =	veq.s32 v4, $0x1;
	v4 =	vld [tilespmem:$0x1FDB0]  }
0xae: {  	v2 =	vadd.s32 v6, v2;
	vm0 =	vmand vm13, vm12;
	vm7 =	vlt.s32 v3, v1;
	v3 =	vld [tilespmem:$0x240]  }
0xaf: {  	v6 =	vsel vm0, $0x1, v0;
	vm0 =	vmand vm15, vm14;
	vm14 =	veq.s32 v5, $0x1;
	v5 =	vld [tilespmem:$0x1FDD0];
	_ =	sdelay $0x2  }
0xb0: {  	vm11 =	vlt.s32 v4, v1;
	v4 =	vld [tilespmem:$0x260]  }
0xb1: {  	vm12 =	veq.s32 v3, $0x1;
	v3 =	vld [tilespmem:$0x1FDC0]  }
0xb2: {  	vm15 =	vlt.s32 v5, v1;
	v5 =	vld [tilespmem:$0x280];
	_ =	sdelay $0x1  }
0xb3: {  	v2 =	vadd.s32 v6, v2;
	v6 =	vsel vm0, $0x1, v0;
	vm0 =	vmand vm5, vm4  }
0xb4: {  	v2 =	vadd.s32 v6, v2;
	v6 =	vsel vm0, $0x1, v0;
	vm4 =	veq.s32 v4, $0x1;
	v4 =	vld [tilespmem:$0x1FDE0]  }
0xb5: {  	v2 =	vadd.s32 v6, v2;
	vm0 =	vmand vm7, vm6;
	vm13 =	vlt.s32 v3, v1;
	v3 =	vld [tilespmem:$0x270]  }
0xb6: {  	v6 =	vsel vm0, $0x1, v0;
	vm0 =	vmand vm9, vm8;
	vm8 =	veq.s32 v5, $0x1;
	v5 =	vld [tilespmem:$0x1FE00];
	_ =	sdelay $0x2  }
0xb7: {  	vm5 =	vlt.s32 v4, v1;
	v4 =	vld [tilespmem:$0x290]  }
0xb8: {  	vm6 =	veq.s32 v3, $0x1;
	v3 =	vld [tilespmem:$0x1FDF0]  }
0xb9: {  	vm9 =	vlt.s32 v5, v1;
	v5 =	vld [tilespmem:$0x2B0];
	_ =	sdelay $0x1  }
0xba: {  	v2 =	vadd.s32 v6, v2;
	v6 =	vsel vm0, $0x1, v0;
	vm0 =	vmand vm11, vm10  }
0xbb: {  	v2 =	vadd.s32 v6, v2;
	v6 =	vsel vm0, $0x1, v0;
	vm10 =	veq.s32 v4, $0x1;
	v4 =	vld [tilespmem:$0x1FE10]  }
0xbc: {  	v2 =	vadd.s32 v6, v2;
	vm0 =	vmand vm13, vm12;
	vm7 =	vlt.s32 v3, v1;
	v3 =	vld [tilespmem:$0x2A0]  }
0xbd: {  	v6 =	vsel vm0, $0x1, v0;
	vm0 =	vmand vm15, vm14;
	vm14 =	veq.s32 v5, $0x1;
	v5 =	vld [tilespmem:$0x1FE30];
	_ =	sdelay $0x2  }
0xbe: {  	vm11 =	vlt.s32 v4, v1;
	v4 =	vld [tilespmem:$0x2C0]  }
0xbf: {  	vm12 =	veq.s32 v3, $0x1;
	v3 =	vld [tilespmem:$0x1FE20]  }
0xc0: {  	vm15 =	vlt.s32 v5, v1;
	v5 =	vld [tilespmem:$0x2E0];
	_ =	sdelay $0x1  }
0xc1: {  	v2 =	vadd.s32 v6, v2;
	v6 =	vsel vm0, $0x1, v0;
	vm0 =	vmand vm5, vm4  }
0xc2: {  	v2 =	vadd.s32 v6, v2;
	v6 =	vsel vm0, $0x1, v0;
	vm4 =	veq.s32 v4, $0x1;
	v4 =	vld [tilespmem:$0x1FE40]  }
0xc3: {  	v2 =	vadd.s32 v6, v2;
	vm0 =	vmand vm7, vm6;
	vm13 =	vlt.s32 v3, v1;
	v3 =	vld [tilespmem:$0x2D0]  }
0xc4: {  	v6 =	vsel vm0, $0x1, v0;
	vm0 =	vmand vm9, vm8;
	vm8 =	veq.s32 v5, $0x1;
	v5 =	vld [tilespmem:$0x1FE60];
	_ =	sdelay $0x2  }
0xc5: {  	vm5 =	vlt.s32 v4, v1;
	v4 =	vld [tilespmem:$0x2F0]  }
0xc6: {  	vm6 =	veq.s32 v3, $0x1;
	v3 =	vld [tilespmem:$0x1FE50]  }
0xc7: {  	vm9 =	vlt.s32 v5, v1;
	v5 =	vld [tilespmem:$0x310];
	_ =	sdelay $0x1  }
0xc8: {  	v2 =	vadd.s32 v6, v2;
	v6 =	vsel vm0, $0x1, v0;
	vm0 =	vmand vm11, vm10  }
0xc9: {  	v2 =	vadd.s32 v6, v2;
	v6 =	vsel vm0, $0x1, v0;
	vm10 =	veq.s32 v4, $0x1;
	v4 =	vld [tilespmem:$0x1FE70]  }
0xca: {  	v2 =	vadd.s32 v6, v2;
	vm0 =	vmand vm13, vm12;
	vm7 =	vlt.s32 v3, v1;
	v3 =	vld [tilespmem:$0x300]  }
0xcb: {  	v6 =	vsel vm0, $0x1, v0;
	vm0 =	vmand vm15, vm14;
	vm14 =	veq.s32 v5, $0x1;
	v5 =	vld [tilespmem:$0x1FE90];
	_ =	sdelay $0x2  }
0xcc: {  	vm11 =	vlt.s32 v4, v1;
	v4 =	vld [tilespmem:$0x320]  }
0xcd: {  	vm12 =	veq.s32 v3, $0x1;
	v3 =	vld [tilespmem:$0x1FE80]  }
0xce: {  	vm15 =	vlt.s32 v5, v1;
	v5 =	vld [tilespmem:$0x340];
	_ =	sdelay $0x1  }
0xcf: {  	v2 =	vadd.s32 v6, v2;
	v6 =	vsel vm0, $0x1, v0;
	vm0 =	vmand vm5, vm4  }
0xd0: {  	v2 =	vadd.s32 v6, v2;
	v6 =	vsel vm0, $0x1, v0;
	vm4 =	veq.s32 v4, $0x1;
	v4 =	vld [tilespmem:$0x1FEA0]  }
0xd1: {  	v2 =	vadd.s32 v6, v2;
	vm0 =	vmand vm7, vm6;
	vm13 =	vlt.s32 v3, v1;
	v3 =	vld [tilespmem:$0x330]  }
0xd2: {  	v6 =	vsel vm0, $0x1, v0;
	vm0 =	vmand vm9, vm8;
	vm8 =	veq.s32 v5, $0x1;
	v5 =	vld [tilespmem:$0x1FEC0];
	_ =	sdelay $0x2  }
0xd3: {  	vm5 =	vlt.s32 v4, v1;
	v4 =	vld [tilespmem:$0x350]  }
0xd4: {  	vm6 =	veq.s32 v3, $0x1;
	v3 =	vld [tilespmem:$0x1FEB0]  }
0xd5: {  	vm9 =	vlt.s32 v5, v1;
	v5 =	vld [tilespmem:$0x370];
	_ =	sdelay $0x1  }
0xd6: {  	v2 =	vadd.s32 v6, v2;
	v6 =	vsel vm0, $0x1, v0;
	vm0 =	vmand vm11, vm10  }
0xd7: {  	v2 =	vadd.s32 v6, v2;
	v6 =	vsel vm0, $0x1, v0;
	vm10 =	veq.s32 v4, $0x1;
	v4 =	vld [tilespmem:$0x1FED0]  }
0xd8: {  	v2 =	vadd.s32 v6, v2;
	vm0 =	vmand vm13, vm12;
	vm7 =	vlt.s32 v3, v1;
	v3 =	vld [tilespmem:$0x360]  }
0xd9: {  	v6 =	vsel vm0, $0x1, v0;
	vm0 =	vmand vm15, vm14;
	vm14 =	veq.s32 v5, $0x1;
	v5 =	vld [tilespmem:$0x1FEF0];
	_ =	sdelay $0x2  }
0xda: {  	vm11 =	vlt.s32 v4, v1;
	v4 =	vld [tilespmem:$0x380]  }
0xdb: {  	vm12 =	veq.s32 v3, $0x1;
	v3 =	vld [tilespmem:$0x1FEE0]  }
0xdc: {  	vm15 =	vlt.s32 v5, v1;
	v5 =	vld [tilespmem:$0x3A0];
	_ =	sdelay $0x1  }
0xdd: {  	v2 =	vadd.s32 v6, v2;
	v6 =	vsel vm0, $0x1, v0;
	vm0 =	vmand vm5, vm4  }
0xde: {  	v2 =	vadd.s32 v6, v2;
	v6 =	vsel vm0, $0x1, v0;
	vm4 =	veq.s32 v4, $0x1;
	v4 =	vld [tilespmem:$0x1FF00]  }
0xdf: {  	v2 =	vadd.s32 v6, v2;
	vm0 =	vmand vm7, vm6;
	vm13 =	vlt.s32 v3, v1;
	v3 =	vld [tilespmem:$0x390]  }
0xe0: {  	v6 =	vsel vm0, $0x1, v0;
	vm0 =	vmand vm9, vm8;
	vm8 =	veq.s32 v5, $0x1;
	v5 =	vld [tilespmem:$0x1FF20];
	_ =	sdelay $0x2  }
0xe1: {  	vm5 =	vlt.s32 v4, v1;
	v4 =	vld [tilespmem:$0x3B0]  }
0xe2: {  	vm6 =	veq.s32 v3, $0x1;
	v3 =	vld [tilespmem:$0x1FF10]  }
0xe3: {  	vm9 =	vlt.s32 v5, v1;
	v5 =	vld [tilespmem:$0x3D0];
	_ =	sdelay $0x1  }
0xe4: {  	v2 =	vadd.s32 v6, v2;
	v6 =	vsel vm0, $0x1, v0;
	vm0 =	vmand vm11, vm10  }
0xe5: {  	v2 =	vadd.s32 v6, v2;
	v6 =	vsel vm0, $0x1, v0;
	vm10 =	veq.s32 v4, $0x1;
	v4 =	vld [tilespmem:$0x1FF30]  }
0xe6: {  	v2 =	vadd.s32 v6, v2;
	vm0 =	vmand vm13, vm12;
	vm7 =	vlt.s32 v3, v1;
	v3 =	vld [tilespmem:$0x3C0]  }
0xe7: {  	v6 =	vsel vm0, $0x1, v0;
	vm0 =	vmand vm15, vm14;
	vm14 =	veq.s32 v5, $0x1;
	v5 =	vld [tilespmem:$0x1FF50];
	_ =	sdelay $0x2  }
0xe8: {  	vm11 =	vlt.s32 v4, v1;
	v4 =	vld [tilespmem:$0x3E0]  }
0xe9: {  	vm12 =	veq.s32 v3, $0x1;
	v3 =	vld [tilespmem:$0x1FF40]  }
0xea: {  	vm15 =	vlt.s32 v5, v1;
	v5 =	vld [tilespmem:$0x400];
	_ =	sdelay $0x1  }
0xeb: {  	v2 =	vadd.s32 v6, v2;
	v6 =	vsel vm0, $0x1, v0;
	vm0 =	vmand vm5, vm4  }
0xec: {  	v2 =	vadd.s32 v6, v2;
	v6 =	vsel vm0, $0x1, v0;
	vm4 =	veq.s32 v4, $0x1;
	v4 =	vld [tilespmem:$0x1FF60]  }
0xed: {  	v2 =	vadd.s32 v6, v2;
	vm0 =	vmand vm7, vm6;
	vm13 =	vlt.s32 v3, v1;
	v3 =	vld [tilespmem:$0x3F0]  }
0xee: {  	v6 =	vsel vm0, $0x1, v0;
	vm0 =	vmand vm9, vm8;
	vm8 =	veq.s32 v5, $0x1;
	v5 =	vld [tilespmem:$0x1FF80];
	_ =	sdelay $0x2  }
0xef: {  	vm5 =	vlt.s32 v4, v1;
	v4 =	vld [tilespmem:$0x410]  }
0xf0: {  	vm6 =	veq.s32 v3, $0x1;
	v3 =	vld [tilespmem:$0x1FF70]  }
0xf1: {  	vm9 =	vlt.s32 v5, v1;
	v5 =	vld [tilespmem:$0x430];
	_ =	sdelay $0x1  }
0xf2: {  	v2 =	vadd.s32 v6, v2;
	v6 =	vsel vm0, $0x1, v0;
	vm0 =	vmand vm11, vm10  }
0xf3: {  	v2 =	vadd.s32 v6, v2;
	v6 =	vsel vm0, $0x1, v0;
	vm10 =	veq.s32 v4, $0x1;
	v4 =	vld [tilespmem:$0x1FF90]  }
0xf4: {  	v2 =	vadd.s32 v6, v2;
	vm0 =	vmand vm13, vm12;
	vm7 =	vlt.s32 v3, v1;
	v3 =	vld [tilespmem:$0x420]  }
0xf5: {  	v6 =	vsel vm0, $0x1, v0;
	vm0 =	vmand vm15, vm14;
	vm14 =	veq.s32 v5, $0x1;
	v5 =	vld [tilespmem:$0x1FFB0];
	_ =	sdelay $0x2  }
0xf6: {  	vm11 =	vlt.s32 v4, v1;
	v4 =	vld [tilespmem:$0x440]  }
0xf7: {  	vm12 =	veq.s32 v3, $0x1;
	v3 =	vld [tilespmem:$0x1FFA0]  }
0xf8: {  	vm15 =	vlt.s32 v5, v1;
	v5 =	vld [tilespmem:$0x460];
	_ =	sdelay $0x1  }
0xf9: {  	v2 =	vadd.s32 v6, v2;
	v6 =	vsel vm0, $0x1, v0;
	vm0 =	vmand vm5, vm4  }
0xfa: {  	v2 =	vadd.s32 v6, v2;
	v6 =	vsel vm0, $0x1, v0;
	vm4 =	veq.s32 v4, $0x1;
	v4 =	vld [tilespmem:$0x1FFC0]  }
0xfb: {  	v2 =	vadd.s32 v6, v2;
	vm0 =	vmand vm7, vm6;
	vm13 =	vlt.s32 v3, v1;
	v3 =	vld [tilespmem:$0x450]  }
0xfc: {  	v6 =	vsel vm0, $0x1, v0;
	vm0 =	vmand vm9, vm8;
	vm8 =	veq.s32 v5, $0x1;
	v5 =	vld [tilespmem:$0x1FFE0];
	_ =	sdelay $0x2  }
0xfd: {  	vm5 =	vlt.s32 v4, v1;
	v4 =	vld [tilespmem:$0x470]  }
0xfe: {  	v2 =	vadd.s32 v6, v2;
	vm6 =	veq.s32 v3, $0x1;
	v3 =	vld [tilespmem:$0x1FFD0]  }
0xff: {  	v6 =	vsel vm0, $0x1, v0;
	vm0 =	vmand vm11, vm10;
	vm9 =	vlt.s32 v5, v1;
	v5 =	vld [tilespmem:$0x490]  }
0x100: {  	v2 =	vadd.s32 v6, v2;
	v6 =	vsel vm0, $0x1, v0  }
0x101: {  	v2 =	vadd.s32 v6, v2;
	vm0 =	vmand vm13, vm12  }
0x102: {  	vm13 =	vlt.s32 v7, v1;
	v6 =	vsel vm0, $0x1, v0;
	vm10 =	veq.s32 v4, $0x1;
	v4 =	vld [tilespmem:$0x1FFF0]  }
0x103: {  	vm0 =	vmand vm15, vm14;
	v2 =	vadd.s32 v6, v2;
	vm7 =	vlt.s32 v3, v1;
	v3 =	vld [tilespmem:$0x480]  }
0x104: {  	v6 =	vsel vm0, $0x1, v0;
	vm0 =	vmand vm5, vm4;
	vm14 =	veq.s32 v5, $0x1;
	v5 =	vld [tilespmem:$0x4C0]  }
0x105: {  	vm15 =	vlt.s32 v8, v1;
	v2 =	vadd.s32 v6, v2;
	v6 =	vsel vm0, $0x1, v0  }
0x106: {  	vm5 =	vlt.s32 v9, v1;
	v2 =	vadd.s32 v6, v2;
	vm0 =	vmand vm7, vm6  }
0x107: {  	vm7 =	vlt.s32 v10, v1;
	v6 =	vsel vm0, $0x1, v0;
	vm11 =	vlt.s32 v4, v1;
	v4 =	vld [tilespmem:$0x4A0]  }
0x108: {  	vm0 =	vmand vm9, vm8;
	vm9 =	vlt.s32 v11, v1;
	vm12 =	veq.s32 v3, $0x1;
	v3 =	vld [tilespmem:$0x4B0]  }
0x109: {  	v2 =	vadd.s32 v6, v2;
	v6 =	vsel vm0, $0x1, v0;
	vm8 =	veq.s32 v5, $0x1;
	v5 =	vld [tilespmem:$0x4F0]  }
0x10a: {  	v2 =	vadd.s32 v6, v2;
	vm0 =	vmand vm11, vm10;
	vm11 =	vlt.s32 v12, v1  }
0x10b: {  	v6 =	vsel vm0, $0x1, v0;
	vm0 =	vmand vm13, vm12;
	vm13 =	vlt.s32 v13, v1  }
0x10c: {  	v2 =	vadd.s32 v6, v2;
	v6 =	vsel vm0, $0x1, v0;
	vm4 =	veq.s32 v4, $0x1;
	v4 =	vld [tilespmem:$0x4D0]  }
0x10d: {  	vm0 =	vmand vm15, vm14;
	vm15 =	vlt.s32 v14, v1;
	vm6 =	veq.s32 v3, $0x1;
	v3 =	vld [tilespmem:$0x4E0]  }
0x10e: {  	v2 =	vadd.s32 v6, v2;
	v6 =	vsel vm0, $0x1, v0;
	vm14 =	veq.s32 v5, $0x1;
	v5 =	vld [tilespmem:$0x520]  }
0x10f: {  	v2 =	vadd.s32 v6, v2;
	vm0 =	vmand vm5, vm4;
	vm5 =	vlt.s32 v15, v1  }
0x110: {  	v6 =	vsel vm0, $0x1, v0;
	vm0 =	vmand vm7, vm6;
	vm7 =	vlt.s32 v16, v1  }
0x111: {  	v2 =	vadd.s32 v6, v2;
	v6 =	vsel vm0, $0x1, v0;
	vm10 =	veq.s32 v4, $0x1;
	v4 =	vld [tilespmem:$0x500]  }
0x112: {  	vm0 =	vmand vm9, vm8;
	vm9 =	vlt.s32 v17, v1;
	vm12 =	veq.s32 v3, $0x1;
	v3 =	vld [tilespmem:$0x510]  }
0x113: {  	v2 =	vadd.s32 v6, v2;
	v6 =	vsel vm0, $0x1, v0;
	vm8 =	veq.s32 v5, $0x1;
	v5 =	vld [tilespmem:$0x550]  }
0x114: {  	v2 =	vadd.s32 v6, v2;
	vm0 =	vmand vm11, vm10;
	vm11 =	vlt.s32 v18, v1  }
0x115: {  	v6 =	vsel vm0, $0x1, v0;
	vm0 =	vmand vm13, vm12;
	vm13 =	vlt.s32 v19, v1  }
0x116: {  	v2 =	vadd.s32 v6, v2;
	v6 =	vsel vm0, $0x1, v0;
	vm4 =	veq.s32 v4, $0x1;
	v4 =	vld [tilespmem:$0x530]  }
0x117: {  	vm0 =	vmand vm15, vm14;
	vm15 =	vlt.s32 v20, v1;
	vm6 =	veq.s32 v3, $0x1;
	v3 =	vld [tilespmem:$0x540]  }
0x118: {  	v2 =	vadd.s32 v6, v2;
	v6 =	vsel vm0, $0x1, v0;
	vm14 =	veq.s32 v5, $0x1;
	v5 =	vld [tilespmem:$0x580]  }
0x119: {  	v2 =	vadd.s32 v6, v2;
	vm0 =	vmand vm5, vm4;
	vm5 =	vlt.s32 v21, v1  }
0x11a: {  	v6 =	vsel vm0, $0x1, v0;
	vm0 =	vmand vm7, vm6;
	vm7 =	vlt.s32 v22, v1  }
0x11b: {  	v2 =	vadd.s32 v6, v2;
	v6 =	vsel vm0, $0x1, v0;
	vm10 =	veq.s32 v4, $0x1;
	v4 =	vld [tilespmem:$0x560]  }
0x11c: {  	vm0 =	vmand vm9, vm8;
	vm9 =	vlt.s32 v23, v1;
	vm12 =	veq.s32 v3, $0x1;
	v3 =	vld [tilespmem:$0x570]  }
0x11d: {  	v2 =	vadd.s32 v6, v2;
	v6 =	vsel vm0, $0x1, v0;
	vm8 =	veq.s32 v5, $0x1;
	v5 =	vld [tilespmem:$0x5B0]  }
0x11e: {  	v2 =	vadd.s32 v6, v2;
	vm0 =	vmand vm11, vm10;
	vm11 =	vlt.s32 v24, v1  }
0x11f: {  	v6 =	vsel vm0, $0x1, v0;
	vm0 =	vmand vm13, vm12;
	vm13 =	vlt.s32 v25, v1  }
0x120: {  	v2 =	vadd.s32 v6, v2;
	v6 =	vsel vm0, $0x1, v0;
	vm4 =	veq.s32 v4, $0x1;
	v4 =	vld [tilespmem:$0x590]  }
0x121: {  	vm0 =	vmand vm15, vm14;
	vm15 =	vlt.s32 v26, v1;
	vm6 =	veq.s32 v3, $0x1;
	v3 =	vld [tilespmem:$0x5A0]  }
0x122: {  	v2 =	vadd.s32 v6, v2;
	v6 =	vsel vm0, $0x1, v0;
	vm14 =	veq.s32 v5, $0x1;
	v5 =	vld [tilespmem:$0x5E0]  }
0x123: {  	v2 =	vadd.s32 v6, v2;
	vm0 =	vmand vm5, vm4;
	vm5 =	vlt.s32 v27, v1  }
0x124: {  	v6 =	vsel vm0, $0x1, v0;
	vm0 =	vmand vm7, vm6;
	vm7 =	vlt.s32 v28, v1  }
0x125: {  	v2 =	vadd.s32 v6, v2;
	v6 =	vsel vm0, $0x1, v0;
	vm10 =	veq.s32 v4, $0x1;
	v4 =	vld [tilespmem:$0x5C0]  }
0x126: {  	vm0 =	vmand vm9, vm8;
	vm9 =	vlt.s32 v29, v1;
	vm12 =	veq.s32 v3, $0x1;
	v3 =	vld [tilespmem:$0x5D0]  }
0x127: {  	v2 =	vadd.s32 v6, v2;
	v6 =	vsel vm0, $0x1, v0;
	vm8 =	veq.s32 v5, $0x1;
	v5 =	vld [tilespmem:$0x610]  }
0x128: {  	v2 =	vadd.s32 v6, v2;
	vm0 =	vmand vm11, vm10;
	vm11 =	vlt.s32 v30, v1  }
0x129: {  	v6 =	vsel vm0, $0x1, v0;
	vm0 =	vmand vm13, vm12;
	vm13 =	vlt.s32 v31, v1  }
0x12a: {  	v2 =	vadd.s32 v6, v2;
	v6 =	vsel vm0, $0x1, v0;
	vm4 =	veq.s32 v4, $0x1;
	v4 =	vld [tilespmem:$0x5F0]  }
0x12b: {  	vm0 =	vmand vm15, vm14;
	vm15 =	vlt.s32 v32, v1;
	vm6 =	veq.s32 v3, $0x1;
	v3 =	vld [tilespmem:$0x600]  }
0x12c: {  	v2 =	vadd.s32 v6, v2;
	v6 =	vsel vm0, $0x1, v0;
	vm14 =	veq.s32 v5, $0x1;
	v5 =	vld [tilespmem:$0x640]  }
0x12d: {  	v2 =	vadd.s32 v6, v2;
	vm0 =	vmand vm5, vm4;
	vm5 =	vlt.s32 v33, v1  }
0x12e: {  	v6 =	vsel vm0, $0x1, v0;
	vm0 =	vmand vm7, vm6;
	vm7 =	vlt.s32 v34, v1  }
0x12f: {  	v2 =	vadd.s32 v6, v2;
	v6 =	vsel vm0, $0x1, v0;
	vm10 =	veq.s32 v4, $0x1;
	v4 =	vld [tilespmem:$0x620]  }
0x130: {  	vm0 =	vmand vm9, vm8;
	vm9 =	vlt.s32 v35, v1;
	vm12 =	veq.s32 v3, $0x1;
	v3 =	vld [tilespmem:$0x630]  }
0x131: {  	v2 =	vadd.s32 v6, v2;
	v6 =	vsel vm0, $0x1, v0;
	vm8 =	veq.s32 v5, $0x1;
	v5 =	vld [tilespmem:$0x670]  }
0x132: {  	v2 =	vadd.s32 v6, v2;
	vm0 =	vmand vm11, vm10;
	vm11 =	vlt.s32 v36, v1  }
0x133: {  	v6 =	vsel vm0, $0x1, v0;
	vm0 =	vmand vm13, vm12;
	vm13 =	vlt.s32 v37, v1  }
0x134: {  	v2 =	vadd.s32 v6, v2;
	v6 =	vsel vm0, $0x1, v0;
	vm4 =	veq.s32 v4, $0x1;
	v4 =	vld [tilespmem:$0x650]  }
0x135: {  	vm0 =	vmand vm15, vm14;
	vm15 =	vlt.s32 v38, v1;
	vm6 =	veq.s32 v3, $0x1;
	v3 =	vld [tilespmem:$0x660]  }
0x136: {  	v2 =	vadd.s32 v6, v2;
	v6 =	vsel vm0, $0x1, v0;
	vm14 =	veq.s32 v5, $0x1;
	v5 =	vld [tilespmem:$0x6A0]  }
0x137: {  	v2 =	vadd.s32 v6, v2;
	vm0 =	vmand vm5, vm4;
	vm5 =	vlt.s32 v39, v1  }
0x138: {  	v6 =	vsel vm0, $0x1, v0;
	vm0 =	vmand vm7, vm6;
	vm7 =	vlt.s32 v40, v1  }
0x139: {  	v2 =	vadd.s32 v6, v2;
	v6 =	vsel vm0, $0x1, v0;
	vm10 =	veq.s32 v4, $0x1;
	v4 =	vld [tilespmem:$0x680]  }
0x13a: {  	vm0 =	vmand vm9, vm8;
	vm9 =	vlt.s32 v41, v1;
	vm12 =	veq.s32 v3, $0x1;
	v3 =	vld [tilespmem:$0x690]  }
0x13b: {  	v2 =	vadd.s32 v6, v2;
	v6 =	vsel vm0, $0x1, v0;
	vm8 =	veq.s32 v5, $0x1;
	v5 =	vld [tilespmem:$0x6D0]  }
0x13c: {  	v2 =	vadd.s32 v6, v2;
	vm0 =	vmand vm11, vm10;
	vm11 =	vlt.s32 v42, v1  }
0x13d: {  	v6 =	vsel vm0, $0x1, v0;
	vm0 =	vmand vm13, vm12;
	vm13 =	vlt.s32 v43, v1  }
0x13e: {  	v2 =	vadd.s32 v6, v2;
	v6 =	vsel vm0, $0x1, v0;
	vm4 =	veq.s32 v4, $0x1;
	v4 =	vld [tilespmem:$0x6B0]  }
0x13f: {  	vm0 =	vmand vm15, vm14;
	vm15 =	vlt.s32 v44, v1;
	vm6 =	veq.s32 v3, $0x1;
	v3 =	vld [tilespmem:$0x6C0]  }
0x140: {  	v2 =	vadd.s32 v6, v2;
	v6 =	vsel vm0, $0x1, v0;
	vm14 =	veq.s32 v5, $0x1;
	v5 =	vld [tilespmem:$0x700]  }
0x141: {  	v2 =	vadd.s32 v6, v2;
	vm0 =	vmand vm5, vm4;
	vm5 =	vlt.s32 v45, v1  }
0x142: {  	v6 =	vsel vm0, $0x1, v0;
	vm0 =	vmand vm7, vm6;
	vm7 =	vlt.s32 v46, v1  }
0x143: {  	v2 =	vadd.s32 v6, v2;
	v6 =	vsel vm0, $0x1, v0;
	vm10 =	veq.s32 v4, $0x1;
	v4 =	vld [tilespmem:$0x6E0]  }
0x144: {  	vm0 =	vmand vm9, vm8;
	vm9 =	vlt.s32 v47, v1;
	vm12 =	veq.s32 v3, $0x1;
	v3 =	vld [tilespmem:$0x6F0]  }
0x145: {  	v2 =	vadd.s32 v6, v2;
	v6 =	vsel vm0, $0x1, v0;
	vm8 =	veq.s32 v5, $0x1;
	v5 =	vld [tilespmem:$0x730]  }
0x146: {  	v2 =	vadd.s32 v6, v2;
	vm0 =	vmand vm11, vm10;
	vm11 =	vlt.s32 v48, v1  }
0x147: {  	v6 =	vsel vm0, $0x1, v0;
	vm0 =	vmand vm13, vm12;
	vm13 =	vlt.s32 v49, v1  }
0x148: {  	v2 =	vadd.s32 v6, v2;
	v6 =	vsel vm0, $0x1, v0;
	vm4 =	veq.s32 v4, $0x1;
	v4 =	vld [tilespmem:$0x710]  }
0x149: {  	vm0 =	vmand vm15, vm14;
	vm15 =	vlt.s32 v50, v1;
	vm6 =	veq.s32 v3, $0x1;
	v3 =	vld [tilespmem:$0x720]  }
0x14a: {  	v2 =	vadd.s32 v6, v2;
	v6 =	vsel vm0, $0x1, v0;
	vm14 =	veq.s32 v5, $0x1;
	v5 =	vld [tilespmem:$0x760]  }
0x14b: {  	v2 =	vadd.s32 v6, v2;
	vm0 =	vmand vm5, vm4;
	vm5 =	vlt.s32 v51, v1  }
0x14c: {  	v6 =	vsel vm0, $0x1, v0;
	vm0 =	vmand vm7, vm6;
	vm7 =	vlt.s32 v52, v1  }
0x14d: {  	v2 =	vadd.s32 v6, v2;
	v6 =	vsel vm0, $0x1, v0;
	vm10 =	veq.s32 v4, $0x1;
	v4 =	vld [tilespmem:$0x740]  }
0x14e: {  	vm0 =	vmand vm9, vm8;
	vm9 =	vlt.s32 v53, v1;
	vm12 =	veq.s32 v3, $0x1;
	v3 =	vld [tilespmem:$0x750]  }
0x14f: {  	v2 =	vadd.s32 v6, v2;
	v6 =	vsel vm0, $0x1, v0;
	vm8 =	veq.s32 v5, $0x1;
	v5 =	vld [tilespmem:$0x790]  }
0x150: {  	v2 =	vadd.s32 v6, v2;
	vm0 =	vmand vm11, vm10;
	vm11 =	vlt.s32 v54, v1  }
0x151: {  	v6 =	vsel vm0, $0x1, v0;
	vm0 =	vmand vm13, vm12;
	vm13 =	vlt.s32 v55, v1  }
0x152: {  	v2 =	vadd.s32 v6, v2;
	v6 =	vsel vm0, $0x1, v0;
	vm4 =	veq.s32 v4, $0x1;
	v4 =	vld [tilespmem:$0x770]  }
0x153: {  	vm0 =	vmand vm15, vm14;
	vm15 =	vlt.s32 v56, v1;
	vm6 =	veq.s32 v3, $0x1;
	v3 =	vld [tilespmem:$0x780]  }
0x154: {  	v2 =	vadd.s32 v6, v2;
	v6 =	vsel vm0, $0x1, v0;
	vm14 =	veq.s32 v5, $0x1;
	v5 =	vld [tilespmem:$0x7C0]  }
0x155: {  	v2 =	vadd.s32 v6, v2;
	vm0 =	vmand vm5, vm4;
	vm5 =	vlt.s32 v57, v1  }
0x156: {  	v6 =	vsel vm0, $0x1, v0;
	vm0 =	vmand vm7, vm6;
	vm7 =	vlt.s32 v59, v1  }
0x157: {  	v2 =	vadd.s32 v6, v2;
	v6 =	vsel vm0, $0x1, v0;
	vm10 =	veq.s32 v4, $0x1;
	v4 =	vld [tilespmem:$0x7A0]  }
0x158: {  	vm0 =	vmand vm9, vm8;
	vm9 =	vlt.s32 v60, v1;
	vm12 =	veq.s32 v3, $0x1;
	v3 =	vld [tilespmem:$0x7B0]  }
0x159: {  	v2 =	vadd.s32 v6, v2;
	v6 =	vsel vm0, $0x1, v0;
	vm8 =	veq.s32 v5, $0x1  }
0x15a: {  	v2 =	vadd.s32 v6, v2;
	vm0 =	vmand vm11, vm10;
	vm1 =	vmand vm9, vm8  }
0x15b: {  	v5 =	vld [tilespmem:$0x7F0];
	v6 =	vsel vm0, $0x1, v0;
	vm0 =	vmand vm13, vm12;
	vm12 =	vlt.s32 v61, v1  }
0x15c: {  	vm13 =	vlt.s32 v62, v1;
	v2 =	vadd.s32 v6, v2;
	vm4 =	veq.s32 v4, $0x1;
	v4 =	vld [tilespmem:$0x7D0]  }
0x15d: {  	v6 =	vsel vm0, $0x1, v0;
	vm0 =	vmand vm15, vm14;
	vm6 =	veq.s32 v3, $0x1;
	v3 =	vld [tilespmem:$0x7E0]  }
0x15e: {  	v2 =	vadd.s32 v6, v2;
	v6 =	vsel vm0, $0x1, v0;
	vm0 =	vmand vm5, vm4  }
0x15f: {  	v2 =	vadd.s32 v6, v2;
	v6 =	vsel vm0, $0x1, v0;
	vm0 =	vmand vm7, vm6  }
0x160: {  	vm14 =	vlt.s32 v63, v1;
	v2 =	vadd.s32 v6, v2;
	v6 =	vsel vm0, $0x1, v0  }
0x161: {  	vm3 =	veq.s32 v5, $0x1;
	v2 =	vadd.s32 v6, v2;
	vm10 =	veq.s32 v4, $0x1  }
0x162: {  	v6 =	vsel vm1, $0x1, v0;
	vm11 =	veq.s32 v3, $0x1;
	vm0 =	vmand vm12, vm10  }
0x163: {  	v2 =	vadd.s32 v6, v2;
	vm1 =	vmand vm13, vm11;
	v1 =	vsel vm0, $0x1, v0  }
0x164: {  	vm15 =	vmand vm14, vm3;
	v1 =	vadd.s32 v1, v2;
	v2 =	vsel vm1, $0x1, v0  }
0x165: {  	v1 =	vadd.s32 v2, v1;
	v2 =	vsel vm15, $0x1, v0  }
0x166: {  	p0 =	sne.s32 s6, $0x1;
	v1 =	vadd.s32 v2, v1  }
.Ltmp0:
0x167: {  	[tilespmem:$0x880] =	vst v1;
	(pc) =	sbr.rel @p0 .LBB2_1-.Ltmp0, $4  }
0x168: {  	[hbm4b:s5+s2] =	stream.linear.scatter [tilespmem:s9], [sflag:$0x1], $0x80, $0x38;
	[tilespmem:$0x900] =	vst v63  }
0x169: {  	_ =	swait.ge [sflag:s7], $0x80  }
0x16a: {  	[sflag:s7] =	ssyncset.done $0x0  }
0x16b: {  	s6 =	sadd.s32 $0xFFFFFFFF, s6;
	[sflag:s7] =	ssyncadd.s32 $0xFFFFFF80  }
0x16c: {  	_ =	sfence.sel $0x180000  }
0x16d: {  	[bflag:$0x0] =	sbarrier.arrive $0xFFFF  }
0x16e: {  	p0 =	sne.s32 s1, $0x0;
	_ =	strace $0x90000047  }
0x16f: {  	s0 =	sadd.s32 @!p0 $0x100000, s0;
	[bflag:$0x2] =	sbarrier.arrive $0xFFFF  }
0x170: {  	[sflag:s0] =	ssyncadd.tile.s32 @!p0 $0x1;
	_ =	shalt  }
.Lfunc_end2:
_tile_overlayer_lowered:
.L_overlay_start_2:
0x171: {  	(tag) =	ssettag $0x2  }
0x172: {  	s0 =	rddreg [dreg:$0x0];
	s2 =	stileid.u32  }
0x173: {  	s1 =	rddreg [dreg:$0x1];
	p0 =	sne.s32 s2, $0x0  }
0x174: {  	s3 =	rddreg [dreg:$0x2];
	[bflag:$0x3] =	sbarrier.arrive $0xFFFF;
	s2 =	simm.s32 @!p0 $0x1C01  }
0x175: {  	[timem:s3], [sflag:s2] =	dma.local @!p0 [hbm:s0], s1  }
0x176: {  	s0 =	simm.s32 @!p0 $0x1  }
0x177: {  	_ =	swait.ge @!p0 [sflag:s0], s1  }
0x178: {  	s1 =	ssub.s32 @!p0 $0x0, s1;
	[sflag:s0] =	ssyncset.done @!p0 $0x0  }
0x179: {  	[sflag:s0] =	ssyncadd.s32 @!p0 s1  }
0x17a: {  	[bflag:$0x3] =	sbarrier.arrive $0xFFFF  }
0x17b: {  	_ =	shalt  }

</sc_bundles>
